<compile_context>
chip_gen: v7x
topology: tpu7x:2x2x1
jax: 0.10.2.dev20260603
libtpu: 0.0.44.dev20260713+nightly
codegen_flags: <defaults>
</compile_context>

<pallas_src>
import functools

import jax
import jax.numpy as jnp
from jax import lax
from jax.experimental import pallas as pl
from jax.experimental.pallas import tpu as pltpu
from jax.experimental.pallas import tpu_sc as plsc

NUM_E = 1_000_000
D = 64
NC = 2
NS = 16
L = 16
NW = NC * NS
CHUNK = 320
NCHUNK = NUM_E // CHUNK
WIN = 16


def _scan_body(head_hbm, q_hbm, ent_hbm, vals_out, idx_out, rows_out,
               buf0, buf1, buf2, hbuf, qbuf, cv, ci, win, sem0, sem1, sem2):
    wid = lax.axis_index("s") * NC + lax.axis_index("c")
    nk = (NCHUNK - 1 - wid) // NW + 1

    pltpu.sync_copy(head_hbm, hbuf)
    pltpu.sync_copy(q_hbm, qbuf)

    h0 = hbuf[pl.ds(0, L)]
    h1 = hbuf[pl.ds(L, L)]
    h2 = hbuf[pl.ds(2 * L, L)]
    h3 = hbuf[pl.ds(3 * L, L)]
    q0 = qbuf[pl.ds(0, L)]
    q1 = qbuf[pl.ds(L, L)]
    q2 = qbuf[pl.ds(2 * L, L)]
    q3 = qbuf[pl.ds(3 * L, L)]
    wq0 = h0 * q0 - h2 * q2
    wq1 = h1 * q1 - h3 * q3
    wq2 = h2 * q0 + h0 * q2
    wq3 = h3 * q1 + h1 * q3

    lane = lax.broadcasted_iota(jnp.int32, (L,), 0)
    perms = [lane ^ k for k in (8, 4, 2, 1)]

    def hsum(v):
        for p in perms:
            v = v + v.at[p].get(mode="promise_in_bounds")
        return v[0]

    def row0_of(k):
        return (wid + k * NW) * CHUNK

    def start(buf, sem, k):
        pltpu.async_copy(ent_hbm.at[pl.ds(row0_of(k), CHUNK)], buf, sem)

    def wait(buf, sem, k):
        pltpu.make_async_copy(ent_hbm.at[pl.ds(row0_of(k), CHUNK)],
                              buf, sem).wait()

    def scan_chunk(buf, r0, carry):
        @plsc.parallel_loop(0, CHUNK, step=1, unroll=8, carry=carry)
        def row_body(r, c):
            bv, bi = c
            t0 = buf[r, pl.ds(0, L)] * wq0
            t1 = buf[r, pl.ds(L, L)] * wq1
            t2 = buf[r, pl.ds(2 * L, L)] * wq2
            t3 = buf[r, pl.ds(3 * L, L)] * wq3
            s = hsum((t0 + t1) + (t2 + t3))
            ridx = r0 + r
            better = (s > bv) | ((s == bv) & (ridx < bi))
            bv = jnp.where(better, s, bv)
            bi = jnp.where(better, ridx, bi)
            return bv, bi
        return row_body

    bufs = (buf0, buf1, buf2)
    sems = (sem0, sem1, sem2)

    for s in range(3):
        start(bufs[s], sems[s], s)

    def outer(i3, carry):
        k0 = 3 * i3
        for s in range(3):
            buf, sem = bufs[s], sems[s]

            def do_stage(c, k=k0 + s, buf=buf, sem=sem):
                wait(buf, sem, k)
                c = scan_chunk(buf, row0_of(k), c)

                @pl.when(k + 3 < nk)
                def _():
                    start(buf, sem, k + 3)

                return c

            carry = lax.cond(k0 + s < nk, do_stage, lambda c: c, carry)
        return carry

    n_outer = (nk + 2) // 3
    bv, bi = lax.fori_loop(0, n_outer, outer,
                           (jnp.float32(-jnp.inf), jnp.int32(0)))

    for i in range(8):
        cv[i] = jnp.full((L,), bv, jnp.float32)
        ci[i] = jnp.full((L,), bi, jnp.int32)
    pltpu.sync_copy(cv, vals_out.at[pl.ds(wid * 8, 8)])
    pltpu.sync_copy(ci, idx_out.at[pl.ds(wid * 8, 8)])
    wrow = pl.multiple_of((bi // WIN) * WIN, WIN)
    pltpu.sync_copy(ent_hbm.at[pl.ds(wrow, WIN)], win)
    pltpu.sync_copy(win, rows_out.at[pl.ds(wid * WIN, WIN)])


@functools.lru_cache(maxsize=None)
def _build_scan():
    mesh = plsc.VectorSubcoreMesh(core_axis_name="c", subcore_axis_name="s",
                                  num_cores=NC, num_subcores=NS)
    return pl.kernel(
        _scan_body,
        out_type=(
            jax.ShapeDtypeStruct((NW * 8, L), jnp.float32),
            jax.ShapeDtypeStruct((NW * 8, L), jnp.int32),
            jax.ShapeDtypeStruct((NW * WIN, D), jnp.float32),
        ),
        mesh=mesh,
        scratch_types=[
            pltpu.VMEM((CHUNK, D), jnp.float32),
            pltpu.VMEM((CHUNK, D), jnp.float32),
            pltpu.VMEM((CHUNK, D), jnp.float32),
            pltpu.VMEM((D,), jnp.float32),
            pltpu.VMEM((D,), jnp.float32),
            pltpu.VMEM((8, L), jnp.float32),
            pltpu.VMEM((8, L), jnp.int32),
            pltpu.VMEM((WIN, D), jnp.float32),
            pltpu.SemaphoreType.DMA,
            pltpu.SemaphoreType.DMA,
            pltpu.SemaphoreType.DMA,
        ],
    )


def _merge_body(vals_ref, idx_ref, rows_ref, out_ref):
    vals = vals_ref[...]
    idx = idx_ref[...]
    m = jnp.max(vals)
    big = jnp.int32(jnp.iinfo(jnp.int32).max)
    hit = vals >= m
    best = jnp.min(jnp.where(hit, idx, big))
    wids = jax.lax.broadcasted_iota(jnp.int32, (NW * 8, L), 0) // 8
    wstar = jnp.min(jnp.where(hit & (idx == best), wids, big))
    rows = rows_ref[...]
    gsel = wstar * WIN + best % WIN
    rsel = jax.lax.broadcasted_iota(jnp.int32, (NW * WIN, D), 0) == gsel
    out_ref[...] = jnp.sum(jnp.where(rsel, rows, 0.0), axis=0)


_merge = pl.pallas_call(
    _merge_body,
    out_shape=jax.ShapeDtypeStruct((D,), jnp.float32),
    in_specs=[
        pl.BlockSpec(memory_space=pltpu.VMEM),
        pl.BlockSpec(memory_space=pltpu.VMEM),
        pl.BlockSpec(memory_space=pltpu.VMEM),
    ],
)


def kernel(head_entity, question_embedding, entity_embeddings):
    vals, idx, rows = _build_scan()(head_entity, question_embedding,
                                    entity_embeddings)
    return _merge(vals, idx, rows)

# --- scband reference (transcript-rebuilt; emitter-appended) ---
"""Pipeline reference for scband-answer-filtering-module-57715770523975 (READ-ONLY COPY).

The authoritative reference and input builder live on the scoring server;
editing this copy changes nothing except your own understanding.
"""

import jax, jax.numpy as jnp
import numpy as np

NUM_ENTITIES = 1000000
EMBED_DIM = 64  # ComplEx: first half = real part, second half = imaginary part


def setup_inputs(seed: int = 0) -> dict:
    key = jax.random.key(seed)
    k1, k2, k3 = jax.random.split(key, 3)
    entity_embeddings = jax.random.normal(k1, (NUM_ENTITIES, EMBED_DIM), dtype=jnp.float32)
    head_entity = jax.random.normal(k2, (EMBED_DIM,), dtype=jnp.float32)
    question_embedding = jax.random.normal(k3, (EMBED_DIM,), dtype=jnp.float32)
    return {
        "head_entity": head_entity,
        "question_embedding": question_embedding,
        "entity_embeddings": entity_embeddings,
    }


def _complex_scores(head_entity, question_embedding, entity_embeddings):
    # ComplEx scoring: Re(<h, q, conj(t)>), vectorized over all candidate tail entities.
    d = head_entity.shape[-1] // 2
    h_re, h_im = head_entity[:d], head_entity[d:]
    q_re, q_im = question_embedding[:d], question_embedding[d:]
    t_re = entity_embeddings[:, :d]
    t_im = entity_embeddings[:, d:]
    # score_e = sum_j [ h_re q_re t_re + h_im q_re t_im + h_re q_im t_im - h_im q_im t_re ]
    a = h_re * q_re - h_im * q_im
    b = h_im * q_re + h_re * q_im
    scores = t_re @ a + t_im @ b  # [NUM_ENTITIES] -- full-table scan (memory bound)
    return scores


def reference(head_entity, question_embedding, entity_embeddings):
    scores = _complex_scores(head_entity, question_embedding, entity_embeddings)
    best_entity_idx = jnp.argmax(scores)
    best_entity_embedding = jnp.take(entity_embeddings, best_entity_idx, axis=0)
    return best_entity_embedding

if __name__ == "__main__":
    import jax
    _d = setup_inputs()
    print(jax.jit(kernel)(*tuple(_d.values())))

</pallas_src>

<mosaic_0001>
#map = affine_map<(d0, d1) -> (0)>
#map1 = affine_map<(d0, d1) -> (0, 0)>
module attributes {stable_mosaic.version = 14 : i64} {
  func.func @_scan_body(%arg0: i32, %arg1: i32, %arg2: memref<64xf32, #tpu.memory_space<hbm>>, %arg3: memref<64xf32, #tpu.memory_space<hbm>>, %arg4: memref<1000000x64xf32, #tpu.memory_space<hbm>>, %arg5: memref<256x16xf32, #tpu.memory_space<hbm>>, %arg6: memref<256x16xi32, #tpu.memory_space<hbm>>, %arg7: memref<512x64xf32, #tpu.memory_space<hbm>>, %arg8: memref<320x64xf32, #tpu.memory_space<vmem>>, %arg9: memref<320x64xf32, #tpu.memory_space<vmem>>, %arg10: memref<320x64xf32, #tpu.memory_space<vmem>>, %arg11: memref<64xf32, #tpu.memory_space<vmem>>, %arg12: memref<64xf32, #tpu.memory_space<vmem>>, %arg13: memref<8x16xf32, #tpu.memory_space<vmem>>, %arg14: memref<8x16xi32, #tpu.memory_space<vmem>>, %arg15: memref<16x64xf32, #tpu.memory_space<vmem>>, %arg16: memref<!tpu.dma_semaphore, #tpu.memory_space<semaphore_mem>>, %arg17: memref<!tpu.dma_semaphore, #tpu.memory_space<semaphore_mem>>, %arg18: memref<!tpu.dma_semaphore, #tpu.memory_space<semaphore_mem>>) attributes {dimension_semantics = [#tpu.dimension_semantics<core_parallel>, #tpu.dimension_semantics<subcore_parallel>], iteration_bounds = array<i64: 2, 16>, scalar_prefetch = 0 : i64, scratch_operands = 11 : i64, tpu.core_type = #tpu.core_type<sc_vector_subcore>, window_params = [{transform_indices = #map}, {transform_indices = #map}, {transform_indices = #map1}, {transform_indices = #map1}, {transform_indices = #map1}, {transform_indices = #map1}]} {
    %mul3A = arith.constant 2 : i32
    %mul3A_0 = arith.muli %arg1, %mul3A : i32
    %add3A = arith.addi %mul3A_0, %arg0 : i32
    %sub3A = arith.constant 3124 : i32
    %sub3A_1 = arith.subi %sub3A, %add3A : i32
    %jit3A = arith.constant 32 : i32
    %div3A = arith.divsi %sub3A_1, %jit3A : i32
    %sign3A = arith.constant 0 : i32
    %sign3A_2 = arith.cmpi sgt, %sub3A_1, %sign3A : i32
    %sign3A_3 = arith.extui %sign3A_2 : i1 to i32
    %sign3A_4 = arith.constant 0 : i32
    %sign3A_5 = arith.cmpi slt, %sub3A_1, %sign3A_4 : i32
    %sign3A_6 = arith.extui %sign3A_5 : i1 to i32
    %sign3A_7 = arith.subi %sign3A_3, %sign3A_6 : i32
    %sign3A_8 = arith.constant 0 : i32
    %sign3A_9 = arith.cmpi sgt, %jit3A, %sign3A_8 : i32
    %sign3A_10 = arith.extui %sign3A_9 : i1 to i32
    %sign3A_11 = arith.constant 0 : i32
    %sign3A_12 = arith.cmpi slt, %jit3A, %sign3A_11 : i32
    %sign3A_13 = arith.extui %sign3A_12 : i1 to i32
    %sign3A_14 = arith.subi %sign3A_10, %sign3A_13 : i32
    %ne3A = arith.cmpi ne, %sign3A_7, %sign3A_14 : i32
    %rem3A = arith.remsi %sub3A_1, %jit3A : i32
    %ne3A_15 = arith.constant 0 : i32
    %ne3A_16 = arith.cmpi ne, %rem3A, %ne3A_15 : i32
    %and3A = arith.andi %ne3A, %ne3A_16 : i1
    %sub3A_17 = arith.constant 1 : i32
    %sub3A_18 = arith.subi %div3A, %sub3A_17 : i32
    %select_n3A = arith.select %and3A, %sub3A_18, %div3A : i32
    %add3A_19 = arith.constant 1 : i32
    %add3A_20 = arith.addi %select_n3A, %add3A_19 : i32
    "tpu.region"() ({
      %run_scoped3A = tpu.sem_alloc : memref<!tpu.dma_semaphore, #tpu.memory_space<semaphore_mem>>
      tpu.enqueue_dma source(%arg2 : memref<64xf32, #tpu.memory_space<hbm>>) target(%arg11 : memref<64xf32, #tpu.memory_space<vmem>>) target_semaphore(%run_scoped3A : memref<!tpu.dma_semaphore, #tpu.memory_space<semaphore_mem>>)
      tpu.wait_dma2 semaphore(%run_scoped3A : memref<!tpu.dma_semaphore, #tpu.memory_space<semaphore_mem>>) src(%arg2 : memref<64xf32, #tpu.memory_space<hbm>>) dst(%arg11 : memref<64xf32, #tpu.memory_space<vmem>>)
      tpu.yield
    }) : () -> ()
    "tpu.region"() ({
      %run_scoped3A = tpu.sem_alloc : memref<!tpu.dma_semaphore, #tpu.memory_space<semaphore_mem>>
      tpu.enqueue_dma source(%arg3 : memref<64xf32, #tpu.memory_space<hbm>>) target(%arg12 : memref<64xf32, #tpu.memory_space<vmem>>) target_semaphore(%run_scoped3A : memref<!tpu.dma_semaphore, #tpu.memory_space<semaphore_mem>>)
      tpu.wait_dma2 semaphore(%run_scoped3A : memref<!tpu.dma_semaphore, #tpu.memory_space<semaphore_mem>>) src(%arg3 : memref<64xf32, #tpu.memory_space<hbm>>) dst(%arg12 : memref<64xf32, #tpu.memory_space<vmem>>)
      tpu.yield
    }) : () -> ()
    %get3A = arith.constant 0 : index
    %get3A_21 = tpu.vector_load %arg11[%get3A] {strides = array<i32>} : memref<64xf32, #tpu.memory_space<vmem>>, vector<16xf32>,
    %get3A_22 = vector.shape_cast %get3A_21 : vector<16xf32> to vector<16xf32>
    %get3A_23 = arith.constant 16 : index
    %get3A_24 = tpu.vector_load %arg11[%get3A_23] {strides = array<i32>} : memref<64xf32, #tpu.memory_space<vmem>>, vector<16xf32>,
    %get3A_25 = vector.shape_cast %get3A_24 : vector<16xf32> to vector<16xf32>
    %get3A_26 = arith.constant 32 : index
    %get3A_27 = tpu.vector_load %arg11[%get3A_26] {strides = array<i32>} : memref<64xf32, #tpu.memory_space<vmem>>, vector<16xf32>,
    %get3A_28 = vector.shape_cast %get3A_27 : vector<16xf32> to vector<16xf32>
    %get3A_29 = arith.constant 48 : index
    %get3A_30 = tpu.vector_load %arg11[%get3A_29] {strides = array<i32>} : memref<64xf32, #tpu.memory_space<vmem>>, vector<16xf32>,
    %get3A_31 = vector.shape_cast %get3A_30 : vector<16xf32> to vector<16xf32>
    %get3A_32 = arith.constant 0 : index
    %get3A_33 = tpu.vector_load %arg12[%get3A_32] {strides = array<i32>} : memref<64xf32, #tpu.memory_space<vmem>>, vector<16xf32>,
    %get3A_34 = vector.shape_cast %get3A_33 : vector<16xf32> to vector<16xf32>
    %get3A_35 = arith.constant 16 : index
    %get3A_36 = tpu.vector_load %arg12[%get3A_35] {strides = array<i32>} : memref<64xf32, #tpu.memory_space<vmem>>, vector<16xf32>,
    %get3A_37 = vector.shape_cast %get3A_36 : vector<16xf32> to vector<16xf32>
    %get3A_38 = arith.constant 32 : index
    %get3A_39 = tpu.vector_load %arg12[%get3A_38] {strides = array<i32>} : memref<64xf32, #tpu.memory_space<vmem>>, vector<16xf32>,
    %get3A_40 = vector.shape_cast %get3A_39 : vector<16xf32> to vector<16xf32>
    %get3A_41 = arith.constant 48 : index
    %get3A_42 = tpu.vector_load %arg12[%get3A_41] {strides = array<i32>} : memref<64xf32, #tpu.memory_space<vmem>>, vector<16xf32>,
    %get3A_43 = vector.shape_cast %get3A_42 : vector<16xf32> to vector<16xf32>
    %mul3A_44 = arith.mulf %get3A_22, %get3A_34 : vector<16xf32>
    %mul3A_45 = arith.mulf %get3A_28, %get3A_40 : vector<16xf32>
    %sub3A_46 = arith.subf %mul3A_44, %mul3A_45 : vector<16xf32>
    %mul3A_47 = arith.mulf %get3A_25, %get3A_37 : vector<16xf32>
    %mul3A_48 = arith.mulf %get3A_31, %get3A_43 : vector<16xf32>
    %sub3A_49 = arith.subf %mul3A_47, %mul3A_48 : vector<16xf32>
    %mul3A_50 = arith.mulf %get3A_28, %get3A_34 : vector<16xf32>
    %mul3A_51 = arith.mulf %get3A_22, %get3A_40 : vector<16xf32>
    %add3A_52 = arith.addf %mul3A_50, %mul3A_51 : vector<16xf32>
    %mul3A_53 = arith.mulf %get3A_31, %get3A_37 : vector<16xf32>
    %mul3A_54 = arith.mulf %get3A_25, %get3A_43 : vector<16xf32>
    %add3A_55 = arith.addf %mul3A_53, %mul3A_54 : vector<16xf32>
    %iota3A = tpu.iota {dimensions = array<i32: 0>} : vector<16xi32>
    %xor3A = arith.constant 8 : i32
    %xor3A_56 = vector.broadcast %xor3A : i32 to vector<16xi32>
    %xor3A_57 = arith.xori %iota3A, %xor3A_56 : vector<16xi32>
    %xor3A_58 = arith.constant 4 : i32
    %xor3A_59 = vector.broadcast %xor3A_58 : i32 to vector<16xi32>
    %xor3A_60 = arith.xori %iota3A, %xor3A_59 : vector<16xi32>
    %xor3A_61 = arith.constant 2 : i32
    %xor3A_62 = vector.broadcast %xor3A_61 : i32 to vector<16xi32>
    %xor3A_63 = arith.xori %iota3A, %xor3A_62 : vector<16xi32>
    %xor3A_64 = arith.constant 1 : i32
    %xor3A_65 = vector.broadcast %xor3A_64 : i32 to vector<16xi32>
    %xor3A_66 = arith.xori %iota3A, %xor3A_65 : vector<16xi32>
    %add3A_67 = arith.constant 0 : i32
    %add3A_68 = arith.addi %add3A, %add3A_67 : i32
    %mul3A_69 = arith.constant 320 : i32
    %mul3A_70 = arith.muli %add3A_68, %mul3A_69 : i32
    %dma_start3A = arith.constant 0 : i32
    %dma_start3A_71 = tpu.memref_slice %arg4[%mul3A_70, %dma_start3A] : memref<1000000x64xf32, #tpu.memory_space<hbm>> -> memref<320x64xf32, #tpu.memory_space<hbm>>
    %dma_start3A_72 = arith.constant 0 : i32
    %dma_start3A_73 = tpu.memref_slice %arg4[%mul3A_70, %dma_start3A_72] : memref<1000000x64xf32, #tpu.memory_space<hbm>> -> memref<320x64xf32, #tpu.memory_space<hbm>>
    tpu.enqueue_dma source(%dma_start3A_73 : memref<320x64xf32, #tpu.memory_space<hbm>>) target(%arg8 : memref<320x64xf32, #tpu.memory_space<vmem>>) target_semaphore(%arg16 : memref<!tpu.dma_semaphore, #tpu.memory_space<semaphore_mem>>)
    %add3A_74 = arith.constant 32 : i32
    %add3A_75 = arith.addi %add3A, %add3A_74 : i32
    %mul3A_76 = arith.constant 320 : i32
    %mul3A_77 = arith.muli %add3A_75, %mul3A_76 : i32
    %dma_start3A_78 = arith.constant 0 : i32
    %dma_start3A_79 = tpu.memref_slice %arg4[%mul3A_77, %dma_start3A_78] : memref<1000000x64xf32, #tpu.memory_space<hbm>> -> memref<320x64xf32, #tpu.memory_space<hbm>>
    %dma_start3A_80 = arith.constant 0 : i32
    %dma_start3A_81 = tpu.memref_slice %arg4[%mul3A_77, %dma_start3A_80] : memref<1000000x64xf32, #tpu.memory_space<hbm>> -> memref<320x64xf32, #tpu.memory_space<hbm>>
    tpu.enqueue_dma source(%dma_start3A_81 : memref<320x64xf32, #tpu.memory_space<hbm>>) target(%arg9 : memref<320x64xf32, #tpu.memory_space<vmem>>) target_semaphore(%arg17 : memref<!tpu.dma_semaphore, #tpu.memory_space<semaphore_mem>>)
    %add3A_82 = arith.constant 64 : i32
    %add3A_83 = arith.addi %add3A, %add3A_82 : i32
    %mul3A_84 = arith.constant 320 : i32
    %mul3A_85 = arith.muli %add3A_83, %mul3A_84 : i32
    %dma_start3A_86 = arith.constant 0 : i32
    %dma_start3A_87 = tpu.memref_slice %arg4[%mul3A_85, %dma_start3A_86] : memref<1000000x64xf32, #tpu.memory_space<hbm>> -> memref<320x64xf32, #tpu.memory_space<hbm>>
    %dma_start3A_88 = arith.constant 0 : i32
    %dma_start3A_89 = tpu.memref_slice %arg4[%mul3A_85, %dma_start3A_88] : memref<1000000x64xf32, #tpu.memory_space<hbm>> -> memref<320x64xf32, #tpu.memory_space<hbm>>
    tpu.enqueue_dma source(%dma_start3A_89 : memref<320x64xf32, #tpu.memory_space<hbm>>) target(%arg10 : memref<320x64xf32, #tpu.memory_space<vmem>>) target_semaphore(%arg18 : memref<!tpu.dma_semaphore, #tpu.memory_space<semaphore_mem>>)
    %add3A_90 = arith.constant 2 : i32
    %add3A_91 = arith.addi %add3A_20, %add3A_90 : i32
    %jit3A_92 = arith.constant 3 : i32
    %div3A_93 = arith.divsi %add3A_91, %jit3A_92 : i32
    %sign3A_94 = arith.constant 0 : i32
    %sign3A_95 = arith.cmpi sgt, %add3A_91, %sign3A_94 : i32
    %sign3A_96 = arith.extui %sign3A_95 : i1 to i32
    %sign3A_97 = arith.constant 0 : i32
    %sign3A_98 = arith.cmpi slt, %add3A_91, %sign3A_97 : i32
    %sign3A_99 = arith.extui %sign3A_98 : i1 to i32
    %sign3A_100 = arith.subi %sign3A_96, %sign3A_99 : i32
    %sign3A_101 = arith.constant 0 : i32
    %sign3A_102 = arith.cmpi sgt, %jit3A_92, %sign3A_101 : i32
    %sign3A_103 = arith.extui %sign3A_102 : i1 to i32
    %sign3A_104 = arith.constant 0 : i32
    %sign3A_105 = arith.cmpi slt, %jit3A_92, %sign3A_104 : i32
    %sign3A_106 = arith.extui %sign3A_105 : i1 to i32
    %sign3A_107 = arith.subi %sign3A_103, %sign3A_106 : i32
    %ne3A_108 = arith.cmpi ne, %sign3A_100, %sign3A_107 : i32
    %rem3A_109 = arith.remsi %add3A_91, %jit3A_92 : i32
    %ne3A_110 = arith.constant 0 : i32
    %ne3A_111 = arith.cmpi ne, %rem3A_109, %ne3A_110 : i32
    %and3A_112 = arith.andi %ne3A_108, %ne3A_111 : i1
    %sub3A_113 = arith.constant 1 : i32
    %sub3A_114 = arith.subi %div3A_93, %sub3A_113 : i32
    %select_n3A_115 = arith.select %and3A_112, %sub3A_114, %div3A_93 : i32
    %while3A = arith.constant 0 : i32
    %while3A_116 = arith.constant 0xFF800000 : f32
    %while3A_117 = arith.constant 0 : i32
    %while3A_118 = arith.subi %select_n3A_115, %while3A : i32
    %while3A_119 = arith.addi %while3A, %while3A_118 : i32
    %while3A_120 = arith.constant 1 : i32
    %while3A_121 = arith.divsi %while3A_118, %while3A_120 : i32
    %while3A_122 = arith.muli %while3A_121, %while3A_120 : i32
    %while3A_123 = arith.addi %while3A, %while3A_122 : i32
    %while3A_124 = arith.constant 1 : i32
    %while3A_125:2 = scf.for %while3A_270 = %while3A to %while3A_123 step %while3A_124 iter_args(%while3A_271 = %while3A_116, %while3A_272 = %while3A_117) -> (f32, i32)  : i32 {
      %mul3A_273 = arith.constant 3 : i32
      %mul3A_274 = arith.muli %mul3A_273, %while3A_270 : i32
      %add3A_275 = arith.constant 0 : i32
      %add3A_276 = arith.addi %mul3A_274, %add3A_275 : i32
      %add3A_277 = arith.constant 0 : i32
      %add3A_278 = arith.addi %mul3A_274, %add3A_277 : i32
      %lt3A = arith.cmpi slt, %add3A_278, %add3A_20 : i32
      %convert_element_type3A = arith.extui %lt3A : i1 to i32
      %cond3A = arith.constant 0 : i32
      %cond3A_279 = arith.cmpi ne, %convert_element_type3A, %cond3A : i32
      %cond3A_280:2 = scf.if %cond3A_279 -> (f32, i32) {
        %mul3A_299 = arith.constant 32 : i32
        %mul3A_300 = arith.muli %add3A_276, %mul3A_299 : i32
        %add3A_301 = arith.addi %add3A, %mul3A_300 : i32
        %mul3A_302 = arith.constant 320 : i32
        %mul3A_303 = arith.muli %add3A_301, %mul3A_302 : i32
        %dma_wait3A = arith.constant 0 : i32
        %dma_wait3A_304 = tpu.memref_slice %arg4[%mul3A_303, %dma_wait3A] : memref<1000000x64xf32, #tpu.memory_space<hbm>> -> memref<320x64xf32, #tpu.memory_space<hbm>>
        %dma_wait3A_305 = arith.constant 0 : i32
        %dma_wait3A_306 = tpu.memref_slice %arg4[%mul3A_303, %dma_wait3A_305] : memref<1000000x64xf32, #tpu.memory_space<hbm>> -> memref<320x64xf32, #tpu.memory_space<hbm>>
        tpu.wait_dma2 semaphore(%arg16 : memref<!tpu.dma_semaphore, #tpu.memory_space<semaphore_mem>>) src(%dma_wait3A_306 : memref<320x64xf32, #tpu.memory_space<hbm>>) dst(%arg8 : memref<320x64xf32, #tpu.memory_space<vmem>>)
        %mul3A_307 = arith.constant 32 : i32
        %mul3A_308 = arith.muli %add3A_276, %mul3A_307 : i32
        %add3A_309 = arith.addi %add3A, %mul3A_308 : i32
        %mul3A_310 = arith.constant 320 : i32
        %mul3A_311 = arith.muli %add3A_309, %mul3A_310 : i32
        %parallel_loop3A = arith.constant 0 : i32
        %parallel_loop3A_312 = arith.constant 320 : i32
        %parallel_loop3A_313 = arith.constant 1 : i32
        %parallel_loop3A_314:2 = scf.for %parallel_loop3A_321 = %parallel_loop3A to %parallel_loop3A_312 step %parallel_loop3A_313 iter_args(%parallel_loop3A_322 = %while3A_271, %parallel_loop3A_323 = %while3A_272) -> (f32, i32)  : i32 {
          %parallel_loop3A_324 = arith.index_cast %parallel_loop3A_321 : i32 to index
          %parallel_loop3A_325 = arith.constant 0 : index
          %parallel_loop3A_326 = tpu.vector_load %arg8[%parallel_loop3A_324, %parallel_loop3A_325] {strides = array<i32>} : memref<320x64xf32, #tpu.memory_space<vmem>>, vector<1x16xf32>,
          %parallel_loop3A_327 = vector.shape_cast %parallel_loop3A_326 : vector<1x16xf32> to vector<16xf32>
          %parallel_loop3A_328 = arith.mulf %parallel_loop3A_327, %sub3A_46 : vector<16xf32>
          %parallel_loop3A_329 = arith.index_cast %parallel_loop3A_321 : i32 to index
          %parallel_loop3A_330 = arith.constant 16 : index
          %parallel_loop3A_331 = tpu.vector_load %arg8[%parallel_loop3A_329, %parallel_loop3A_330] {strides = array<i32>} : memref<320x64xf32, #tpu.memory_space<vmem>>, vector<1x16xf32>,
          %parallel_loop3A_332 = vector.shape_cast %parallel_loop3A_331 : vector<1x16xf32> to vector<16xf32>
          %parallel_loop3A_333 = arith.mulf %parallel_loop3A_332, %sub3A_49 : vector<16xf32>
          %parallel_loop3A_334 = arith.index_cast %parallel_loop3A_321 : i32 to index
          %parallel_loop3A_335 = arith.constant 32 : index
          %parallel_loop3A_336 = tpu.vector_load %arg8[%parallel_loop3A_334, %parallel_loop3A_335] {strides = array<i32>} : memref<320x64xf32, #tpu.memory_space<vmem>>, vector<1x16xf32>,
          %parallel_loop3A_337 = vector.shape_cast %parallel_loop3A_336 : vector<1x16xf32> to vector<16xf32>
          %parallel_loop3A_338 = arith.mulf %parallel_loop3A_337, %add3A_52 : vector<16xf32>
          %parallel_loop3A_339 = arith.index_cast %parallel_loop3A_321 : i32 to index
          %parallel_loop3A_340 = arith.constant 48 : index
          %parallel_loop3A_341 = tpu.vector_load %arg8[%parallel_loop3A_339, %parallel_loop3A_340] {strides = array<i32>} : memref<320x64xf32, #tpu.memory_space<vmem>>, vector<1x16xf32>,
          %parallel_loop3A_342 = vector.shape_cast %parallel_loop3A_341 : vector<1x16xf32> to vector<16xf32>
          %parallel_loop3A_343 = arith.mulf %parallel_loop3A_342, %add3A_55 : vector<16xf32>
          %parallel_loop3A_344 = arith.addf %parallel_loop3A_328, %parallel_loop3A_333 : vector<16xf32>
          %parallel_loop3A_345 = arith.addf %parallel_loop3A_338, %parallel_loop3A_343 : vector<16xf32>
          %parallel_loop3A_346 = arith.addf %parallel_loop3A_344, %parallel_loop3A_345 : vector<16xf32>
          %parallel_loop3A_347 = arith.constant 0 : i32
          %parallel_loop3A_348 = vector.broadcast %parallel_loop3A_347 : i32 to vector<16xi32>
          %parallel_loop3A_349 = arith.cmpi slt, %xor3A_57, %parallel_loop3A_348 : vector<16xi32>
          %parallel_loop3A_350 = arith.constant 16 : i32
          %parallel_loop3A_351 = vector.broadcast %parallel_loop3A_350 : i32 to vector<16xi32>
          %parallel_loop3A_352 = arith.addi %xor3A_57, %parallel_loop3A_351 : vector<16xi32>
          %parallel_loop3A_353 = arith.select %parallel_loop3A_349, %parallel_loop3A_352, %xor3A_57 : vector<16xi1>, vector<16xi32>
          %parallel_loop3A_354 = vector.shape_cast %parallel_loop3A_353 : vector<16xi32> to vector<16x1xi32>
          %parallel_loop3A_355 = vector.shape_cast %parallel_loop3A_354 : vector<16x1xi32> to vector<16xi32>
          %parallel_loop3A_356 = tpu.dynamic_gather %parallel_loop3A_346[%parallel_loop3A_355] in [0] : vector<16xf32>, vector<16xi32> -> vector<16xf32>
          %parallel_loop3A_357 = arith.addf %parallel_loop3A_346, %parallel_loop3A_356 : vector<16xf32>
          %parallel_loop3A_358 = arith.constant 0 : i32
          %parallel_loop3A_359 = vector.broadcast %parallel_loop3A_358 : i32 to vector<16xi32>
          %parallel_loop3A_360 = arith.cmpi slt, %xor3A_60, %parallel_loop3A_359 : vector<16xi32>
          %parallel_loop3A_361 = arith.constant 16 : i32
          %parallel_loop3A_362 = vector.broadcast %parallel_loop3A_361 : i32 to vector<16xi32>
          %parallel_loop3A_363 = arith.addi %xor3A_60, %parallel_loop3A_362 : vector<16xi32>
          %parallel_loop3A_364 = arith.select %parallel_loop3A_360, %parallel_loop3A_363, %xor3A_60 : vector<16xi1>, vector<16xi32>
          %parallel_loop3A_365 = vector.shape_cast %parallel_loop3A_364 : vector<16xi32> to vector<16x1xi32>
          %parallel_loop3A_366 = vector.shape_cast %parallel_loop3A_365 : vector<16x1xi32> to vector<16xi32>
          %parallel_loop3A_367 = tpu.dynamic_gather %parallel_loop3A_357[%parallel_loop3A_366] in [0] : vector<16xf32>, vector<16xi32> -> vector<16xf32>
          %parallel_loop3A_368 = arith.addf %parallel_loop3A_357, %parallel_loop3A_367 : vector<16xf32>
          %parallel_loop3A_369 = arith.constant 0 : i32
          %parallel_loop3A_370 = vector.broadcast %parallel_loop3A_369 : i32 to vector<16xi32>
          %parallel_loop3A_371 = arith.cmpi slt, %xor3A_63, %parallel_loop3A_370 : vector<16xi32>
          %parallel_loop3A_372 = arith.constant 16 : i32
          %parallel_loop3A_373 = vector.broadcast %parallel_loop3A_372 : i32 to vector<16xi32>
          %parallel_loop3A_374 = arith.addi %xor3A_63, %parallel_loop3A_373 : vector<16xi32>
          %parallel_loop3A_375 = arith.select %parallel_loop3A_371, %parallel_loop3A_374, %xor3A_63 : vector<16xi1>, vector<16xi32>
          %parallel_loop3A_376 = vector.shape_cast %parallel_loop3A_375 : vector<16xi32> to vector<16x1xi32>
          %parallel_loop3A_377 = vector.shape_cast %parallel_loop3A_376 : vector<16x1xi32> to vector<16xi32>
          %parallel_loop3A_378 = tpu.dynamic_gather %parallel_loop3A_368[%parallel_loop3A_377] in [0] : vector<16xf32>, vector<16xi32> -> vector<16xf32>
          %parallel_loop3A_379 = arith.addf %parallel_loop3A_368, %parallel_loop3A_378 : vector<16xf32>
          %parallel_loop3A_380 = arith.constant 0 : i32
          %parallel_loop3A_381 = vector.broadcast %parallel_loop3A_380 : i32 to vector<16xi32>
          %parallel_loop3A_382 = arith.cmpi slt, %xor3A_66, %parallel_loop3A_381 : vector<16xi32>
          %parallel_loop3A_383 = arith.constant 16 : i32
          %parallel_loop3A_384 = vector.broadcast %parallel_loop3A_383 : i32 to vector<16xi32>
          %parallel_loop3A_385 = arith.addi %xor3A_66, %parallel_loop3A_384 : vector<16xi32>
          %parallel_loop3A_386 = arith.select %parallel_loop3A_382, %parallel_loop3A_385, %xor3A_66 : vector<16xi1>, vector<16xi32>
          %parallel_loop3A_387 = vector.shape_cast %parallel_loop3A_386 : vector<16xi32> to vector<16x1xi32>
          %parallel_loop3A_388 = vector.shape_cast %parallel_loop3A_387 : vector<16x1xi32> to vector<16xi32>
          %parallel_loop3A_389 = tpu.dynamic_gather %parallel_loop3A_379[%parallel_loop3A_388] in [0] : vector<16xf32>, vector<16xi32> -> vector<16xf32>
          %parallel_loop3A_390 = arith.addf %parallel_loop3A_379, %parallel_loop3A_389 : vector<16xf32>
          %parallel_loop3A_391 = vector.extract_strided_slice %parallel_loop3A_390 {offsets = [0], sizes = [1], strides = [1]} : vector<16xf32> to vector<1xf32>
          %parallel_loop3A_392 = vector.extract %parallel_loop3A_391[0] : f32 from vector<1xf32>
          %parallel_loop3A_393 = arith.addi %mul3A_311, %parallel_loop3A_321 : i32
          %parallel_loop3A_394 = arith.cmpf ogt, %parallel_loop3A_392, %parallel_loop3A_322 : f32
          %parallel_loop3A_395 = arith.cmpf oeq, %parallel_loop3A_392, %parallel_loop3A_322 : f32
          %parallel_loop3A_396 = arith.cmpi slt, %parallel_loop3A_393, %parallel_loop3A_323 : i32
          %parallel_loop3A_397 = arith.andi %parallel_loop3A_395, %parallel_loop3A_396 : i1
          %parallel_loop3A_398 = arith.ori %parallel_loop3A_394, %parallel_loop3A_397 : i1
          %parallel_loop3A_399 = arith.select %parallel_loop3A_398, %parallel_loop3A_392, %parallel_loop3A_322 : f32
          %parallel_loop3A_400 = arith.select %parallel_loop3A_398, %parallel_loop3A_393, %parallel_loop3A_323 : i32
          scf.yield %parallel_loop3A_399, %parallel_loop3A_400 : f32, i32
        } {sc.loop_unroll_factor = 8 : i64, sc.parallel_access}
        %add3A_315 = arith.constant 3 : i32
        %add3A_316 = arith.addi %add3A_276, %add3A_315 : i32
        %lt3A_317 = arith.cmpi slt, %add3A_316, %add3A_20 : i32
        %convert_element_type3A_318 = arith.extui %lt3A_317 : i1 to i32
        %cond3A_319 = arith.constant 0 : i32
        %cond3A_320 = arith.cmpi ne, %convert_element_type3A_318, %cond3A_319 : i32
        scf.if %cond3A_320 {
          %add3A_321 = arith.constant 3 : i32
          %add3A_322 = arith.addi %add3A_276, %add3A_321 : i32
          %mul3A_323 = arith.constant 32 : i32
          %mul3A_324 = arith.muli %add3A_322, %mul3A_323 : i32
          %add3A_325 = arith.addi %add3A, %mul3A_324 : i32
          %mul3A_326 = arith.constant 320 : i32
          %mul3A_327 = arith.muli %add3A_325, %mul3A_326 : i32
          %dma_start3A_328 = arith.constant 0 : i32
          %dma_start3A_329 = tpu.memref_slice %arg4[%mul3A_327, %dma_start3A_328] : memref<1000000x64xf32, #tpu.memory_space<hbm>> -> memref<320x64xf32, #tpu.memory_space<hbm>>
          %dma_start3A_330 = arith.constant 0 : i32
          %dma_start3A_331 = tpu.memref_slice %arg4[%mul3A_327, %dma_start3A_330] : memref<1000000x64xf32, #tpu.memory_space<hbm>> -> memref<320x64xf32, #tpu.memory_space<hbm>>
          tpu.enqueue_dma source(%dma_start3A_331 : memref<320x64xf32, #tpu.memory_space<hbm>>) target(%arg8 : memref<320x64xf32, #tpu.memory_space<vmem>>) target_semaphore(%arg16 : memref<!tpu.dma_semaphore, #tpu.memory_space<semaphore_mem>>)
        } else {
        }
        scf.yield %parallel_loop3A_314#0, %parallel_loop3A_314#1 : f32, i32
      } else {
        scf.yield %while3A_271, %while3A_272 : f32, i32
      }
      %add3A_281 = arith.constant 1 : i32
      %add3A_282 = arith.addi %mul3A_274, %add3A_281 : i32
      %add3A_283 = arith.constant 1 : i32
      %add3A_284 = arith.addi %mul3A_274, %add3A_283 : i32
      %lt3A_285 = arith.cmpi slt, %add3A_284, %add3A_20 : i32
      %convert_element_type3A_286 = arith.extui %lt3A_285 : i1 to i32
      %cond3A_287 = arith.constant 0 : i32
      %cond3A_288 = arith.cmpi ne, %convert_element_type3A_286, %cond3A_287 : i32
      %cond3A_289:2 = scf.if %cond3A_288 -> (f32, i32) {
        %mul3A_299 = arith.constant 32 : i32
        %mul3A_300 = arith.muli %add3A_282, %mul3A_299 : i32
        %add3A_301 = arith.addi %add3A, %mul3A_300 : i32
        %mul3A_302 = arith.constant 320 : i32
        %mul3A_303 = arith.muli %add3A_301, %mul3A_302 : i32
        %dma_wait3A = arith.constant 0 : i32
        %dma_wait3A_304 = tpu.memref_slice %arg4[%mul3A_303, %dma_wait3A] : memref<1000000x64xf32, #tpu.memory_space<hbm>> -> memref<320x64xf32, #tpu.memory_space<hbm>>
        %dma_wait3A_305 = arith.constant 0 : i32
        %dma_wait3A_306 = tpu.memref_slice %arg4[%mul3A_303, %dma_wait3A_305] : memref<1000000x64xf32, #tpu.memory_space<hbm>> -> memref<320x64xf32, #tpu.memory_space<hbm>>
        tpu.wait_dma2 semaphore(%arg17 : memref<!tpu.dma_semaphore, #tpu.memory_space<semaphore_mem>>) src(%dma_wait3A_306 : memref<320x64xf32, #tpu.memory_space<hbm>>) dst(%arg9 : memref<320x64xf32, #tpu.memory_space<vmem>>)
        %mul3A_307 = arith.constant 32 : i32
        %mul3A_308 = arith.muli %add3A_282, %mul3A_307 : i32
        %add3A_309 = arith.addi %add3A, %mul3A_308 : i32
        %mul3A_310 = arith.constant 320 : i32
        %mul3A_311 = arith.muli %add3A_309, %mul3A_310 : i32
        %parallel_loop3A = arith.constant 0 : i32
        %parallel_loop3A_312 = arith.constant 320 : i32
        %parallel_loop3A_313 = arith.constant 1 : i32
        %parallel_loop3A_314:2 = scf.for %parallel_loop3A_321 = %parallel_loop3A to %parallel_loop3A_312 step %parallel_loop3A_313 iter_args(%parallel_loop3A_322 = %cond3A_280#0, %parallel_loop3A_323 = %cond3A_280#1) -> (f32, i32)  : i32 {
          %parallel_loop3A_324 = arith.index_cast %parallel_loop3A_321 : i32 to index
          %parallel_loop3A_325 = arith.constant 0 : index
          %parallel_loop3A_326 = tpu.vector_load %arg9[%parallel_loop3A_324, %parallel_loop3A_325] {strides = array<i32>} : memref<320x64xf32, #tpu.memory_space<vmem>>, vector<1x16xf32>,
          %parallel_loop3A_327 = vector.shape_cast %parallel_loop3A_326 : vector<1x16xf32> to vector<16xf32>
          %parallel_loop3A_328 = arith.mulf %parallel_loop3A_327, %sub3A_46 : vector<16xf32>
          %parallel_loop3A_329 = arith.index_cast %parallel_loop3A_321 : i32 to index
          %parallel_loop3A_330 = arith.constant 16 : index
          %parallel_loop3A_331 = tpu.vector_load %arg9[%parallel_loop3A_329, %parallel_loop3A_330] {strides = array<i32>} : memref<320x64xf32, #tpu.memory_space<vmem>>, vector<1x16xf32>,
          %parallel_loop3A_332 = vector.shape_cast %parallel_loop3A_331 : vector<1x16xf32> to vector<16xf32>
          %parallel_loop3A_333 = arith.mulf %parallel_loop3A_332, %sub3A_49 : vector<16xf32>
          %parallel_loop3A_334 = arith.index_cast %parallel_loop3A_321 : i32 to index
          %parallel_loop3A_335 = arith.constant 32 : index
          %parallel_loop3A_336 = tpu.vector_load %arg9[%parallel_loop3A_334, %parallel_loop3A_335] {strides = array<i32>} : memref<320x64xf32, #tpu.memory_space<vmem>>, vector<1x16xf32>,
          %parallel_loop3A_337 = vector.shape_cast %parallel_loop3A_336 : vector<1x16xf32> to vector<16xf32>
          %parallel_loop3A_338 = arith.mulf %parallel_loop3A_337, %add3A_52 : vector<16xf32>
          %parallel_loop3A_339 = arith.index_cast %parallel_loop3A_321 : i32 to index
          %parallel_loop3A_340 = arith.constant 48 : index
          %parallel_loop3A_341 = tpu.vector_load %arg9[%parallel_loop3A_339, %parallel_loop3A_340] {strides = array<i32>} : memref<320x64xf32, #tpu.memory_space<vmem>>, vector<1x16xf32>,
          %parallel_loop3A_342 = vector.shape_cast %parallel_loop3A_341 : vector<1x16xf32> to vector<16xf32>
          %parallel_loop3A_343 = arith.mulf %parallel_loop3A_342, %add3A_55 : vector<16xf32>
          %parallel_loop3A_344 = arith.addf %parallel_loop3A_328, %parallel_loop3A_333 : vector<16xf32>
          %parallel_loop3A_345 = arith.addf %parallel_loop3A_338, %parallel_loop3A_343 : vector<16xf32>
          %parallel_loop3A_346 = arith.addf %parallel_loop3A_344, %parallel_loop3A_345 : vector<16xf32>
          %parallel_loop3A_347 = arith.constant 0 : i32
          %parallel_loop3A_348 = vector.broadcast %parallel_loop3A_347 : i32 to vector<16xi32>
          %parallel_loop3A_349 = arith.cmpi slt, %xor3A_57, %parallel_loop3A_348 : vector<16xi32>
          %parallel_loop3A_350 = arith.constant 16 : i32
          %parallel_loop3A_351 = vector.broadcast %parallel_loop3A_350 : i32 to vector<16xi32>
          %parallel_loop3A_352 = arith.addi %xor3A_57, %parallel_loop3A_351 : vector<16xi32>
          %parallel_loop3A_353 = arith.select %parallel_loop3A_349, %parallel_loop3A_352, %xor3A_57 : vector<16xi1>, vector<16xi32>
          %parallel_loop3A_354 = vector.shape_cast %parallel_loop3A_353 : vector<16xi32> to vector<16x1xi32>
          %parallel_loop3A_355 = vector.shape_cast %parallel_loop3A_354 : vector<16x1xi32> to vector<16xi32>
          %parallel_loop3A_356 = tpu.dynamic_gather %parallel_loop3A_346[%parallel_loop3A_355] in [0] : vector<16xf32>, vector<16xi32> -> vector<16xf32>
          %parallel_loop3A_357 = arith.addf %parallel_loop3A_346, %parallel_loop3A_356 : vector<16xf32>
          %parallel_loop3A_358 = arith.constant 0 : i32
          %parallel_loop3A_359 = vector.broadcast %parallel_loop3A_358 : i32 to vector<16xi32>
          %parallel_loop3A_360 = arith.cmpi slt, %xor3A_60, %parallel_loop3A_359 : vector<16xi32>
          %parallel_loop3A_361 = arith.constant 16 : i32
          %parallel_loop3A_362 = vector.broadcast %parallel_loop3A_361 : i32 to vector<16xi32>
          %parallel_loop3A_363 = arith.addi %xor3A_60, %parallel_loop3A_362 : vector<16xi32>
          %parallel_loop3A_364 = arith.select %parallel_loop3A_360, %parallel_loop3A_363, %xor3A_60 : vector<16xi1>, vector<16xi32>
          %parallel_loop3A_365 = vector.shape_cast %parallel_loop3A_364 : vector<16xi32> to vector<16x1xi32>
          %parallel_loop3A_366 = vector.shape_cast %parallel_loop3A_365 : vector<16x1xi32> to vector<16xi32>
          %parallel_loop3A_367 = tpu.dynamic_gather %parallel_loop3A_357[%parallel_loop3A_366] in [0] : vector<16xf32>, vector<16xi32> -> vector<16xf32>
          %parallel_loop3A_368 = arith.addf %parallel_loop3A_357, %parallel_loop3A_367 : vector<16xf32>
          %parallel_loop3A_369 = arith.constant 0 : i32
          %parallel_loop3A_370 = vector.broadcast %parallel_loop3A_369 : i32 to vector<16xi32>
          %parallel_loop3A_371 = arith.cmpi slt, %xor3A_63, %parallel_loop3A_370 : vector<16xi32>
          %parallel_loop3A_372 = arith.constant 16 : i32
          %parallel_loop3A_373 = vector.broadcast %parallel_loop3A_372 : i32 to vector<16xi32>
          %parallel_loop3A_374 = arith.addi %xor3A_63, %parallel_loop3A_373 : vector<16xi32>
          %parallel_loop3A_375 = arith.select %parallel_loop3A_371, %parallel_loop3A_374, %xor3A_63 : vector<16xi1>, vector<16xi32>
          %parallel_loop3A_376 = vector.shape_cast %parallel_loop3A_375 : vector<16xi32> to vector<16x1xi32>
          %parallel_loop3A_377 = vector.shape_cast %parallel_loop3A_376 : vector<16x1xi32> to vector<16xi32>
          %parallel_loop3A_378 = tpu.dynamic_gather %parallel_loop3A_368[%parallel_loop3A_377] in [0] : vector<16xf32>, vector<16xi32> -> vector<16xf32>
          %parallel_loop3A_379 = arith.addf %parallel_loop3A_368, %parallel_loop3A_378 : vector<16xf32>
          %parallel_loop3A_380 = arith.constant 0 : i32
          %parallel_loop3A_381 = vector.broadcast %parallel_loop3A_380 : i32 to vector<16xi32>
          %parallel_loop3A_382 = arith.cmpi slt, %xor3A_66, %parallel_loop3A_381 : vector<16xi32>
          %parallel_loop3A_383 = arith.constant 16 : i32
          %parallel_loop3A_384 = vector.broadcast %parallel_loop3A_383 : i32 to vector<16xi32>
          %parallel_loop3A_385 = arith.addi %xor3A_66, %parallel_loop3A_384 : vector<16xi32>
          %parallel_loop3A_386 = arith.select %parallel_loop3A_382, %parallel_loop3A_385, %xor3A_66 : vector<16xi1>, vector<16xi32>
          %parallel_loop3A_387 = vector.shape_cast %parallel_loop3A_386 : vector<16xi32> to vector<16x1xi32>
          %parallel_loop3A_388 = vector.shape_cast %parallel_loop3A_387 : vector<16x1xi32> to vector<16xi32>
          %parallel_loop3A_389 = tpu.dynamic_gather %parallel_loop3A_379[%parallel_loop3A_388] in [0] : vector<16xf32>, vector<16xi32> -> vector<16xf32>
          %parallel_loop3A_390 = arith.addf %parallel_loop3A_379, %parallel_loop3A_389 : vector<16xf32>
          %parallel_loop3A_391 = vector.extract_strided_slice %parallel_loop3A_390 {offsets = [0], sizes = [1], strides = [1]} : vector<16xf32> to vector<1xf32>
          %parallel_loop3A_392 = vector.extract %parallel_loop3A_391[0] : f32 from vector<1xf32>
          %parallel_loop3A_393 = arith.addi %mul3A_311, %parallel_loop3A_321 : i32
          %parallel_loop3A_394 = arith.cmpf ogt, %parallel_loop3A_392, %parallel_loop3A_322 : f32
          %parallel_loop3A_395 = arith.cmpf oeq, %parallel_loop3A_392, %parallel_loop3A_322 : f32
          %parallel_loop3A_396 = arith.cmpi slt, %parallel_loop3A_393, %parallel_loop3A_323 : i32
          %parallel_loop3A_397 = arith.andi %parallel_loop3A_395, %parallel_loop3A_396 : i1
          %parallel_loop3A_398 = arith.ori %parallel_loop3A_394, %parallel_loop3A_397 : i1
          %parallel_loop3A_399 = arith.select %parallel_loop3A_398, %parallel_loop3A_392, %parallel_loop3A_322 : f32
          %parallel_loop3A_400 = arith.select %parallel_loop3A_398, %parallel_loop3A_393, %parallel_loop3A_323 : i32
          scf.yield %parallel_loop3A_399, %parallel_loop3A_400 : f32, i32
        } {sc.loop_unroll_factor = 8 : i64, sc.parallel_access}
        %add3A_315 = arith.constant 3 : i32
        %add3A_316 = arith.addi %add3A_282, %add3A_315 : i32
        %lt3A_317 = arith.cmpi slt, %add3A_316, %add3A_20 : i32
        %convert_element_type3A_318 = arith.extui %lt3A_317 : i1 to i32
        %cond3A_319 = arith.constant 0 : i32
        %cond3A_320 = arith.cmpi ne, %convert_element_type3A_318, %cond3A_319 : i32
        scf.if %cond3A_320 {
          %add3A_321 = arith.constant 3 : i32
          %add3A_322 = arith.addi %add3A_282, %add3A_321 : i32
          %mul3A_323 = arith.constant 32 : i32
          %mul3A_324 = arith.muli %add3A_322, %mul3A_323 : i32
          %add3A_325 = arith.addi %add3A, %mul3A_324 : i32
          %mul3A_326 = arith.constant 320 : i32
          %mul3A_327 = arith.muli %add3A_325, %mul3A_326 : i32
          %dma_start3A_328 = arith.constant 0 : i32
          %dma_start3A_329 = tpu.memref_slice %arg4[%mul3A_327, %dma_start3A_328] : memref<1000000x64xf32, #tpu.memory_space<hbm>> -> memref<320x64xf32, #tpu.memory_space<hbm>>
          %dma_start3A_330 = arith.constant 0 : i32
          %dma_start3A_331 = tpu.memref_slice %arg4[%mul3A_327, %dma_start3A_330] : memref<1000000x64xf32, #tpu.memory_space<hbm>> -> memref<320x64xf32, #tpu.memory_space<hbm>>
          tpu.enqueue_dma source(%dma_start3A_331 : memref<320x64xf32, #tpu.memory_space<hbm>>) target(%arg9 : memref<320x64xf32, #tpu.memory_space<vmem>>) target_semaphore(%arg17 : memref<!tpu.dma_semaphore, #tpu.memory_space<semaphore_mem>>)
        } else {
        }
        scf.yield %parallel_loop3A_314#0, %parallel_loop3A_314#1 : f32, i32
      } else {
        scf.yield %cond3A_280#0, %cond3A_280#1 : f32, i32
      }
      %add3A_290 = arith.constant 2 : i32
      %add3A_291 = arith.addi %mul3A_274, %add3A_290 : i32
      %add3A_292 = arith.constant 2 : i32
      %add3A_293 = arith.addi %mul3A_274, %add3A_292 : i32
      %lt3A_294 = arith.cmpi slt, %add3A_293, %add3A_20 : i32
      %convert_element_type3A_295 = arith.extui %lt3A_294 : i1 to i32
      %cond3A_296 = arith.constant 0 : i32
      %cond3A_297 = arith.cmpi ne, %convert_element_type3A_295, %cond3A_296 : i32
      %cond3A_298:2 = scf.if %cond3A_297 -> (f32, i32) {
        %mul3A_299 = arith.constant 32 : i32
        %mul3A_300 = arith.muli %add3A_291, %mul3A_299 : i32
        %add3A_301 = arith.addi %add3A, %mul3A_300 : i32
        %mul3A_302 = arith.constant 320 : i32
        %mul3A_303 = arith.muli %add3A_301, %mul3A_302 : i32
        %dma_wait3A = arith.constant 0 : i32
        %dma_wait3A_304 = tpu.memref_slice %arg4[%mul3A_303, %dma_wait3A] : memref<1000000x64xf32, #tpu.memory_space<hbm>> -> memref<320x64xf32, #tpu.memory_space<hbm>>
        %dma_wait3A_305 = arith.constant 0 : i32
        %dma_wait3A_306 = tpu.memref_slice %arg4[%mul3A_303, %dma_wait3A_305] : memref<1000000x64xf32, #tpu.memory_space<hbm>> -> memref<320x64xf32, #tpu.memory_space<hbm>>
        tpu.wait_dma2 semaphore(%arg18 : memref<!tpu.dma_semaphore, #tpu.memory_space<semaphore_mem>>) src(%dma_wait3A_306 : memref<320x64xf32, #tpu.memory_space<hbm>>) dst(%arg10 : memref<320x64xf32, #tpu.memory_space<vmem>>)
        %mul3A_307 = arith.constant 32 : i32
        %mul3A_308 = arith.muli %add3A_291, %mul3A_307 : i32
        %add3A_309 = arith.addi %add3A, %mul3A_308 : i32
        %mul3A_310 = arith.constant 320 : i32
        %mul3A_311 = arith.muli %add3A_309, %mul3A_310 : i32
        %parallel_loop3A = arith.constant 0 : i32
        %parallel_loop3A_312 = arith.constant 320 : i32
        %parallel_loop3A_313 = arith.constant 1 : i32
        %parallel_loop3A_314:2 = scf.for %parallel_loop3A_321 = %parallel_loop3A to %parallel_loop3A_312 step %parallel_loop3A_313 iter_args(%parallel_loop3A_322 = %cond3A_289#0, %parallel_loop3A_323 = %cond3A_289#1) -> (f32, i32)  : i32 {
          %parallel_loop3A_324 = arith.index_cast %parallel_loop3A_321 : i32 to index
          %parallel_loop3A_325 = arith.constant 0 : index
          %parallel_loop3A_326 = tpu.vector_load %arg10[%parallel_loop3A_324, %parallel_loop3A_325] {strides = array<i32>} : memref<320x64xf32, #tpu.memory_space<vmem>>, vector<1x16xf32>,
          %parallel_loop3A_327 = vector.shape_cast %parallel_loop3A_326 : vector<1x16xf32> to vector<16xf32>
          %parallel_loop3A_328 = arith.mulf %parallel_loop3A_327, %sub3A_46 : vector<16xf32>
          %parallel_loop3A_329 = arith.index_cast %parallel_loop3A_321 : i32 to index
          %parallel_loop3A_330 = arith.constant 16 : index
          %parallel_loop3A_331 = tpu.vector_load %arg10[%parallel_loop3A_329, %parallel_loop3A_330] {strides = array<i32>} : memref<320x64xf32, #tpu.memory_space<vmem>>, vector<1x16xf32>,
          %parallel_loop3A_332 = vector.shape_cast %parallel_loop3A_331 : vector<1x16xf32> to vector<16xf32>
          %parallel_loop3A_333 = arith.mulf %parallel_loop3A_332, %sub3A_49 : vector<16xf32>
          %parallel_loop3A_334 = arith.index_cast %parallel_loop3A_321 : i32 to index
          %parallel_loop3A_335 = arith.constant 32 : index
          %parallel_loop3A_336 = tpu.vector_load %arg10[%parallel_loop3A_334, %parallel_loop3A_335] {strides = array<i32>} : memref<320x64xf32, #tpu.memory_space<vmem>>, vector<1x16xf32>,
          %parallel_loop3A_337 = vector.shape_cast %parallel_loop3A_336 : vector<1x16xf32> to vector<16xf32>
          %parallel_loop3A_338 = arith.mulf %parallel_loop3A_337, %add3A_52 : vector<16xf32>
          %parallel_loop3A_339 = arith.index_cast %parallel_loop3A_321 : i32 to index
          %parallel_loop3A_340 = arith.constant 48 : index
          %parallel_loop3A_341 = tpu.vector_load %arg10[%parallel_loop3A_339, %parallel_loop3A_340] {strides = array<i32>} : memref<320x64xf32, #tpu.memory_space<vmem>>, vector<1x16xf32>,
          %parallel_loop3A_342 = vector.shape_cast %parallel_loop3A_341 : vector<1x16xf32> to vector<16xf32>
          %parallel_loop3A_343 = arith.mulf %parallel_loop3A_342, %add3A_55 : vector<16xf32>
          %parallel_loop3A_344 = arith.addf %parallel_loop3A_328, %parallel_loop3A_333 : vector<16xf32>
          %parallel_loop3A_345 = arith.addf %parallel_loop3A_338, %parallel_loop3A_343 : vector<16xf32>
          %parallel_loop3A_346 = arith.addf %parallel_loop3A_344, %parallel_loop3A_345 : vector<16xf32>
          %parallel_loop3A_347 = arith.constant 0 : i32
          %parallel_loop3A_348 = vector.broadcast %parallel_loop3A_347 : i32 to vector<16xi32>
          %parallel_loop3A_349 = arith.cmpi slt, %xor3A_57, %parallel_loop3A_348 : vector<16xi32>
          %parallel_loop3A_350 = arith.constant 16 : i32
          %parallel_loop3A_351 = vector.broadcast %parallel_loop3A_350 : i32 to vector<16xi32>
          %parallel_loop3A_352 = arith.addi %xor3A_57, %parallel_loop3A_351 : vector<16xi32>
          %parallel_loop3A_353 = arith.select %parallel_loop3A_349, %parallel_loop3A_352, %xor3A_57 : vector<16xi1>, vector<16xi32>
          %parallel_loop3A_354 = vector.shape_cast %parallel_loop3A_353 : vector<16xi32> to vector<16x1xi32>
          %parallel_loop3A_355 = vector.shape_cast %parallel_loop3A_354 : vector<16x1xi32> to vector<16xi32>
          %parallel_loop3A_356 = tpu.dynamic_gather %parallel_loop3A_346[%parallel_loop3A_355] in [0] : vector<16xf32>, vector<16xi32> -> vector<16xf32>
          %parallel_loop3A_357 = arith.addf %parallel_loop3A_346, %parallel_loop3A_356 : vector<16xf32>
          %parallel_loop3A_358 = arith.constant 0 : i32
          %parallel_loop3A_359 = vector.broadcast %parallel_loop3A_358 : i32 to vector<16xi32>
          %parallel_loop3A_360 = arith.cmpi slt, %xor3A_60, %parallel_loop3A_359 : vector<16xi32>
          %parallel_loop3A_361 = arith.constant 16 : i32
          %parallel_loop3A_362 = vector.broadcast %parallel_loop3A_361 : i32 to vector<16xi32>
          %parallel_loop3A_363 = arith.addi %xor3A_60, %parallel_loop3A_362 : vector<16xi32>
          %parallel_loop3A_364 = arith.select %parallel_loop3A_360, %parallel_loop3A_363, %xor3A_60 : vector<16xi1>, vector<16xi32>
          %parallel_loop3A_365 = vector.shape_cast %parallel_loop3A_364 : vector<16xi32> to vector<16x1xi32>
          %parallel_loop3A_366 = vector.shape_cast %parallel_loop3A_365 : vector<16x1xi32> to vector<16xi32>
          %parallel_loop3A_367 = tpu.dynamic_gather %parallel_loop3A_357[%parallel_loop3A_366] in [0] : vector<16xf32>, vector<16xi32> -> vector<16xf32>
          %parallel_loop3A_368 = arith.addf %parallel_loop3A_357, %parallel_loop3A_367 : vector<16xf32>
          %parallel_loop3A_369 = arith.constant 0 : i32
          %parallel_loop3A_370 = vector.broadcast %parallel_loop3A_369 : i32 to vector<16xi32>
          %parallel_loop3A_371 = arith.cmpi slt, %xor3A_63, %parallel_loop3A_370 : vector<16xi32>
          %parallel_loop3A_372 = arith.constant 16 : i32
          %parallel_loop3A_373 = vector.broadcast %parallel_loop3A_372 : i32 to vector<16xi32>
          %parallel_loop3A_374 = arith.addi %xor3A_63, %parallel_loop3A_373 : vector<16xi32>
          %parallel_loop3A_375 = arith.select %parallel_loop3A_371, %parallel_loop3A_374, %xor3A_63 : vector<16xi1>, vector<16xi32>
          %parallel_loop3A_376 = vector.shape_cast %parallel_loop3A_375 : vector<16xi32> to vector<16x1xi32>
          %parallel_loop3A_377 = vector.shape_cast %parallel_loop3A_376 : vector<16x1xi32> to vector<16xi32>
          %parallel_loop3A_378 = tpu.dynamic_gather %parallel_loop3A_368[%parallel_loop3A_377] in [0] : vector<16xf32>, vector<16xi32> -> vector<16xf32>
          %parallel_loop3A_379 = arith.addf %parallel_loop3A_368, %parallel_loop3A_378 : vector<16xf32>
          %parallel_loop3A_380 = arith.constant 0 : i32
          %parallel_loop3A_381 = vector.broadcast %parallel_loop3A_380 : i32 to vector<16xi32>
          %parallel_loop3A_382 = arith.cmpi slt, %xor3A_66, %parallel_loop3A_381 : vector<16xi32>
          %parallel_loop3A_383 = arith.constant 16 : i32
          %parallel_loop3A_384 = vector.broadcast %parallel_loop3A_383 : i32 to vector<16xi32>
          %parallel_loop3A_385 = arith.addi %xor3A_66, %parallel_loop3A_384 : vector<16xi32>
          %parallel_loop3A_386 = arith.select %parallel_loop3A_382, %parallel_loop3A_385, %xor3A_66 : vector<16xi1>, vector<16xi32>
          %parallel_loop3A_387 = vector.shape_cast %parallel_loop3A_386 : vector<16xi32> to vector<16x1xi32>
          %parallel_loop3A_388 = vector.shape_cast %parallel_loop3A_387 : vector<16x1xi32> to vector<16xi32>
          %parallel_loop3A_389 = tpu.dynamic_gather %parallel_loop3A_379[%parallel_loop3A_388] in [0] : vector<16xf32>, vector<16xi32> -> vector<16xf32>
          %parallel_loop3A_390 = arith.addf %parallel_loop3A_379, %parallel_loop3A_389 : vector<16xf32>
          %parallel_loop3A_391 = vector.extract_strided_slice %parallel_loop3A_390 {offsets = [0], sizes = [1], strides = [1]} : vector<16xf32> to vector<1xf32>
          %parallel_loop3A_392 = vector.extract %parallel_loop3A_391[0] : f32 from vector<1xf32>
          %parallel_loop3A_393 = arith.addi %mul3A_311, %parallel_loop3A_321 : i32
          %parallel_loop3A_394 = arith.cmpf ogt, %parallel_loop3A_392, %parallel_loop3A_322 : f32
          %parallel_loop3A_395 = arith.cmpf oeq, %parallel_loop3A_392, %parallel_loop3A_322 : f32
          %parallel_loop3A_396 = arith.cmpi slt, %parallel_loop3A_393, %parallel_loop3A_323 : i32
          %parallel_loop3A_397 = arith.andi %parallel_loop3A_395, %parallel_loop3A_396 : i1
          %parallel_loop3A_398 = arith.ori %parallel_loop3A_394, %parallel_loop3A_397 : i1
          %parallel_loop3A_399 = arith.select %parallel_loop3A_398, %parallel_loop3A_392, %parallel_loop3A_322 : f32
          %parallel_loop3A_400 = arith.select %parallel_loop3A_398, %parallel_loop3A_393, %parallel_loop3A_323 : i32
          scf.yield %parallel_loop3A_399, %parallel_loop3A_400 : f32, i32
        } {sc.loop_unroll_factor = 8 : i64, sc.parallel_access}
        %add3A_315 = arith.constant 3 : i32
        %add3A_316 = arith.addi %add3A_291, %add3A_315 : i32
        %lt3A_317 = arith.cmpi slt, %add3A_316, %add3A_20 : i32
        %convert_element_type3A_318 = arith.extui %lt3A_317 : i1 to i32
        %cond3A_319 = arith.constant 0 : i32
        %cond3A_320 = arith.cmpi ne, %convert_element_type3A_318, %cond3A_319 : i32
        scf.if %cond3A_320 {
          %add3A_321 = arith.constant 3 : i32
          %add3A_322 = arith.addi %add3A_291, %add3A_321 : i32
          %mul3A_323 = arith.constant 32 : i32
          %mul3A_324 = arith.muli %add3A_322, %mul3A_323 : i32
          %add3A_325 = arith.addi %add3A, %mul3A_324 : i32
          %mul3A_326 = arith.constant 320 : i32
          %mul3A_327 = arith.muli %add3A_325, %mul3A_326 : i32
          %dma_start3A_328 = arith.constant 0 : i32
          %dma_start3A_329 = tpu.memref_slice %arg4[%mul3A_327, %dma_start3A_328] : memref<1000000x64xf32, #tpu.memory_space<hbm>> -> memref<320x64xf32, #tpu.memory_space<hbm>>
          %dma_start3A_330 = arith.constant 0 : i32
          %dma_start3A_331 = tpu.memref_slice %arg4[%mul3A_327, %dma_start3A_330] : memref<1000000x64xf32, #tpu.memory_space<hbm>> -> memref<320x64xf32, #tpu.memory_space<hbm>>
          tpu.enqueue_dma source(%dma_start3A_331 : memref<320x64xf32, #tpu.memory_space<hbm>>) target(%arg10 : memref<320x64xf32, #tpu.memory_space<vmem>>) target_semaphore(%arg18 : memref<!tpu.dma_semaphore, #tpu.memory_space<semaphore_mem>>)
        } else {
        }
        scf.yield %parallel_loop3A_314#0, %parallel_loop3A_314#1 : f32, i32
      } else {
        scf.yield %cond3A_289#0, %cond3A_289#1 : f32, i32
      }
      scf.yield %cond3A_298#0, %cond3A_298#1 : f32, i32
    }
    %while3A_126 = arith.constant 1 : i32
    %while3A_127:2 = scf.for %while3A_270 = %while3A_123 to %while3A_119 step %while3A_126 iter_args(%while3A_271 = %while3A_125#0, %while3A_272 = %while3A_125#1) -> (f32, i32)  : i32 {
      %mul3A_273 = arith.constant 3 : i32
      %mul3A_274 = arith.muli %mul3A_273, %while3A_270 : i32
      %add3A_275 = arith.constant 0 : i32
      %add3A_276 = arith.addi %mul3A_274, %add3A_275 : i32
      %add3A_277 = arith.constant 0 : i32
      %add3A_278 = arith.addi %mul3A_274, %add3A_277 : i32
      %lt3A = arith.cmpi slt, %add3A_278, %add3A_20 : i32
      %convert_element_type3A = arith.extui %lt3A : i1 to i32
      %cond3A = arith.constant 0 : i32
      %cond3A_279 = arith.cmpi ne, %convert_element_type3A, %cond3A : i32
      %cond3A_280:2 = scf.if %cond3A_279 -> (f32, i32) {
        %mul3A_299 = arith.constant 32 : i32
        %mul3A_300 = arith.muli %add3A_276, %mul3A_299 : i32
        %add3A_301 = arith.addi %add3A, %mul3A_300 : i32
        %mul3A_302 = arith.constant 320 : i32
        %mul3A_303 = arith.muli %add3A_301, %mul3A_302 : i32
        %dma_wait3A = arith.constant 0 : i32
        %dma_wait3A_304 = tpu.memref_slice %arg4[%mul3A_303, %dma_wait3A] : memref<1000000x64xf32, #tpu.memory_space<hbm>> -> memref<320x64xf32, #tpu.memory_space<hbm>>
        %dma_wait3A_305 = arith.constant 0 : i32
        %dma_wait3A_306 = tpu.memref_slice %arg4[%mul3A_303, %dma_wait3A_305] : memref<1000000x64xf32, #tpu.memory_space<hbm>> -> memref<320x64xf32, #tpu.memory_space<hbm>>
        tpu.wait_dma2 semaphore(%arg16 : memref<!tpu.dma_semaphore, #tpu.memory_space<semaphore_mem>>) src(%dma_wait3A_306 : memref<320x64xf32, #tpu.memory_space<hbm>>) dst(%arg8 : memref<320x64xf32, #tpu.memory_space<vmem>>)
        %mul3A_307 = arith.constant 32 : i32
        %mul3A_308 = arith.muli %add3A_276, %mul3A_307 : i32
        %add3A_309 = arith.addi %add3A, %mul3A_308 : i32
        %mul3A_310 = arith.constant 320 : i32
        %mul3A_311 = arith.muli %add3A_309, %mul3A_310 : i32
        %parallel_loop3A = arith.constant 0 : i32
        %parallel_loop3A_312 = arith.constant 320 : i32
        %parallel_loop3A_313 = arith.constant 1 : i32
        %parallel_loop3A_314:2 = scf.for %parallel_loop3A_321 = %parallel_loop3A to %parallel_loop3A_312 step %parallel_loop3A_313 iter_args(%parallel_loop3A_322 = %while3A_271, %parallel_loop3A_323 = %while3A_272) -> (f32, i32)  : i32 {
          %parallel_loop3A_324 = arith.index_cast %parallel_loop3A_321 : i32 to index
          %parallel_loop3A_325 = arith.constant 0 : index
          %parallel_loop3A_326 = tpu.vector_load %arg8[%parallel_loop3A_324, %parallel_loop3A_325] {strides = array<i32>} : memref<320x64xf32, #tpu.memory_space<vmem>>, vector<1x16xf32>,
          %parallel_loop3A_327 = vector.shape_cast %parallel_loop3A_326 : vector<1x16xf32> to vector<16xf32>
          %parallel_loop3A_328 = arith.mulf %parallel_loop3A_327, %sub3A_46 : vector<16xf32>
          %parallel_loop3A_329 = arith.index_cast %parallel_loop3A_321 : i32 to index
          %parallel_loop3A_330 = arith.constant 16 : index
          %parallel_loop3A_331 = tpu.vector_load %arg8[%parallel_loop3A_329, %parallel_loop3A_330] {strides = array<i32>} : memref<320x64xf32, #tpu.memory_space<vmem>>, vector<1x16xf32>,
          %parallel_loop3A_332 = vector.shape_cast %parallel_loop3A_331 : vector<1x16xf32> to vector<16xf32>
          %parallel_loop3A_333 = arith.mulf %parallel_loop3A_332, %sub3A_49 : vector<16xf32>
          %parallel_loop3A_334 = arith.index_cast %parallel_loop3A_321 : i32 to index
          %parallel_loop3A_335 = arith.constant 32 : index
          %parallel_loop3A_336 = tpu.vector_load %arg8[%parallel_loop3A_334, %parallel_loop3A_335] {strides = array<i32>} : memref<320x64xf32, #tpu.memory_space<vmem>>, vector<1x16xf32>,
          %parallel_loop3A_337 = vector.shape_cast %parallel_loop3A_336 : vector<1x16xf32> to vector<16xf32>
          %parallel_loop3A_338 = arith.mulf %parallel_loop3A_337, %add3A_52 : vector<16xf32>
          %parallel_loop3A_339 = arith.index_cast %parallel_loop3A_321 : i32 to index
          %parallel_loop3A_340 = arith.constant 48 : index
          %parallel_loop3A_341 = tpu.vector_load %arg8[%parallel_loop3A_339, %parallel_loop3A_340] {strides = array<i32>} : memref<320x64xf32, #tpu.memory_space<vmem>>, vector<1x16xf32>,
          %parallel_loop3A_342 = vector.shape_cast %parallel_loop3A_341 : vector<1x16xf32> to vector<16xf32>
          %parallel_loop3A_343 = arith.mulf %parallel_loop3A_342, %add3A_55 : vector<16xf32>
          %parallel_loop3A_344 = arith.addf %parallel_loop3A_328, %parallel_loop3A_333 : vector<16xf32>
          %parallel_loop3A_345 = arith.addf %parallel_loop3A_338, %parallel_loop3A_343 : vector<16xf32>
          %parallel_loop3A_346 = arith.addf %parallel_loop3A_344, %parallel_loop3A_345 : vector<16xf32>
          %parallel_loop3A_347 = arith.constant 0 : i32
          %parallel_loop3A_348 = vector.broadcast %parallel_loop3A_347 : i32 to vector<16xi32>
          %parallel_loop3A_349 = arith.cmpi slt, %xor3A_57, %parallel_loop3A_348 : vector<16xi32>
          %parallel_loop3A_350 = arith.constant 16 : i32
          %parallel_loop3A_351 = vector.broadcast %parallel_loop3A_350 : i32 to vector<16xi32>
          %parallel_loop3A_352 = arith.addi %xor3A_57, %parallel_loop3A_351 : vector<16xi32>
          %parallel_loop3A_353 = arith.select %parallel_loop3A_349, %parallel_loop3A_352, %xor3A_57 : vector<16xi1>, vector<16xi32>
          %parallel_loop3A_354 = vector.shape_cast %parallel_loop3A_353 : vector<16xi32> to vector<16x1xi32>
          %parallel_loop3A_355 = vector.shape_cast %parallel_loop3A_354 : vector<16x1xi32> to vector<16xi32>
          %parallel_loop3A_356 = tpu.dynamic_gather %parallel_loop3A_346[%parallel_loop3A_355] in [0] : vector<16xf32>, vector<16xi32> -> vector<16xf32>
          %parallel_loop3A_357 = arith.addf %parallel_loop3A_346, %parallel_loop3A_356 : vector<16xf32>
          %parallel_loop3A_358 = arith.constant 0 : i32
          %parallel_loop3A_359 = vector.broadcast %parallel_loop3A_358 : i32 to vector<16xi32>
          %parallel_loop3A_360 = arith.cmpi slt, %xor3A_60, %parallel_loop3A_359 : vector<16xi32>
          %parallel_loop3A_361 = arith.constant 16 : i32
          %parallel_loop3A_362 = vector.broadcast %parallel_loop3A_361 : i32 to vector<16xi32>
          %parallel_loop3A_363 = arith.addi %xor3A_60, %parallel_loop3A_362 : vector<16xi32>
          %parallel_loop3A_364 = arith.select %parallel_loop3A_360, %parallel_loop3A_363, %xor3A_60 : vector<16xi1>, vector<16xi32>
          %parallel_loop3A_365 = vector.shape_cast %parallel_loop3A_364 : vector<16xi32> to vector<16x1xi32>
          %parallel_loop3A_366 = vector.shape_cast %parallel_loop3A_365 : vector<16x1xi32> to vector<16xi32>
          %parallel_loop3A_367 = tpu.dynamic_gather %parallel_loop3A_357[%parallel_loop3A_366] in [0] : vector<16xf32>, vector<16xi32> -> vector<16xf32>
          %parallel_loop3A_368 = arith.addf %parallel_loop3A_357, %parallel_loop3A_367 : vector<16xf32>
          %parallel_loop3A_369 = arith.constant 0 : i32
          %parallel_loop3A_370 = vector.broadcast %parallel_loop3A_369 : i32 to vector<16xi32>
          %parallel_loop3A_371 = arith.cmpi slt, %xor3A_63, %parallel_loop3A_370 : vector<16xi32>
          %parallel_loop3A_372 = arith.constant 16 : i32
          %parallel_loop3A_373 = vector.broadcast %parallel_loop3A_372 : i32 to vector<16xi32>
          %parallel_loop3A_374 = arith.addi %xor3A_63, %parallel_loop3A_373 : vector<16xi32>
          %parallel_loop3A_375 = arith.select %parallel_loop3A_371, %parallel_loop3A_374, %xor3A_63 : vector<16xi1>, vector<16xi32>
          %parallel_loop3A_376 = vector.shape_cast %parallel_loop3A_375 : vector<16xi32> to vector<16x1xi32>
          %parallel_loop3A_377 = vector.shape_cast %parallel_loop3A_376 : vector<16x1xi32> to vector<16xi32>
          %parallel_loop3A_378 = tpu.dynamic_gather %parallel_loop3A_368[%parallel_loop3A_377] in [0] : vector<16xf32>, vector<16xi32> -> vector<16xf32>
          %parallel_loop3A_379 = arith.addf %parallel_loop3A_368, %parallel_loop3A_378 : vector<16xf32>
          %parallel_loop3A_380 = arith.constant 0 : i32
          %parallel_loop3A_381 = vector.broadcast %parallel_loop3A_380 : i32 to vector<16xi32>
          %parallel_loop3A_382 = arith.cmpi slt, %xor3A_66, %parallel_loop3A_381 : vector<16xi32>
          %parallel_loop3A_383 = arith.constant 16 : i32
          %parallel_loop3A_384 = vector.broadcast %parallel_loop3A_383 : i32 to vector<16xi32>
          %parallel_loop3A_385 = arith.addi %xor3A_66, %parallel_loop3A_384 : vector<16xi32>
          %parallel_loop3A_386 = arith.select %parallel_loop3A_382, %parallel_loop3A_385, %xor3A_66 : vector<16xi1>, vector<16xi32>
          %parallel_loop3A_387 = vector.shape_cast %parallel_loop3A_386 : vector<16xi32> to vector<16x1xi32>
          %parallel_loop3A_388 = vector.shape_cast %parallel_loop3A_387 : vector<16x1xi32> to vector<16xi32>
          %parallel_loop3A_389 = tpu.dynamic_gather %parallel_loop3A_379[%parallel_loop3A_388] in [0] : vector<16xf32>, vector<16xi32> -> vector<16xf32>
          %parallel_loop3A_390 = arith.addf %parallel_loop3A_379, %parallel_loop3A_389 : vector<16xf32>
          %parallel_loop3A_391 = vector.extract_strided_slice %parallel_loop3A_390 {offsets = [0], sizes = [1], strides = [1]} : vector<16xf32> to vector<1xf32>
          %parallel_loop3A_392 = vector.extract %parallel_loop3A_391[0] : f32 from vector<1xf32>
          %parallel_loop3A_393 = arith.addi %mul3A_311, %parallel_loop3A_321 : i32
          %parallel_loop3A_394 = arith.cmpf ogt, %parallel_loop3A_392, %parallel_loop3A_322 : f32
          %parallel_loop3A_395 = arith.cmpf oeq, %parallel_loop3A_392, %parallel_loop3A_322 : f32
          %parallel_loop3A_396 = arith.cmpi slt, %parallel_loop3A_393, %parallel_loop3A_323 : i32
          %parallel_loop3A_397 = arith.andi %parallel_loop3A_395, %parallel_loop3A_396 : i1
          %parallel_loop3A_398 = arith.ori %parallel_loop3A_394, %parallel_loop3A_397 : i1
          %parallel_loop3A_399 = arith.select %parallel_loop3A_398, %parallel_loop3A_392, %parallel_loop3A_322 : f32
          %parallel_loop3A_400 = arith.select %parallel_loop3A_398, %parallel_loop3A_393, %parallel_loop3A_323 : i32
          scf.yield %parallel_loop3A_399, %parallel_loop3A_400 : f32, i32
        } {sc.loop_unroll_factor = 8 : i64, sc.parallel_access}
        %add3A_315 = arith.constant 3 : i32
        %add3A_316 = arith.addi %add3A_276, %add3A_315 : i32
        %lt3A_317 = arith.cmpi slt, %add3A_316, %add3A_20 : i32
        %convert_element_type3A_318 = arith.extui %lt3A_317 : i1 to i32
        %cond3A_319 = arith.constant 0 : i32
        %cond3A_320 = arith.cmpi ne, %convert_element_type3A_318, %cond3A_319 : i32
        scf.if %cond3A_320 {
          %add3A_321 = arith.constant 3 : i32
          %add3A_322 = arith.addi %add3A_276, %add3A_321 : i32
          %mul3A_323 = arith.constant 32 : i32
          %mul3A_324 = arith.muli %add3A_322, %mul3A_323 : i32
          %add3A_325 = arith.addi %add3A, %mul3A_324 : i32
          %mul3A_326 = arith.constant 320 : i32
          %mul3A_327 = arith.muli %add3A_325, %mul3A_326 : i32
          %dma_start3A_328 = arith.constant 0 : i32
          %dma_start3A_329 = tpu.memref_slice %arg4[%mul3A_327, %dma_start3A_328] : memref<1000000x64xf32, #tpu.memory_space<hbm>> -> memref<320x64xf32, #tpu.memory_space<hbm>>
          %dma_start3A_330 = arith.constant 0 : i32
          %dma_start3A_331 = tpu.memref_slice %arg4[%mul3A_327, %dma_start3A_330] : memref<1000000x64xf32, #tpu.memory_space<hbm>> -> memref<320x64xf32, #tpu.memory_space<hbm>>
          tpu.enqueue_dma source(%dma_start3A_331 : memref<320x64xf32, #tpu.memory_space<hbm>>) target(%arg8 : memref<320x64xf32, #tpu.memory_space<vmem>>) target_semaphore(%arg16 : memref<!tpu.dma_semaphore, #tpu.memory_space<semaphore_mem>>)
        } else {
        }
        scf.yield %parallel_loop3A_314#0, %parallel_loop3A_314#1 : f32, i32
      } else {
        scf.yield %while3A_271, %while3A_272 : f32, i32
      }
      %add3A_281 = arith.constant 1 : i32
      %add3A_282 = arith.addi %mul3A_274, %add3A_281 : i32
      %add3A_283 = arith.constant 1 : i32
      %add3A_284 = arith.addi %mul3A_274, %add3A_283 : i32
      %lt3A_285 = arith.cmpi slt, %add3A_284, %add3A_20 : i32
      %convert_element_type3A_286 = arith.extui %lt3A_285 : i1 to i32
      %cond3A_287 = arith.constant 0 : i32
      %cond3A_288 = arith.cmpi ne, %convert_element_type3A_286, %cond3A_287 : i32
      %cond3A_289:2 = scf.if %cond3A_288 -> (f32, i32) {
        %mul3A_299 = arith.constant 32 : i32
        %mul3A_300 = arith.muli %add3A_282, %mul3A_299 : i32
        %add3A_301 = arith.addi %add3A, %mul3A_300 : i32
        %mul3A_302 = arith.constant 320 : i32
        %mul3A_303 = arith.muli %add3A_301, %mul3A_302 : i32
        %dma_wait3A = arith.constant 0 : i32
        %dma_wait3A_304 = tpu.memref_slice %arg4[%mul3A_303, %dma_wait3A] : memref<1000000x64xf32, #tpu.memory_space<hbm>> -> memref<320x64xf32, #tpu.memory_space<hbm>>
        %dma_wait3A_305 = arith.constant 0 : i32
        %dma_wait3A_306 = tpu.memref_slice %arg4[%mul3A_303, %dma_wait3A_305] : memref<1000000x64xf32, #tpu.memory_space<hbm>> -> memref<320x64xf32, #tpu.memory_space<hbm>>
        tpu.wait_dma2 semaphore(%arg17 : memref<!tpu.dma_semaphore, #tpu.memory_space<semaphore_mem>>) src(%dma_wait3A_306 : memref<320x64xf32, #tpu.memory_space<hbm>>) dst(%arg9 : memref<320x64xf32, #tpu.memory_space<vmem>>)
        %mul3A_307 = arith.constant 32 : i32
        %mul3A_308 = arith.muli %add3A_282, %mul3A_307 : i32
        %add3A_309 = arith.addi %add3A, %mul3A_308 : i32
        %mul3A_310 = arith.constant 320 : i32
        %mul3A_311 = arith.muli %add3A_309, %mul3A_310 : i32
        %parallel_loop3A = arith.constant 0 : i32
        %parallel_loop3A_312 = arith.constant 320 : i32
        %parallel_loop3A_313 = arith.constant 1 : i32
        %parallel_loop3A_314:2 = scf.for %parallel_loop3A_321 = %parallel_loop3A to %parallel_loop3A_312 step %parallel_loop3A_313 iter_args(%parallel_loop3A_322 = %cond3A_280#0, %parallel_loop3A_323 = %cond3A_280#1) -> (f32, i32)  : i32 {
          %parallel_loop3A_324 = arith.index_cast %parallel_loop3A_321 : i32 to index
          %parallel_loop3A_325 = arith.constant 0 : index
          %parallel_loop3A_326 = tpu.vector_load %arg9[%parallel_loop3A_324, %parallel_loop3A_325] {strides = array<i32>} : memref<320x64xf32, #tpu.memory_space<vmem>>, vector<1x16xf32>,
          %parallel_loop3A_327 = vector.shape_cast %parallel_loop3A_326 : vector<1x16xf32> to vector<16xf32>
          %parallel_loop3A_328 = arith.mulf %parallel_loop3A_327, %sub3A_46 : vector<16xf32>
          %parallel_loop3A_329 = arith.index_cast %parallel_loop3A_321 : i32 to index
          %parallel_loop3A_330 = arith.constant 16 : index
          %parallel_loop3A_331 = tpu.vector_load %arg9[%parallel_loop3A_329, %parallel_loop3A_330] {strides = array<i32>} : memref<320x64xf32, #tpu.memory_space<vmem>>, vector<1x16xf32>,
          %parallel_loop3A_332 = vector.shape_cast %parallel_loop3A_331 : vector<1x16xf32> to vector<16xf32>
          %parallel_loop3A_333 = arith.mulf %parallel_loop3A_332, %sub3A_49 : vector<16xf32>
          %parallel_loop3A_334 = arith.index_cast %parallel_loop3A_321 : i32 to index
          %parallel_loop3A_335 = arith.constant 32 : index
          %parallel_loop3A_336 = tpu.vector_load %arg9[%parallel_loop3A_334, %parallel_loop3A_335] {strides = array<i32>} : memref<320x64xf32, #tpu.memory_space<vmem>>, vector<1x16xf32>,
          %parallel_loop3A_337 = vector.shape_cast %parallel_loop3A_336 : vector<1x16xf32> to vector<16xf32>
          %parallel_loop3A_338 = arith.mulf %parallel_loop3A_337, %add3A_52 : vector<16xf32>
          %parallel_loop3A_339 = arith.index_cast %parallel_loop3A_321 : i32 to index
          %parallel_loop3A_340 = arith.constant 48 : index
          %parallel_loop3A_341 = tpu.vector_load %arg9[%parallel_loop3A_339, %parallel_loop3A_340] {strides = array<i32>} : memref<320x64xf32, #tpu.memory_space<vmem>>, vector<1x16xf32>,
          %parallel_loop3A_342 = vector.shape_cast %parallel_loop3A_341 : vector<1x16xf32> to vector<16xf32>
          %parallel_loop3A_343 = arith.mulf %parallel_loop3A_342, %add3A_55 : vector<16xf32>
          %parallel_loop3A_344 = arith.addf %parallel_loop3A_328, %parallel_loop3A_333 : vector<16xf32>
          %parallel_loop3A_345 = arith.addf %parallel_loop3A_338, %parallel_loop3A_343 : vector<16xf32>
          %parallel_loop3A_346 = arith.addf %parallel_loop3A_344, %parallel_loop3A_345 : vector<16xf32>
          %parallel_loop3A_347 = arith.constant 0 : i32
          %parallel_loop3A_348 = vector.broadcast %parallel_loop3A_347 : i32 to vector<16xi32>
          %parallel_loop3A_349 = arith.cmpi slt, %xor3A_57, %parallel_loop3A_348 : vector<16xi32>
          %parallel_loop3A_350 = arith.constant 16 : i32
          %parallel_loop3A_351 = vector.broadcast %parallel_loop3A_350 : i32 to vector<16xi32>
          %parallel_loop3A_352 = arith.addi %xor3A_57, %parallel_loop3A_351 : vector<16xi32>
          %parallel_loop3A_353 = arith.select %parallel_loop3A_349, %parallel_loop3A_352, %xor3A_57 : vector<16xi1>, vector<16xi32>
          %parallel_loop3A_354 = vector.shape_cast %parallel_loop3A_353 : vector<16xi32> to vector<16x1xi32>
          %parallel_loop3A_355 = vector.shape_cast %parallel_loop3A_354 : vector<16x1xi32> to vector<16xi32>
          %parallel_loop3A_356 = tpu.dynamic_gather %parallel_loop3A_346[%parallel_loop3A_355] in [0] : vector<16xf32>, vector<16xi32> -> vector<16xf32>
          %parallel_loop3A_357 = arith.addf %parallel_loop3A_346, %parallel_loop3A_356 : vector<16xf32>
          %parallel_loop3A_358 = arith.constant 0 : i32
          %parallel_loop3A_359 = vector.broadcast %parallel_loop3A_358 : i32 to vector<16xi32>
          %parallel_loop3A_360 = arith.cmpi slt, %xor3A_60, %parallel_loop3A_359 : vector<16xi32>
          %parallel_loop3A_361 = arith.constant 16 : i32
          %parallel_loop3A_362 = vector.broadcast %parallel_loop3A_361 : i32 to vector<16xi32>
          %parallel_loop3A_363 = arith.addi %xor3A_60, %parallel_loop3A_362 : vector<16xi32>
          %parallel_loop3A_364 = arith.select %parallel_loop3A_360, %parallel_loop3A_363, %xor3A_60 : vector<16xi1>, vector<16xi32>
          %parallel_loop3A_365 = vector.shape_cast %parallel_loop3A_364 : vector<16xi32> to vector<16x1xi32>
          %parallel_loop3A_366 = vector.shape_cast %parallel_loop3A_365 : vector<16x1xi32> to vector<16xi32>
          %parallel_loop3A_367 = tpu.dynamic_gather %parallel_loop3A_357[%parallel_loop3A_366] in [0] : vector<16xf32>, vector<16xi32> -> vector<16xf32>
          %parallel_loop3A_368 = arith.addf %parallel_loop3A_357, %parallel_loop3A_367 : vector<16xf32>
          %parallel_loop3A_369 = arith.constant 0 : i32
          %parallel_loop3A_370 = vector.broadcast %parallel_loop3A_369 : i32 to vector<16xi32>
          %parallel_loop3A_371 = arith.cmpi slt, %xor3A_63, %parallel_loop3A_370 : vector<16xi32>
          %parallel_loop3A_372 = arith.constant 16 : i32
          %parallel_loop3A_373 = vector.broadcast %parallel_loop3A_372 : i32 to vector<16xi32>
          %parallel_loop3A_374 = arith.addi %xor3A_63, %parallel_loop3A_373 : vector<16xi32>
          %parallel_loop3A_375 = arith.select %parallel_loop3A_371, %parallel_loop3A_374, %xor3A_63 : vector<16xi1>, vector<16xi32>
          %parallel_loop3A_376 = vector.shape_cast %parallel_loop3A_375 : vector<16xi32> to vector<16x1xi32>
          %parallel_loop3A_377 = vector.shape_cast %parallel_loop3A_376 : vector<16x1xi32> to vector<16xi32>
          %parallel_loop3A_378 = tpu.dynamic_gather %parallel_loop3A_368[%parallel_loop3A_377] in [0] : vector<16xf32>, vector<16xi32> -> vector<16xf32>
          %parallel_loop3A_379 = arith.addf %parallel_loop3A_368, %parallel_loop3A_378 : vector<16xf32>
          %parallel_loop3A_380 = arith.constant 0 : i32
          %parallel_loop3A_381 = vector.broadcast %parallel_loop3A_380 : i32 to vector<16xi32>
          %parallel_loop3A_382 = arith.cmpi slt, %xor3A_66, %parallel_loop3A_381 : vector<16xi32>
          %parallel_loop3A_383 = arith.constant 16 : i32
          %parallel_loop3A_384 = vector.broadcast %parallel_loop3A_383 : i32 to vector<16xi32>
          %parallel_loop3A_385 = arith.addi %xor3A_66, %parallel_loop3A_384 : vector<16xi32>
          %parallel_loop3A_386 = arith.select %parallel_loop3A_382, %parallel_loop3A_385, %xor3A_66 : vector<16xi1>, vector<16xi32>
          %parallel_loop3A_387 = vector.shape_cast %parallel_loop3A_386 : vector<16xi32> to vector<16x1xi32>
          %parallel_loop3A_388 = vector.shape_cast %parallel_loop3A_387 : vector<16x1xi32> to vector<16xi32>
          %parallel_loop3A_389 = tpu.dynamic_gather %parallel_loop3A_379[%parallel_loop3A_388] in [0] : vector<16xf32>, vector<16xi32> -> vector<16xf32>
          %parallel_loop3A_390 = arith.addf %parallel_loop3A_379, %parallel_loop3A_389 : vector<16xf32>
          %parallel_loop3A_391 = vector.extract_strided_slice %parallel_loop3A_390 {offsets = [0], sizes = [1], strides = [1]} : vector<16xf32> to vector<1xf32>
          %parallel_loop3A_392 = vector.extract %parallel_loop3A_391[0] : f32 from vector<1xf32>
          %parallel_loop3A_393 = arith.addi %mul3A_311, %parallel_loop3A_321 : i32
          %parallel_loop3A_394 = arith.cmpf ogt, %parallel_loop3A_392, %parallel_loop3A_322 : f32
          %parallel_loop3A_395 = arith.cmpf oeq, %parallel_loop3A_392, %parallel_loop3A_322 : f32
          %parallel_loop3A_396 = arith.cmpi slt, %parallel_loop3A_393, %parallel_loop3A_323 : i32
          %parallel_loop3A_397 = arith.andi %parallel_loop3A_395, %parallel_loop3A_396 : i1
          %parallel_loop3A_398 = arith.ori %parallel_loop3A_394, %parallel_loop3A_397 : i1
          %parallel_loop3A_399 = arith.select %parallel_loop3A_398, %parallel_loop3A_392, %parallel_loop3A_322 : f32
          %parallel_loop3A_400 = arith.select %parallel_loop3A_398, %parallel_loop3A_393, %parallel_loop3A_323 : i32
          scf.yield %parallel_loop3A_399, %parallel_loop3A_400 : f32, i32
        } {sc.loop_unroll_factor = 8 : i64, sc.parallel_access}
        %add3A_315 = arith.constant 3 : i32
        %add3A_316 = arith.addi %add3A_282, %add3A_315 : i32
        %lt3A_317 = arith.cmpi slt, %add3A_316, %add3A_20 : i32
        %convert_element_type3A_318 = arith.extui %lt3A_317 : i1 to i32
        %cond3A_319 = arith.constant 0 : i32
        %cond3A_320 = arith.cmpi ne, %convert_element_type3A_318, %cond3A_319 : i32
        scf.if %cond3A_320 {
          %add3A_321 = arith.constant 3 : i32
          %add3A_322 = arith.addi %add3A_282, %add3A_321 : i32
          %mul3A_323 = arith.constant 32 : i32
          %mul3A_324 = arith.muli %add3A_322, %mul3A_323 : i32
          %add3A_325 = arith.addi %add3A, %mul3A_324 : i32
          %mul3A_326 = arith.constant 320 : i32
          %mul3A_327 = arith.muli %add3A_325, %mul3A_326 : i32
          %dma_start3A_328 = arith.constant 0 : i32
          %dma_start3A_329 = tpu.memref_slice %arg4[%mul3A_327, %dma_start3A_328] : memref<1000000x64xf32, #tpu.memory_space<hbm>> -> memref<320x64xf32, #tpu.memory_space<hbm>>
          %dma_start3A_330 = arith.constant 0 : i32
          %dma_start3A_331 = tpu.memref_slice %arg4[%mul3A_327, %dma_start3A_330] : memref<1000000x64xf32, #tpu.memory_space<hbm>> -> memref<320x64xf32, #tpu.memory_space<hbm>>
          tpu.enqueue_dma source(%dma_start3A_331 : memref<320x64xf32, #tpu.memory_space<hbm>>) target(%arg9 : memref<320x64xf32, #tpu.memory_space<vmem>>) target_semaphore(%arg17 : memref<!tpu.dma_semaphore, #tpu.memory_space<semaphore_mem>>)
        } else {
        }
        scf.yield %parallel_loop3A_314#0, %parallel_loop3A_314#1 : f32, i32
      } else {
        scf.yield %cond3A_280#0, %cond3A_280#1 : f32, i32
      }
      %add3A_290 = arith.constant 2 : i32
      %add3A_291 = arith.addi %mul3A_274, %add3A_290 : i32
      %add3A_292 = arith.constant 2 : i32
      %add3A_293 = arith.addi %mul3A_274, %add3A_292 : i32
      %lt3A_294 = arith.cmpi slt, %add3A_293, %add3A_20 : i32
      %convert_element_type3A_295 = arith.extui %lt3A_294 : i1 to i32
      %cond3A_296 = arith.constant 0 : i32
      %cond3A_297 = arith.cmpi ne, %convert_element_type3A_295, %cond3A_296 : i32
      %cond3A_298:2 = scf.if %cond3A_297 -> (f32, i32) {
        %mul3A_299 = arith.constant 32 : i32
        %mul3A_300 = arith.muli %add3A_291, %mul3A_299 : i32
        %add3A_301 = arith.addi %add3A, %mul3A_300 : i32
        %mul3A_302 = arith.constant 320 : i32
        %mul3A_303 = arith.muli %add3A_301, %mul3A_302 : i32
        %dma_wait3A = arith.constant 0 : i32
        %dma_wait3A_304 = tpu.memref_slice %arg4[%mul3A_303, %dma_wait3A] : memref<1000000x64xf32, #tpu.memory_space<hbm>> -> memref<320x64xf32, #tpu.memory_space<hbm>>
        %dma_wait3A_305 = arith.constant 0 : i32
        %dma_wait3A_306 = tpu.memref_slice %arg4[%mul3A_303, %dma_wait3A_305] : memref<1000000x64xf32, #tpu.memory_space<hbm>> -> memref<320x64xf32, #tpu.memory_space<hbm>>
        tpu.wait_dma2 semaphore(%arg18 : memref<!tpu.dma_semaphore, #tpu.memory_space<semaphore_mem>>) src(%dma_wait3A_306 : memref<320x64xf32, #tpu.memory_space<hbm>>) dst(%arg10 : memref<320x64xf32, #tpu.memory_space<vmem>>)
        %mul3A_307 = arith.constant 32 : i32
        %mul3A_308 = arith.muli %add3A_291, %mul3A_307 : i32
        %add3A_309 = arith.addi %add3A, %mul3A_308 : i32
        %mul3A_310 = arith.constant 320 : i32
        %mul3A_311 = arith.muli %add3A_309, %mul3A_310 : i32
        %parallel_loop3A = arith.constant 0 : i32
        %parallel_loop3A_312 = arith.constant 320 : i32
        %parallel_loop3A_313 = arith.constant 1 : i32
        %parallel_loop3A_314:2 = scf.for %parallel_loop3A_321 = %parallel_loop3A to %parallel_loop3A_312 step %parallel_loop3A_313 iter_args(%parallel_loop3A_322 = %cond3A_289#0, %parallel_loop3A_323 = %cond3A_289#1) -> (f32, i32)  : i32 {
          %parallel_loop3A_324 = arith.index_cast %parallel_loop3A_321 : i32 to index
          %parallel_loop3A_325 = arith.constant 0 : index
          %parallel_loop3A_326 = tpu.vector_load %arg10[%parallel_loop3A_324, %parallel_loop3A_325] {strides = array<i32>} : memref<320x64xf32, #tpu.memory_space<vmem>>, vector<1x16xf32>,
          %parallel_loop3A_327 = vector.shape_cast %parallel_loop3A_326 : vector<1x16xf32> to vector<16xf32>
          %parallel_loop3A_328 = arith.mulf %parallel_loop3A_327, %sub3A_46 : vector<16xf32>
          %parallel_loop3A_329 = arith.index_cast %parallel_loop3A_321 : i32 to index
          %parallel_loop3A_330 = arith.constant 16 : index
          %parallel_loop3A_331 = tpu.vector_load %arg10[%parallel_loop3A_329, %parallel_loop3A_330] {strides = array<i32>} : memref<320x64xf32, #tpu.memory_space<vmem>>, vector<1x16xf32>,
          %parallel_loop3A_332 = vector.shape_cast %parallel_loop3A_331 : vector<1x16xf32> to vector<16xf32>
          %parallel_loop3A_333 = arith.mulf %parallel_loop3A_332, %sub3A_49 : vector<16xf32>
          %parallel_loop3A_334 = arith.index_cast %parallel_loop3A_321 : i32 to index
          %parallel_loop3A_335 = arith.constant 32 : index
          %parallel_loop3A_336 = tpu.vector_load %arg10[%parallel_loop3A_334, %parallel_loop3A_335] {strides = array<i32>} : memref<320x64xf32, #tpu.memory_space<vmem>>, vector<1x16xf32>,
          %parallel_loop3A_337 = vector.shape_cast %parallel_loop3A_336 : vector<1x16xf32> to vector<16xf32>
          %parallel_loop3A_338 = arith.mulf %parallel_loop3A_337, %add3A_52 : vector<16xf32>
          %parallel_loop3A_339 = arith.index_cast %parallel_loop3A_321 : i32 to index
          %parallel_loop3A_340 = arith.constant 48 : index
          %parallel_loop3A_341 = tpu.vector_load %arg10[%parallel_loop3A_339, %parallel_loop3A_340] {strides = array<i32>} : memref<320x64xf32, #tpu.memory_space<vmem>>, vector<1x16xf32>,
          %parallel_loop3A_342 = vector.shape_cast %parallel_loop3A_341 : vector<1x16xf32> to vector<16xf32>
          %parallel_loop3A_343 = arith.mulf %parallel_loop3A_342, %add3A_55 : vector<16xf32>
          %parallel_loop3A_344 = arith.addf %parallel_loop3A_328, %parallel_loop3A_333 : vector<16xf32>
          %parallel_loop3A_345 = arith.addf %parallel_loop3A_338, %parallel_loop3A_343 : vector<16xf32>
          %parallel_loop3A_346 = arith.addf %parallel_loop3A_344, %parallel_loop3A_345 : vector<16xf32>
          %parallel_loop3A_347 = arith.constant 0 : i32
          %parallel_loop3A_348 = vector.broadcast %parallel_loop3A_347 : i32 to vector<16xi32>
          %parallel_loop3A_349 = arith.cmpi slt, %xor3A_57, %parallel_loop3A_348 : vector<16xi32>
          %parallel_loop3A_350 = arith.constant 16 : i32
          %parallel_loop3A_351 = vector.broadcast %parallel_loop3A_350 : i32 to vector<16xi32>
          %parallel_loop3A_352 = arith.addi %xor3A_57, %parallel_loop3A_351 : vector<16xi32>
          %parallel_loop3A_353 = arith.select %parallel_loop3A_349, %parallel_loop3A_352, %xor3A_57 : vector<16xi1>, vector<16xi32>
          %parallel_loop3A_354 = vector.shape_cast %parallel_loop3A_353 : vector<16xi32> to vector<16x1xi32>
          %parallel_loop3A_355 = vector.shape_cast %parallel_loop3A_354 : vector<16x1xi32> to vector<16xi32>
          %parallel_loop3A_356 = tpu.dynamic_gather %parallel_loop3A_346[%parallel_loop3A_355] in [0] : vector<16xf32>, vector<16xi32> -> vector<16xf32>
          %parallel_loop3A_357 = arith.addf %parallel_loop3A_346, %parallel_loop3A_356 : vector<16xf32>
          %parallel_loop3A_358 = arith.constant 0 : i32
          %parallel_loop3A_359 = vector.broadcast %parallel_loop3A_358 : i32 to vector<16xi32>
          %parallel_loop3A_360 = arith.cmpi slt, %xor3A_60, %parallel_loop3A_359 : vector<16xi32>
          %parallel_loop3A_361 = arith.constant 16 : i32
          %parallel_loop3A_362 = vector.broadcast %parallel_loop3A_361 : i32 to vector<16xi32>
          %parallel_loop3A_363 = arith.addi %xor3A_60, %parallel_loop3A_362 : vector<16xi32>
          %parallel_loop3A_364 = arith.select %parallel_loop3A_360, %parallel_loop3A_363, %xor3A_60 : vector<16xi1>, vector<16xi32>
          %parallel_loop3A_365 = vector.shape_cast %parallel_loop3A_364 : vector<16xi32> to vector<16x1xi32>
          %parallel_loop3A_366 = vector.shape_cast %parallel_loop3A_365 : vector<16x1xi32> to vector<16xi32>
          %parallel_loop3A_367 = tpu.dynamic_gather %parallel_loop3A_357[%parallel_loop3A_366] in [0] : vector<16xf32>, vector<16xi32> -> vector<16xf32>
          %parallel_loop3A_368 = arith.addf %parallel_loop3A_357, %parallel_loop3A_367 : vector<16xf32>
          %parallel_loop3A_369 = arith.constant 0 : i32
          %parallel_loop3A_370 = vector.broadcast %parallel_loop3A_369 : i32 to vector<16xi32>
          %parallel_loop3A_371 = arith.cmpi slt, %xor3A_63, %parallel_loop3A_370 : vector<16xi32>
          %parallel_loop3A_372 = arith.constant 16 : i32
          %parallel_loop3A_373 = vector.broadcast %parallel_loop3A_372 : i32 to vector<16xi32>
          %parallel_loop3A_374 = arith.addi %xor3A_63, %parallel_loop3A_373 : vector<16xi32>
          %parallel_loop3A_375 = arith.select %parallel_loop3A_371, %parallel_loop3A_374, %xor3A_63 : vector<16xi1>, vector<16xi32>
          %parallel_loop3A_376 = vector.shape_cast %parallel_loop3A_375 : vector<16xi32> to vector<16x1xi32>
          %parallel_loop3A_377 = vector.shape_cast %parallel_loop3A_376 : vector<16x1xi32> to vector<16xi32>
          %parallel_loop3A_378 = tpu.dynamic_gather %parallel_loop3A_368[%parallel_loop3A_377] in [0] : vector<16xf32>, vector<16xi32> -> vector<16xf32>
          %parallel_loop3A_379 = arith.addf %parallel_loop3A_368, %parallel_loop3A_378 : vector<16xf32>
          %parallel_loop3A_380 = arith.constant 0 : i32
          %parallel_loop3A_381 = vector.broadcast %parallel_loop3A_380 : i32 to vector<16xi32>
          %parallel_loop3A_382 = arith.cmpi slt, %xor3A_66, %parallel_loop3A_381 : vector<16xi32>
          %parallel_loop3A_383 = arith.constant 16 : i32
          %parallel_loop3A_384 = vector.broadcast %parallel_loop3A_383 : i32 to vector<16xi32>
          %parallel_loop3A_385 = arith.addi %xor3A_66, %parallel_loop3A_384 : vector<16xi32>
          %parallel_loop3A_386 = arith.select %parallel_loop3A_382, %parallel_loop3A_385, %xor3A_66 : vector<16xi1>, vector<16xi32>
          %parallel_loop3A_387 = vector.shape_cast %parallel_loop3A_386 : vector<16xi32> to vector<16x1xi32>
          %parallel_loop3A_388 = vector.shape_cast %parallel_loop3A_387 : vector<16x1xi32> to vector<16xi32>
          %parallel_loop3A_389 = tpu.dynamic_gather %parallel_loop3A_379[%parallel_loop3A_388] in [0] : vector<16xf32>, vector<16xi32> -> vector<16xf32>
          %parallel_loop3A_390 = arith.addf %parallel_loop3A_379, %parallel_loop3A_389 : vector<16xf32>
          %parallel_loop3A_391 = vector.extract_strided_slice %parallel_loop3A_390 {offsets = [0], sizes = [1], strides = [1]} : vector<16xf32> to vector<1xf32>
          %parallel_loop3A_392 = vector.extract %parallel_loop3A_391[0] : f32 from vector<1xf32>
          %parallel_loop3A_393 = arith.addi %mul3A_311, %parallel_loop3A_321 : i32
          %parallel_loop3A_394 = arith.cmpf ogt, %parallel_loop3A_392, %parallel_loop3A_322 : f32
          %parallel_loop3A_395 = arith.cmpf oeq, %parallel_loop3A_392, %parallel_loop3A_322 : f32
          %parallel_loop3A_396 = arith.cmpi slt, %parallel_loop3A_393, %parallel_loop3A_323 : i32
          %parallel_loop3A_397 = arith.andi %parallel_loop3A_395, %parallel_loop3A_396 : i1
          %parallel_loop3A_398 = arith.ori %parallel_loop3A_394, %parallel_loop3A_397 : i1
          %parallel_loop3A_399 = arith.select %parallel_loop3A_398, %parallel_loop3A_392, %parallel_loop3A_322 : f32
          %parallel_loop3A_400 = arith.select %parallel_loop3A_398, %parallel_loop3A_393, %parallel_loop3A_323 : i32
          scf.yield %parallel_loop3A_399, %parallel_loop3A_400 : f32, i32
        } {sc.loop_unroll_factor = 8 : i64, sc.parallel_access}
        %add3A_315 = arith.constant 3 : i32
        %add3A_316 = arith.addi %add3A_291, %add3A_315 : i32
        %lt3A_317 = arith.cmpi slt, %add3A_316, %add3A_20 : i32
        %convert_element_type3A_318 = arith.extui %lt3A_317 : i1 to i32
        %cond3A_319 = arith.constant 0 : i32
        %cond3A_320 = arith.cmpi ne, %convert_element_type3A_318, %cond3A_319 : i32
        scf.if %cond3A_320 {
          %add3A_321 = arith.constant 3 : i32
          %add3A_322 = arith.addi %add3A_291, %add3A_321 : i32
          %mul3A_323 = arith.constant 32 : i32
          %mul3A_324 = arith.muli %add3A_322, %mul3A_323 : i32
          %add3A_325 = arith.addi %add3A, %mul3A_324 : i32
          %mul3A_326 = arith.constant 320 : i32
          %mul3A_327 = arith.muli %add3A_325, %mul3A_326 : i32
          %dma_start3A_328 = arith.constant 0 : i32
          %dma_start3A_329 = tpu.memref_slice %arg4[%mul3A_327, %dma_start3A_328] : memref<1000000x64xf32, #tpu.memory_space<hbm>> -> memref<320x64xf32, #tpu.memory_space<hbm>>
          %dma_start3A_330 = arith.constant 0 : i32
          %dma_start3A_331 = tpu.memref_slice %arg4[%mul3A_327, %dma_start3A_330] : memref<1000000x64xf32, #tpu.memory_space<hbm>> -> memref<320x64xf32, #tpu.memory_space<hbm>>
          tpu.enqueue_dma source(%dma_start3A_331 : memref<320x64xf32, #tpu.memory_space<hbm>>) target(%arg10 : memref<320x64xf32, #tpu.memory_space<vmem>>) target_semaphore(%arg18 : memref<!tpu.dma_semaphore, #tpu.memory_space<semaphore_mem>>)
        } else {
        }
        scf.yield %parallel_loop3A_314#0, %parallel_loop3A_314#1 : f32, i32
      } else {
        scf.yield %cond3A_289#0, %cond3A_289#1 : f32, i32
      }
      scf.yield %cond3A_298#0, %cond3A_298#1 : f32, i32
    }
    %broadcast_in_dim3A = vector.broadcast %while3A_127#0 : f32 to vector<16xf32>
    %swap3A = arith.constant 0 : i32
    %swap3A_128 = arith.index_cast %swap3A : i32 to index
    %swap3A_129 = arith.constant 0 : index
    %swap3A_130 = tpu.vector_load %arg13[%swap3A_128, %swap3A_129] {strides = array<i32>} : memref<8x16xf32, #tpu.memory_space<vmem>>, vector<1x16xf32>,
    %swap3A_131 = vector.shape_cast %swap3A_130 : vector<1x16xf32> to vector<16xf32>
    %swap3A_132 = vector.shape_cast %broadcast_in_dim3A : vector<16xf32> to vector<1x16xf32>
    tpu.vector_store %arg13[%swap3A_128, %swap3A_129], %swap3A_132 {strides = array<i32>} : memref<8x16xf32, #tpu.memory_space<vmem>>, vector<1x16xf32>,
    %broadcast_in_dim3A_133 = vector.broadcast %while3A_127#1 : i32 to vector<16xi32>
    %swap3A_134 = arith.constant 0 : i32
    %swap3A_135 = arith.index_cast %swap3A_134 : i32 to index
    %swap3A_136 = arith.constant 0 : index
    %swap3A_137 = tpu.vector_load %arg14[%swap3A_135, %swap3A_136] {strides = array<i32>} : memref<8x16xi32, #tpu.memory_space<vmem>>, vector<1x16xi32>,
    %swap3A_138 = vector.shape_cast %swap3A_137 : vector<1x16xi32> to vector<16xi32>
    %swap3A_139 = vector.shape_cast %broadcast_in_dim3A_133 : vector<16xi32> to vector<1x16xi32>
    tpu.vector_store %arg14[%swap3A_135, %swap3A_136], %swap3A_139 {strides = array<i32>} : memref<8x16xi32, #tpu.memory_space<vmem>>, vector<1x16xi32>,
    %broadcast_in_dim3A_140 = vector.broadcast %while3A_127#0 : f32 to vector<16xf32>
    %swap3A_141 = arith.constant 1 : i32
    %swap3A_142 = arith.index_cast %swap3A_141 : i32 to index
    %swap3A_143 = arith.constant 0 : index
    %swap3A_144 = tpu.vector_load %arg13[%swap3A_142, %swap3A_143] {strides = array<i32>} : memref<8x16xf32, #tpu.memory_space<vmem>>, vector<1x16xf32>,
    %swap3A_145 = vector.shape_cast %swap3A_144 : vector<1x16xf32> to vector<16xf32>
    %swap3A_146 = vector.shape_cast %broadcast_in_dim3A_140 : vector<16xf32> to vector<1x16xf32>
    tpu.vector_store %arg13[%swap3A_142, %swap3A_143], %swap3A_146 {strides = array<i32>} : memref<8x16xf32, #tpu.memory_space<vmem>>, vector<1x16xf32>,
    %broadcast_in_dim3A_147 = vector.broadcast %while3A_127#1 : i32 to vector<16xi32>
    %swap3A_148 = arith.constant 1 : i32
    %swap3A_149 = arith.index_cast %swap3A_148 : i32 to index
    %swap3A_150 = arith.constant 0 : index
    %swap3A_151 = tpu.vector_load %arg14[%swap3A_149, %swap3A_150] {strides = array<i32>} : memref<8x16xi32, #tpu.memory_space<vmem>>, vector<1x16xi32>,
    %swap3A_152 = vector.shape_cast %swap3A_151 : vector<1x16xi32> to vector<16xi32>
    %swap3A_153 = vector.shape_cast %broadcast_in_dim3A_147 : vector<16xi32> to vector<1x16xi32>
    tpu.vector_store %arg14[%swap3A_149, %swap3A_150], %swap3A_153 {strides = array<i32>} : memref<8x16xi32, #tpu.memory_space<vmem>>, vector<1x16xi32>,
    %broadcast_in_dim3A_154 = vector.broadcast %while3A_127#0 : f32 to vector<16xf32>
    %swap3A_155 = arith.constant 2 : i32
    %swap3A_156 = arith.index_cast %swap3A_155 : i32 to index
    %swap3A_157 = arith.constant 0 : index
    %swap3A_158 = tpu.vector_load %arg13[%swap3A_156, %swap3A_157] {strides = array<i32>} : memref<8x16xf32, #tpu.memory_space<vmem>>, vector<1x16xf32>,
    %swap3A_159 = vector.shape_cast %swap3A_158 : vector<1x16xf32> to vector<16xf32>
    %swap3A_160 = vector.shape_cast %broadcast_in_dim3A_154 : vector<16xf32> to vector<1x16xf32>
    tpu.vector_store %arg13[%swap3A_156, %swap3A_157], %swap3A_160 {strides = array<i32>} : memref<8x16xf32, #tpu.memory_space<vmem>>, vector<1x16xf32>,
    %broadcast_in_dim3A_161 = vector.broadcast %while3A_127#1 : i32 to vector<16xi32>
    %swap3A_162 = arith.constant 2 : i32
    %swap3A_163 = arith.index_cast %swap3A_162 : i32 to index
    %swap3A_164 = arith.constant 0 : index
    %swap3A_165 = tpu.vector_load %arg14[%swap3A_163, %swap3A_164] {strides = array<i32>} : memref<8x16xi32, #tpu.memory_space<vmem>>, vector<1x16xi32>,
    %swap3A_166 = vector.shape_cast %swap3A_165 : vector<1x16xi32> to vector<16xi32>
    %swap3A_167 = vector.shape_cast %broadcast_in_dim3A_161 : vector<16xi32> to vector<1x16xi32>
    tpu.vector_store %arg14[%swap3A_163, %swap3A_164], %swap3A_167 {strides = array<i32>} : memref<8x16xi32, #tpu.memory_space<vmem>>, vector<1x16xi32>,
    %broadcast_in_dim3A_168 = vector.broadcast %while3A_127#0 : f32 to vector<16xf32>
    %swap3A_169 = arith.constant 3 : i32
    %swap3A_170 = arith.index_cast %swap3A_169 : i32 to index
    %swap3A_171 = arith.constant 0 : index
    %swap3A_172 = tpu.vector_load %arg13[%swap3A_170, %swap3A_171] {strides = array<i32>} : memref<8x16xf32, #tpu.memory_space<vmem>>, vector<1x16xf32>,
    %swap3A_173 = vector.shape_cast %swap3A_172 : vector<1x16xf32> to vector<16xf32>
    %swap3A_174 = vector.shape_cast %broadcast_in_dim3A_168 : vector<16xf32> to vector<1x16xf32>
    tpu.vector_store %arg13[%swap3A_170, %swap3A_171], %swap3A_174 {strides = array<i32>} : memref<8x16xf32, #tpu.memory_space<vmem>>, vector<1x16xf32>,
    %broadcast_in_dim3A_175 = vector.broadcast %while3A_127#1 : i32 to vector<16xi32>
    %swap3A_176 = arith.constant 3 : i32
    %swap3A_177 = arith.index_cast %swap3A_176 : i32 to index
    %swap3A_178 = arith.constant 0 : index
    %swap3A_179 = tpu.vector_load %arg14[%swap3A_177, %swap3A_178] {strides = array<i32>} : memref<8x16xi32, #tpu.memory_space<vmem>>, vector<1x16xi32>,
    %swap3A_180 = vector.shape_cast %swap3A_179 : vector<1x16xi32> to vector<16xi32>
    %swap3A_181 = vector.shape_cast %broadcast_in_dim3A_175 : vector<16xi32> to vector<1x16xi32>
    tpu.vector_store %arg14[%swap3A_177, %swap3A_178], %swap3A_181 {strides = array<i32>} : memref<8x16xi32, #tpu.memory_space<vmem>>, vector<1x16xi32>,
    %broadcast_in_dim3A_182 = vector.broadcast %while3A_127#0 : f32 to vector<16xf32>
    %swap3A_183 = arith.constant 4 : i32
    %swap3A_184 = arith.index_cast %swap3A_183 : i32 to index
    %swap3A_185 = arith.constant 0 : index
    %swap3A_186 = tpu.vector_load %arg13[%swap3A_184, %swap3A_185] {strides = array<i32>} : memref<8x16xf32, #tpu.memory_space<vmem>>, vector<1x16xf32>,
    %swap3A_187 = vector.shape_cast %swap3A_186 : vector<1x16xf32> to vector<16xf32>
    %swap3A_188 = vector.shape_cast %broadcast_in_dim3A_182 : vector<16xf32> to vector<1x16xf32>
    tpu.vector_store %arg13[%swap3A_184, %swap3A_185], %swap3A_188 {strides = array<i32>} : memref<8x16xf32, #tpu.memory_space<vmem>>, vector<1x16xf32>,
    %broadcast_in_dim3A_189 = vector.broadcast %while3A_127#1 : i32 to vector<16xi32>
    %swap3A_190 = arith.constant 4 : i32
    %swap3A_191 = arith.index_cast %swap3A_190 : i32 to index
    %swap3A_192 = arith.constant 0 : index
    %swap3A_193 = tpu.vector_load %arg14[%swap3A_191, %swap3A_192] {strides = array<i32>} : memref<8x16xi32, #tpu.memory_space<vmem>>, vector<1x16xi32>,
    %swap3A_194 = vector.shape_cast %swap3A_193 : vector<1x16xi32> to vector<16xi32>
    %swap3A_195 = vector.shape_cast %broadcast_in_dim3A_189 : vector<16xi32> to vector<1x16xi32>
    tpu.vector_store %arg14[%swap3A_191, %swap3A_192], %swap3A_195 {strides = array<i32>} : memref<8x16xi32, #tpu.memory_space<vmem>>, vector<1x16xi32>,
    %broadcast_in_dim3A_196 = vector.broadcast %while3A_127#0 : f32 to vector<16xf32>
    %swap3A_197 = arith.constant 5 : i32
    %swap3A_198 = arith.index_cast %swap3A_197 : i32 to index
    %swap3A_199 = arith.constant 0 : index
    %swap3A_200 = tpu.vector_load %arg13[%swap3A_198, %swap3A_199] {strides = array<i32>} : memref<8x16xf32, #tpu.memory_space<vmem>>, vector<1x16xf32>,
    %swap3A_201 = vector.shape_cast %swap3A_200 : vector<1x16xf32> to vector<16xf32>
    %swap3A_202 = vector.shape_cast %broadcast_in_dim3A_196 : vector<16xf32> to vector<1x16xf32>
    tpu.vector_store %arg13[%swap3A_198, %swap3A_199], %swap3A_202 {strides = array<i32>} : memref<8x16xf32, #tpu.memory_space<vmem>>, vector<1x16xf32>,
    %broadcast_in_dim3A_203 = vector.broadcast %while3A_127#1 : i32 to vector<16xi32>
    %swap3A_204 = arith.constant 5 : i32
    %swap3A_205 = arith.index_cast %swap3A_204 : i32 to index
    %swap3A_206 = arith.constant 0 : index
    %swap3A_207 = tpu.vector_load %arg14[%swap3A_205, %swap3A_206] {strides = array<i32>} : memref<8x16xi32, #tpu.memory_space<vmem>>, vector<1x16xi32>,
    %swap3A_208 = vector.shape_cast %swap3A_207 : vector<1x16xi32> to vector<16xi32>
    %swap3A_209 = vector.shape_cast %broadcast_in_dim3A_203 : vector<16xi32> to vector<1x16xi32>
    tpu.vector_store %arg14[%swap3A_205, %swap3A_206], %swap3A_209 {strides = array<i32>} : memref<8x16xi32, #tpu.memory_space<vmem>>, vector<1x16xi32>,
    %broadcast_in_dim3A_210 = vector.broadcast %while3A_127#0 : f32 to vector<16xf32>
    %swap3A_211 = arith.constant 6 : i32
    %swap3A_212 = arith.index_cast %swap3A_211 : i32 to index
    %swap3A_213 = arith.constant 0 : index
    %swap3A_214 = tpu.vector_load %arg13[%swap3A_212, %swap3A_213] {strides = array<i32>} : memref<8x16xf32, #tpu.memory_space<vmem>>, vector<1x16xf32>,
    %swap3A_215 = vector.shape_cast %swap3A_214 : vector<1x16xf32> to vector<16xf32>
    %swap3A_216 = vector.shape_cast %broadcast_in_dim3A_210 : vector<16xf32> to vector<1x16xf32>
    tpu.vector_store %arg13[%swap3A_212, %swap3A_213], %swap3A_216 {strides = array<i32>} : memref<8x16xf32, #tpu.memory_space<vmem>>, vector<1x16xf32>,
    %broadcast_in_dim3A_217 = vector.broadcast %while3A_127#1 : i32 to vector<16xi32>
    %swap3A_218 = arith.constant 6 : i32
    %swap3A_219 = arith.index_cast %swap3A_218 : i32 to index
    %swap3A_220 = arith.constant 0 : index
    %swap3A_221 = tpu.vector_load %arg14[%swap3A_219, %swap3A_220] {strides = array<i32>} : memref<8x16xi32, #tpu.memory_space<vmem>>, vector<1x16xi32>,
    %swap3A_222 = vector.shape_cast %swap3A_221 : vector<1x16xi32> to vector<16xi32>
    %swap3A_223 = vector.shape_cast %broadcast_in_dim3A_217 : vector<16xi32> to vector<1x16xi32>
    tpu.vector_store %arg14[%swap3A_219, %swap3A_220], %swap3A_223 {strides = array<i32>} : memref<8x16xi32, #tpu.memory_space<vmem>>, vector<1x16xi32>,
    %broadcast_in_dim3A_224 = vector.broadcast %while3A_127#0 : f32 to vector<16xf32>
    %swap3A_225 = arith.constant 7 : i32
    %swap3A_226 = arith.index_cast %swap3A_225 : i32 to index
    %swap3A_227 = arith.constant 0 : index
    %swap3A_228 = tpu.vector_load %arg13[%swap3A_226, %swap3A_227] {strides = array<i32>} : memref<8x16xf32, #tpu.memory_space<vmem>>, vector<1x16xf32>,
    %swap3A_229 = vector.shape_cast %swap3A_228 : vector<1x16xf32> to vector<16xf32>
    %swap3A_230 = vector.shape_cast %broadcast_in_dim3A_224 : vector<16xf32> to vector<1x16xf32>
    tpu.vector_store %arg13[%swap3A_226, %swap3A_227], %swap3A_230 {strides = array<i32>} : memref<8x16xf32, #tpu.memory_space<vmem>>, vector<1x16xf32>,
    %broadcast_in_dim3A_231 = vector.broadcast %while3A_127#1 : i32 to vector<16xi32>
    %swap3A_232 = arith.constant 7 : i32
    %swap3A_233 = arith.index_cast %swap3A_232 : i32 to index
    %swap3A_234 = arith.constant 0 : index
    %swap3A_235 = tpu.vector_load %arg14[%swap3A_233, %swap3A_234] {strides = array<i32>} : memref<8x16xi32, #tpu.memory_space<vmem>>, vector<1x16xi32>,
    %swap3A_236 = vector.shape_cast %swap3A_235 : vector<1x16xi32> to vector<16xi32>
    %swap3A_237 = vector.shape_cast %broadcast_in_dim3A_231 : vector<16xi32> to vector<1x16xi32>
    tpu.vector_store %arg14[%swap3A_233, %swap3A_234], %swap3A_237 {strides = array<i32>} : memref<8x16xi32, #tpu.memory_space<vmem>>, vector<1x16xi32>,
    %mul3A_238 = arith.constant 8 : i32
    %mul3A_239 = arith.muli %add3A, %mul3A_238 : i32
    "tpu.region"() ({
      %run_scoped3A = tpu.sem_alloc : memref<!tpu.dma_semaphore, #tpu.memory_space<semaphore_mem>>
      %dma_start3A_270 = arith.constant 0 : i32
      %dma_start3A_271 = tpu.memref_slice %arg5[%mul3A_239, %dma_start3A_270] : memref<256x16xf32, #tpu.memory_space<hbm>> -> memref<8x16xf32, #tpu.memory_space<hbm>>
      %dma_start3A_272 = arith.constant 0 : i32
      %dma_start3A_273 = tpu.memref_slice %arg5[%mul3A_239, %dma_start3A_272] : memref<256x16xf32, #tpu.memory_space<hbm>> -> memref<8x16xf32, #tpu.memory_space<hbm>>
      tpu.enqueue_dma source(%arg13 : memref<8x16xf32, #tpu.memory_space<vmem>>) target(%dma_start3A_273 : memref<8x16xf32, #tpu.memory_space<hbm>>) target_semaphore(%run_scoped3A : memref<!tpu.dma_semaphore, #tpu.memory_space<semaphore_mem>>)
      %dma_wait3A = arith.constant 0 : i32
      %dma_wait3A_274 = tpu.memref_slice %arg5[%mul3A_239, %dma_wait3A] : memref<256x16xf32, #tpu.memory_space<hbm>> -> memref<8x16xf32, #tpu.memory_space<hbm>>
      %dma_wait3A_275 = arith.constant 0 : i32
      %dma_wait3A_276 = tpu.memref_slice %arg5[%mul3A_239, %dma_wait3A_275] : memref<256x16xf32, #tpu.memory_space<hbm>> -> memref<8x16xf32, #tpu.memory_space<hbm>>
      tpu.wait_dma2 semaphore(%run_scoped3A : memref<!tpu.dma_semaphore, #tpu.memory_space<semaphore_mem>>) src(%arg13 : memref<8x16xf32, #tpu.memory_space<vmem>>) dst(%dma_wait3A_276 : memref<8x16xf32, #tpu.memory_space<hbm>>)
      tpu.yield
    }) : () -> ()
    %mul3A_240 = arith.constant 8 : i32
    %mul3A_241 = arith.muli %add3A, %mul3A_240 : i32
    "tpu.region"() ({
      %run_scoped3A = tpu.sem_alloc : memref<!tpu.dma_semaphore, #tpu.memory_space<semaphore_mem>>
      %dma_start3A_270 = arith.constant 0 : i32
      %dma_start3A_271 = tpu.memref_slice %arg6[%mul3A_241, %dma_start3A_270] : memref<256x16xi32, #tpu.memory_space<hbm>> -> memref<8x16xi32, #tpu.memory_space<hbm>>
      %dma_start3A_272 = arith.constant 0 : i32
      %dma_start3A_273 = tpu.memref_slice %arg6[%mul3A_241, %dma_start3A_272] : memref<256x16xi32, #tpu.memory_space<hbm>> -> memref<8x16xi32, #tpu.memory_space<hbm>>
      tpu.enqueue_dma source(%arg14 : memref<8x16xi32, #tpu.memory_space<vmem>>) target(%dma_start3A_273 : memref<8x16xi32, #tpu.memory_space<hbm>>) target_semaphore(%run_scoped3A : memref<!tpu.dma_semaphore, #tpu.memory_space<semaphore_mem>>)
      %dma_wait3A = arith.constant 0 : i32
      %dma_wait3A_274 = tpu.memref_slice %arg6[%mul3A_241, %dma_wait3A] : memref<256x16xi32, #tpu.memory_space<hbm>> -> memref<8x16xi32, #tpu.memory_space<hbm>>
      %dma_wait3A_275 = arith.constant 0 : i32
      %dma_wait3A_276 = tpu.memref_slice %arg6[%mul3A_241, %dma_wait3A_275] : memref<256x16xi32, #tpu.memory_space<hbm>> -> memref<8x16xi32, #tpu.memory_space<hbm>>
      tpu.wait_dma2 semaphore(%run_scoped3A : memref<!tpu.dma_semaphore, #tpu.memory_space<semaphore_mem>>) src(%arg14 : memref<8x16xi32, #tpu.memory_space<vmem>>) dst(%dma_wait3A_276 : memref<8x16xi32, #tpu.memory_space<hbm>>)
      tpu.yield
    }) : () -> ()
    %jit3A_242 = arith.constant 16 : i32
    %div3A_243 = arith.divsi %while3A_127#1, %jit3A_242 : i32
    %sign3A_244 = arith.constant 0 : i32
    %sign3A_245 = arith.cmpi sgt, %while3A_127#1, %sign3A_244 : i32
    %sign3A_246 = arith.extui %sign3A_245 : i1 to i32
    %sign3A_247 = arith.constant 0 : i32
    %sign3A_248 = arith.cmpi slt, %while3A_127#1, %sign3A_247 : i32
    %sign3A_249 = arith.extui %sign3A_248 : i1 to i32
    %sign3A_250 = arith.subi %sign3A_246, %sign3A_249 : i32
    %sign3A_251 = arith.constant 0 : i32
    %sign3A_252 = arith.cmpi sgt, %jit3A_242, %sign3A_251 : i32
    %sign3A_253 = arith.extui %sign3A_252 : i1 to i32
    %sign3A_254 = arith.constant 0 : i32
    %sign3A_255 = arith.cmpi slt, %jit3A_242, %sign3A_254 : i32
    %sign3A_256 = arith.extui %sign3A_255 : i1 to i32
    %sign3A_257 = arith.subi %sign3A_253, %sign3A_256 : i32
    %ne3A_258 = arith.cmpi ne, %sign3A_250, %sign3A_257 : i32
    %rem3A_259 = arith.remsi %while3A_127#1, %jit3A_242 : i32
    %ne3A_260 = arith.constant 0 : i32
    %ne3A_261 = arith.cmpi ne, %rem3A_259, %ne3A_260 : i32
    %and3A_262 = arith.andi %ne3A_258, %ne3A_261 : i1
    %sub3A_263 = arith.constant 1 : i32
    %sub3A_264 = arith.subi %div3A_243, %sub3A_263 : i32
    %select_n3A_265 = arith.select %and3A_262, %sub3A_264, %div3A_243 : i32
    %mul3A_266 = arith.constant 16 : i32
    %mul3A_267 = arith.muli %select_n3A_265, %mul3A_266 : i32
    %multiple_of3A = tpu.assume_multiple %mul3A_267, 16 : i32
    "tpu.region"() ({
      %run_scoped3A = tpu.sem_alloc : memref<!tpu.dma_semaphore, #tpu.memory_space<semaphore_mem>>
      %dma_start3A_270 = arith.constant 0 : i32
      %dma_start3A_271 = tpu.memref_slice %arg4[%multiple_of3A, %dma_start3A_270] : memref<1000000x64xf32, #tpu.memory_space<hbm>> -> memref<16x64xf32, #tpu.memory_space<hbm>>
      %dma_start3A_272 = arith.constant 0 : i32
      %dma_start3A_273 = tpu.memref_slice %arg4[%multiple_of3A, %dma_start3A_272] : memref<1000000x64xf32, #tpu.memory_space<hbm>> -> memref<16x64xf32, #tpu.memory_space<hbm>>
      tpu.enqueue_dma source(%dma_start3A_273 : memref<16x64xf32, #tpu.memory_space<hbm>>) target(%arg15 : memref<16x64xf32, #tpu.memory_space<vmem>>) target_semaphore(%run_scoped3A : memref<!tpu.dma_semaphore, #tpu.memory_space<semaphore_mem>>)
      %dma_wait3A = arith.constant 0 : i32
      %dma_wait3A_274 = tpu.memref_slice %arg4[%multiple_of3A, %dma_wait3A] : memref<1000000x64xf32, #tpu.memory_space<hbm>> -> memref<16x64xf32, #tpu.memory_space<hbm>>
      %dma_wait3A_275 = arith.constant 0 : i32
      %dma_wait3A_276 = tpu.memref_slice %arg4[%multiple_of3A, %dma_wait3A_275] : memref<1000000x64xf32, #tpu.memory_space<hbm>> -> memref<16x64xf32, #tpu.memory_space<hbm>>
      tpu.wait_dma2 semaphore(%run_scoped3A : memref<!tpu.dma_semaphore, #tpu.memory_space<semaphore_mem>>) src(%dma_wait3A_276 : memref<16x64xf32, #tpu.memory_space<hbm>>) dst(%arg15 : memref<16x64xf32, #tpu.memory_space<vmem>>)
      tpu.yield
    }) : () -> ()
    %mul3A_268 = arith.constant 16 : i32
    %mul3A_269 = arith.muli %add3A, %mul3A_268 : i32
    "tpu.region"() ({
      %run_scoped3A = tpu.sem_alloc : memref<!tpu.dma_semaphore, #tpu.memory_space<semaphore_mem>>
      %dma_start3A_270 = arith.constant 0 : i32
      %dma_start3A_271 = tpu.memref_slice %arg7[%mul3A_269, %dma_start3A_270] : memref<512x64xf32, #tpu.memory_space<hbm>> -> memref<16x64xf32, #tpu.memory_space<hbm>>
      %dma_start3A_272 = arith.constant 0 : i32
      %dma_start3A_273 = tpu.memref_slice %arg7[%mul3A_269, %dma_start3A_272] : memref<512x64xf32, #tpu.memory_space<hbm>> -> memref<16x64xf32, #tpu.memory_space<hbm>>
      tpu.enqueue_dma source(%arg15 : memref<16x64xf32, #tpu.memory_space<vmem>>) target(%dma_start3A_273 : memref<16x64xf32, #tpu.memory_space<hbm>>) target_semaphore(%run_scoped3A : memref<!tpu.dma_semaphore, #tpu.memory_space<semaphore_mem>>)
      %dma_wait3A = arith.constant 0 : i32
      %dma_wait3A_274 = tpu.memref_slice %arg7[%mul3A_269, %dma_wait3A] : memref<512x64xf32, #tpu.memory_space<hbm>> -> memref<16x64xf32, #tpu.memory_space<hbm>>
      %dma_wait3A_275 = arith.constant 0 : i32
      %dma_wait3A_276 = tpu.memref_slice %arg7[%mul3A_269, %dma_wait3A_275] : memref<512x64xf32, #tpu.memory_space<hbm>> -> memref<16x64xf32, #tpu.memory_space<hbm>>
      tpu.wait_dma2 semaphore(%run_scoped3A : memref<!tpu.dma_semaphore, #tpu.memory_space<semaphore_mem>>) src(%arg15 : memref<16x64xf32, #tpu.memory_space<vmem>>) dst(%dma_wait3A_276 : memref<16x64xf32, #tpu.memory_space<hbm>>)
      tpu.yield
    }) : () -> ()
    return
  }
}

module attributes {stable_mosaic.version = 14 : i64} {
  func.func @_merge_body(%arg0: memref<256x16xf32, #tpu.memory_space<vmem>>, %arg1: memref<256x16xi32, #tpu.memory_space<vmem>>, %arg2: memref<512x64xf32, #tpu.memory_space<vmem>>, %arg3: memref<64xf32, #tpu.memory_space<vmem>>) attributes {dimension_semantics = [], scalar_prefetch = 0 : i64, scratch_operands = 0 : i64, tpu.core_type = #tpu.core_type<tc>} {
    %get3A = arith.constant 0 : index
    %get3A_0 = arith.constant 0 : index
    %get3A_1 = vector.load %arg0[%get3A, %get3A_0] : memref<256x16xf32, #tpu.memory_space<vmem>>, vector<256x16xf32>
    %get3A_2 = arith.constant 0 : index
    %get3A_3 = arith.constant 0 : index
    %get3A_4 = vector.load %arg1[%get3A_2, %get3A_3] : memref<256x16xi32, #tpu.memory_space<vmem>>, vector<256x16xi32>
    %reduce_max3A = vector.shape_cast %get3A_1 : vector<256x16xf32> to vector<1x256x16xf32>
    %reduce_max3A_5 = arith.constant dense<0xFF800000> : vector<1xf32>
    %reduce_max3A_6 = vector.multi_reduction <maximumf>, %reduce_max3A, %reduce_max3A_5 [1, 2] : vector<1x256x16xf32> to vector<1xf32>
    %reduce_max3A_7 = vector.shape_cast %reduce_max3A_6 : vector<1xf32> to vector<1x1x1xf32>
    %reduce_max3A_8 = vector.extract %reduce_max3A_7[0, 0, 0] : f32 from vector<1x1x1xf32>
    %ge3A = vector.broadcast %reduce_max3A_8 : f32 to vector<256x16xf32>
    %ge3A_9 = arith.cmpf oge, %get3A_1, %ge3A : vector<256x16xf32>
    %jit3A = arith.constant 2147483647 : i32
    %broadcast_in_dim3A = vector.broadcast %jit3A : i32 to vector<256x16xi32>
    %select_n3A = arith.select %ge3A_9, %get3A_4, %broadcast_in_dim3A : vector<256x16xi1>, vector<256x16xi32>
    %reduce_min3A = vector.shape_cast %select_n3A : vector<256x16xi32> to vector<1x256x16xi32>
    %reduce_min3A_10 = arith.constant dense<2147483647> : vector<1xi32>
    %reduce_min3A_11 = vector.multi_reduction <minsi>, %reduce_min3A, %reduce_min3A_10 [1, 2] : vector<1x256x16xi32> to vector<1xi32>
    %reduce_min3A_12 = vector.shape_cast %reduce_min3A_11 : vector<1xi32> to vector<1x1x1xi32>
    %reduce_min3A_13 = vector.extract %reduce_min3A_12[0, 0, 0] : i32 from vector<1x1x1xi32>
    %iota3A = tpu.iota {dimensions = array<i32: 0>} : vector<256x16xi32>
    %jit3A_14 = arith.constant 8 : i32
    %div3A = vector.broadcast %jit3A_14 : i32 to vector<256x16xi32>
    %div3A_15 = arith.divsi %iota3A, %div3A : vector<256x16xi32>
    %sign3A = arith.constant 0 : i32
    %sign3A_16 = vector.broadcast %sign3A : i32 to vector<256x16xi32>
    %sign3A_17 = arith.cmpi sgt, %iota3A, %sign3A_16 : vector<256x16xi32>
    %sign3A_18 = arith.extui %sign3A_17 : vector<256x16xi1> to vector<256x16xi32>
    %sign3A_19 = arith.constant 0 : i32
    %sign3A_20 = vector.broadcast %sign3A_19 : i32 to vector<256x16xi32>
    %sign3A_21 = arith.cmpi slt, %iota3A, %sign3A_20 : vector<256x16xi32>
    %sign3A_22 = arith.extui %sign3A_21 : vector<256x16xi1> to vector<256x16xi32>
    %sign3A_23 = arith.subi %sign3A_18, %sign3A_22 : vector<256x16xi32>
    %sign3A_24 = arith.constant 0 : i32
    %sign3A_25 = arith.cmpi sgt, %jit3A_14, %sign3A_24 : i32
    %sign3A_26 = arith.extui %sign3A_25 : i1 to i32
    %sign3A_27 = arith.constant 0 : i32
    %sign3A_28 = arith.cmpi slt, %jit3A_14, %sign3A_27 : i32
    %sign3A_29 = arith.extui %sign3A_28 : i1 to i32
    %sign3A_30 = arith.subi %sign3A_26, %sign3A_29 : i32
    %ne3A = vector.broadcast %sign3A_30 : i32 to vector<256x16xi32>
    %ne3A_31 = arith.cmpi ne, %sign3A_23, %ne3A : vector<256x16xi32>
    %rem3A = vector.broadcast %jit3A_14 : i32 to vector<256x16xi32>
    %rem3A_32 = arith.remsi %iota3A, %rem3A : vector<256x16xi32>
    %ne3A_33 = arith.constant 0 : i32
    %ne3A_34 = vector.broadcast %ne3A_33 : i32 to vector<256x16xi32>
    %ne3A_35 = arith.cmpi ne, %rem3A_32, %ne3A_34 : vector<256x16xi32>
    %and3A = arith.andi %ne3A_31, %ne3A_35 : vector<256x16xi1>
    %sub3A = arith.constant 1 : i32
    %sub3A_36 = vector.broadcast %sub3A : i32 to vector<256x16xi32>
    %sub3A_37 = arith.subi %div3A_15, %sub3A_36 : vector<256x16xi32>
    %select_n3A_38 = arith.select %and3A, %sub3A_37, %div3A_15 : vector<256x16xi1>, vector<256x16xi32>
    %eq3A = vector.broadcast %reduce_min3A_13 : i32 to vector<256x16xi32>
    %eq3A_39 = arith.cmpi eq, %get3A_4, %eq3A : vector<256x16xi32>
    %and3A_40 = arith.andi %ge3A_9, %eq3A_39 : vector<256x16xi1>
    %jit3A_41 = arith.constant 2147483647 : i32
    %broadcast_in_dim3A_42 = vector.broadcast %jit3A_41 : i32 to vector<256x16xi32>
    %select_n3A_43 = arith.select %and3A_40, %select_n3A_38, %broadcast_in_dim3A_42 : vector<256x16xi1>, vector<256x16xi32>
    %reduce_min3A_44 = vector.shape_cast %select_n3A_43 : vector<256x16xi32> to vector<1x256x16xi32>
    %reduce_min3A_45 = arith.constant dense<2147483647> : vector<1xi32>
    %reduce_min3A_46 = vector.multi_reduction <minsi>, %reduce_min3A_44, %reduce_min3A_45 [1, 2] : vector<1x256x16xi32> to vector<1xi32>
    %reduce_min3A_47 = vector.shape_cast %reduce_min3A_46 : vector<1xi32> to vector<1x1x1xi32>
    %reduce_min3A_48 = vector.extract %reduce_min3A_47[0, 0, 0] : i32 from vector<1x1x1xi32>
    %get3A_49 = arith.constant 0 : index
    %get3A_50 = arith.constant 0 : index
    %get3A_51 = vector.load %arg2[%get3A_49, %get3A_50] : memref<512x64xf32, #tpu.memory_space<vmem>>, vector<512x64xf32>
    %mul3A = arith.constant 16 : i32
    %mul3A_52 = arith.muli %reduce_min3A_48, %mul3A : i32
    %jit3A_53 = arith.constant 16 : i32
    %eq3A_54 = arith.constant 0 : i32
    %eq3A_55 = arith.cmpi eq, %jit3A_53, %eq3A_54 : i32
    %jit3A_56 = arith.constant 1 : i32
    %select_n3A_57 = arith.select %eq3A_55, %jit3A_56, %jit3A_53 : i32
    %rem3A_58 = arith.remsi %reduce_min3A_13, %select_n3A_57 : i32
    %ne3A_59 = arith.constant 0 : i32
    %ne3A_60 = arith.cmpi ne, %rem3A_58, %ne3A_59 : i32
    %lt3A = arith.constant 0 : i32
    %lt3A_61 = arith.cmpi slt, %rem3A_58, %lt3A : i32
    %lt3A_62 = arith.constant 0 : i32
    %lt3A_63 = arith.cmpi slt, %select_n3A_57, %lt3A_62 : i32
    %ne3A_64 = arith.xori %lt3A_61, %lt3A_63 : i1
    %and3A_65 = arith.andi %ne3A_64, %ne3A_60 : i1
    %add3A = arith.addi %rem3A_58, %select_n3A_57 : i32
    %select_n3A_66 = arith.select %and3A_65, %add3A, %rem3A_58 : i32
    %add3A_67 = arith.addi %mul3A_52, %select_n3A_66 : i32
    %iota3A_68 = tpu.iota {dimensions = array<i32: 0>} : vector<512x64xi32>
    %eq3A_69 = vector.broadcast %add3A_67 : i32 to vector<512x64xi32>
    %eq3A_70 = arith.cmpi eq, %iota3A_68, %eq3A_69 : vector<512x64xi32>
    %jit3A_71 = arith.constant 0.000000e+00 : f32
    %broadcast_in_dim3A_72 = vector.broadcast %jit3A_71 : f32 to vector<512x64xf32>
    %select_n3A_73 = arith.select %eq3A_70, %get3A_51, %broadcast_in_dim3A_72 : vector<512x64xi1>, vector<512x64xf32>
    %reduce_sum3A = arith.constant dense<0.000000e+00> : vector<64xf32>
    %reduce_sum3A_74 = vector.multi_reduction <add>, %select_n3A_73, %reduce_sum3A [0] : vector<512x64xf32> to vector<64xf32>
    %swap3A = arith.constant 0 : index
    %swap3A_75 = vector.load %arg3[%swap3A] : memref<64xf32, #tpu.memory_space<vmem>>, vector<64xf32>
    tpu.vector_store %arg3[%swap3A], %reduce_sum3A_74 {strides = array<i32>} : memref<64xf32, #tpu.memory_space<vmem>>, vector<64xf32>,
    return
  }
}

</mosaic_0001>

<sc_bundles>
// kernel: kernel.4.cloned.1.call-start
scs
__scs_entry_jumppad:
0x0: {  	(pc) =	sbr.rel $0x88, $3  }
0x1: {  	(tag) =	ssettag $0x0;
	lr =	simm.s32 $0x1  }
0x2: {  	[smem:$0x3F9E] =	sst lr;
	_ =	strace $0xD0000000  }
0x3: {  	_ = 	snop  }
0x4: {  	_ = 	snop  }
0x5: {  	_ = 	snop  }
0x6: {  	_ = 	snop  }
0x7: {  	_ = 	snop  }
__scs_overlays_trampoline_lowered:
0x8: {  	[smem:$0x3FAD] =	sst s0  }
0x9: {  	[smem:$0x3FAE] =	sst s1  }
0xa: {  	[smem:$0x3FAF] =	sst s2  }
0xb: {  	[smem:$0x3FB0] =	sst s3  }
0xc: {  	[smem:$0x3FB1] =	sst s4  }
0xd: {  	[smem:$0x3FB2] =	sst s5  }
0xe: {  	[smem:$0x3FB3] =	sst s6  }
0xf: {  	[smem:$0x3FB4] =	sst s7  }
0x10: {  	[smem:$0x3FB5] =	sst s8  }
0x11: {  	[smem:$0x3FB6] =	sst s9;
	s0 =	simm.s32 @!p0 $0x0  }
0x12: {  	s1 =	sld [smem:$0x3F9C];
	s0 =	simm.s32 @p0 $0x1  }
0x13: {  	[smem:$0x3FB7] =	sst s0;
	s0 =	simm.s32 @!p1 $0x0  }
0x14: {  	s2 =	sld [smem:$0x3F9B];
	s0 =	simm.s32 @p1 $0x1  }
0x15: {  	[smem:$0x3FB8] =	sst s0;
	s0 =	simm.s32 @!p2 $0x0  }
0x16: {  	s3 =	sld [smem:$0x3FDB];
	s0 =	simm.s32 @p2 $0x1  }
0x17: {  	s4 =	simm.s32 $0x1BF5;
	[smem:$0x3FBA] =	sst s0  }
0x18: {  	s0 =	sld [smem:$0x3F9D];
	_ =	swait.ge [sflag:s4], $0x0  }
0x19: {  	s7 =	sld [smem:$0x3F9E]  }
0x1a: {  	s8 =	sadd.s32 $0xFFFFE003, lr  }
0x1b: {  	s9 =	sadd.s32 $0xFFFFFEF7, lr;
	s5 =	simm.s32 $0xFFFFFFFF;
	p2 =	slt.u32 s8, $0xFFFFF086  }
0x1c: {  	p1 =	slt.u32 s9, $0xF7A;
	s5 =	simm.s32 @!p2 $0x0  }
0x1d: {  	s5 =	simm.s32 @p1 $0x1;
	p0 =	seq.s32 s7, s2  }
0x1e: {  	s7 =	smul.u32 @!p0 $0xF7A, s2;
	p2 =	seq.s32 @!p0 s5, $0x0  }
0x1f: {  	s9 =	smul.u32 $0xF7A, s1;
	s8 =	simm.s32 @!p0 $0x1BF5;
	p2 =	por !p2, p0  }
0x20: {  	[sflag:s8] =	ssyncset.s32 @!p0 $0xFFFFF086;
	s6 =	sadd.s32 @!p0 s3, s7;
	s7 =	simm.s32 @!p0 $0x108  }
0x21: {  	s3 =	sadd.s32 s3, s9;
	s6 =	sadd.s32 @!p0 $0x88, s6;
	s7 =	simm.s32 @p2 $0x1082  }
0x22: {  	[simem:s7], [sflag:s8] =	dma.local @!p0 [hbm:s6], $0xF7A  }
0x23: {  	s9 =	sor.u32 $0xD0000000, s2;
	s6 =	simm.s32 $0x108;
	_ =	swait.ge @!p0 [sflag:s8], $0x0  }
0x24: {  	s3 =	sadd.s32 $0x88, s3;
	s6 =	simm.s32 @!p1 $0x1082;
	[sflag:s4] =	ssyncset.s32 $0xFFFFF086  }
0x25: {  	[simem:s6], [sflag:s4] =	dma.local [hbm:s3], $0xF7A  }
0x26: {  	[smem:$0x3F9E] =	sst s1;
	(tag) =	ssettag s2;
	_ =	strace s9  }
0x27: {  	s1 =	sld [smem:$0x3FAE]  }
0x28: {  	s2 =	sld [smem:$0x3FAF]  }
0x29: {  	s4 =	sld [smem:$0x3FB1]  }
0x2a: {  	p0 =	seq.s32 s5, $0x0;
	s5 =	sld [smem:$0x3FB2]  }
0x2b: {  	s6 =	sld [smem:$0x3FB3]  }
0x2c: {  	s7 =	sld [smem:$0x3FB4]  }
0x2d: {  	s3 =	simm.s32 $0x108;
	s8 =	sld [smem:$0x3FB5]  }
0x2e: {  	s3 =	simm.s32 @!p0 $0x1082;
	s9 =	sld [smem:$0x3FB6]  }
0x2f: {  	lr =	sadd.s32 s0, s3;
	s0 =	sld [smem:$0x3FAD]  }
0x30: {  	s3 =	sld [smem:$0x3FB0]  }
0x31: {  	[smem:$0x3FB9] =	sst s10  }
0x32: {  	s10 =	sld [smem:$0x3FB7];
	_ =	sdelay $0x3  }
0x33: {  	p0 =	seq.s32 s10, $0x1;
	s10 =	sld [smem:$0x3FB9];
	_ =	sdelay $0x3  }
0x34: {  	[smem:$0x3FB9] =	sst s10  }
0x35: {  	s10 =	sld [smem:$0x3FB8];
	_ =	sdelay $0x3  }
0x36: {  	p1 =	seq.s32 s10, $0x1;
	s10 =	sld [smem:$0x3FB9];
	_ =	sdelay $0x3  }
0x37: {  	[smem:$0x3FB9] =	sst s10  }
0x38: {  	s10 =	sld [smem:$0x3FBA]  }
0x39: {  	_ = 	snop;
	(pc) =	sbr.ind lr, $3  }
0x3a: {  	_ = 	snop  }
0x3b: {  	_ = 	snop  }
0x3c: {  	p2 =	seq.s32 s10, $0x1;
	s10 =	sld [smem:$0x3FB9]  }
0x3d: {  	_ =	shalt  }
0x3e: {  	_ =	shalt  }
0x3f: {  	_ =	shalt  }
0x40: {  	_ =	shalt  }
0x41: {  	_ =	shalt  }
0x42: {  	_ =	shalt  }
0x43: {  	_ =	shalt  }
0x44: {  	_ =	shalt  }
0x45: {  	_ =	shalt  }
0x46: {  	_ =	shalt  }
0x47: {  	_ =	shalt  }
0x48: {  	_ =	shalt  }
0x49: {  	_ =	shalt  }
0x4a: {  	_ =	shalt  }
0x4b: {  	_ =	shalt  }
0x4c: {  	_ =	shalt  }
0x4d: {  	_ =	shalt  }
0x4e: {  	_ =	shalt  }
0x4f: {  	_ =	shalt  }
0x50: {  	_ =	shalt  }
0x51: {  	_ =	shalt  }
0x52: {  	_ =	shalt  }
0x53: {  	_ =	shalt  }
0x54: {  	_ =	shalt  }
0x55: {  	_ =	shalt  }
0x56: {  	_ =	shalt  }
0x57: {  	_ =	shalt  }
0x58: {  	_ =	shalt  }
0x59: {  	_ =	shalt  }
0x5a: {  	_ =	shalt  }
0x5b: {  	_ =	shalt  }
0x5c: {  	_ =	shalt  }
0x5d: {  	_ =	shalt  }
0x5e: {  	_ =	shalt  }
0x5f: {  	_ =	shalt  }
0x60: {  	_ =	shalt  }
0x61: {  	_ =	shalt  }
0x62: {  	_ =	shalt  }
0x63: {  	_ =	shalt  }
0x64: {  	_ =	shalt  }
0x65: {  	_ =	shalt  }
0x66: {  	_ =	shalt  }
0x67: {  	_ =	shalt  }
0x68: {  	_ =	shalt  }
0x69: {  	_ =	shalt  }
0x6a: {  	_ =	shalt  }
0x6b: {  	_ =	shalt  }
0x6c: {  	_ =	shalt  }
0x6d: {  	_ =	shalt  }
0x6e: {  	_ =	shalt  }
0x6f: {  	_ =	shalt  }
0x70: {  	_ =	shalt  }
0x71: {  	_ =	shalt  }
0x72: {  	_ =	shalt  }
0x73: {  	_ =	shalt  }
0x74: {  	_ =	shalt  }
0x75: {  	_ =	shalt  }
0x76: {  	_ =	shalt  }
0x77: {  	_ =	shalt  }
0x78: {  	_ =	shalt  }
0x79: {  	_ =	shalt  }
0x7a: {  	_ =	shalt  }
0x7b: {  	_ =	shalt  }
0x7c: {  	_ =	shalt  }
0x7d: {  	_ =	shalt  }
0x7e: {  	_ =	shalt  }
0x7f: {  	_ =	shalt  }
0x80: {  	_ =	shalt  }
0x81: {  	_ =	shalt  }
0x82: {  	_ =	shalt  }
0x83: {  	_ =	shalt  }
0x84: {  	_ =	shalt  }
0x85: {  	_ =	shalt  }
0x86: {  	_ =	shalt  }
0x87: {  	_ =	shalt  }
.Lfunc_end0:
.L_simem_size_0:
called_computation_lowered:
.L_overlay_start_0:
0x88: {  	s2 =	sld [smem:$0x3FD9]  }
0x89: {  	s3 =	sld [smem:$0x3FFE];
	_ =	sdelay $0x1  }
0x8a: {  	s1 =	srdreg.scid  }
0x8b: {  	s0 =	sand.u32 $0x1, s1  }
0x8c: {  	s17 =	sshll.u32 s0, $0xA;
	s2 =	sadd.s32 s3, s2  }
0x8d: {  	s2 =	sadd.s32 s2, s17  }
0x8e: {  	[smem:$0x3FC5] =	sst s2  }
0x8f: {  	_ = 	snop  }
0x90: {  	s2 =	sld [smem:$0x3FC9]  }
0x91: {  	s18 =	sld [smem:$0x3FC8];
	(tm) =	ssettm $0x1  }
0x92: {  	s4 =	sld [smem:$0x3FFB];
	_ =	sdelay $0x3  }
0x93: {  	_ =	strace s4  }
0x94: {  	s4 =	sld [smem:$0x3FFC];
	_ =	sdelay $0x3  }
0x95: {  	_ =	strace s4  }
0x96: {  	s4 =	sld [smem:$0x3FFD];
	_ =	sdelay $0x3  }
0x97: {  	_ =	strace s4  }
0x98: {  	_ =	strace $0x8FFFFFFF  }
0x99: {  	s19 =	sld [smem:$0x3FDB];
	_ =	sdelay $0x1  }
0x9a: {  	s5 =	simm.s32 $_scs_section_size  }
0x9b: {  	s6 =	simm.s32 $_size__tile_overlayer_lowered;
	s7 =	simm.s32 $_tile_overlayer_lowered  }
0x9c: {  	s22 =	simm.s32 $0x1BFF;
	s21 =	sshll.u32 s7, $0x1;
	s4 =	sadd.s32 s5, s19  }
0x9d: {  	s8 =	simm.s32 $0x0;
	s20 =	sshll.u32 s6, $0x1;
	s6 =	sadd.s32 s21, s4  }
0x9e: {  	[timem:s8], [sflag:s22] =	dma.local [hbm:s6], s20  }
0x9f: {  	_ =	swait.ge [sflag:s22], s20  }
0xa0: {  	s5 =	ssub.s32 $0x0, s20;
	[sflag:s22] =	ssyncset.done $0x0  }
0xa1: {  	[sflag:s22] =	ssyncadd.s32 s5;
	_ =	sdelay $0x1  }
0xa2: {  	s23 =	simm.s32 $0x1B8B  }
0xa3: {  	_ =	swait.ge [sflag:s23], $0x1  }
0xa4: {  	[sflag:s23] =	ssyncset.done $0x0  }
0xa5: {  	s25 =	simm.s32 $0x1B8E;
	s24 =	sld [smem:$0x3FFE];
	[sflag:s23] =	ssyncadd.s32 $0xFFFFFFFF  }
0xa6: {  	s26 =	simm.s32 $execute0_lowered;
	[smem:$0x3FD2] =	sst s25  }
0xa7: {  	s6 =	sshll.u32 s26, $0x1;
	_ =	strace $0x80000046;
	[dreg:$0x1] =	wrdreg $0xFFFFFFFF  }
0xa8: {  	s28 =	simm.s32 $_size_execute0_lowered;
	s4 =	sadd.s32 s4, s6;
	[dreg:$0x0] =	wrdreg $0x0  }
0xa9: {  	s6 =	sshll.u32 s28, $0x1;
	[dreg:$0x2] =	wrdreg s4  }
0xaa: {  	[dreg:$0x3] =	wrdreg s6  }
0xab: {  	[dreg:$0x4] =	wrdreg $0xC0  }
0xac: {  	_ =	task [dreg:s8], $0x5FFFF  }
0xad: {  	[dreg:$0x1] =	wrdreg $0xFFFFFFFF  }
0xae: {  	[dreg:$0x0] =	wrdreg $0x60  }
0xaf: {  	[dreg:$0x2] =	wrdreg s2  }
0xb0: {  	[dreg:$0x3] =	wrdreg s18  }
0xb1: {  	[dreg:$0x4] =	wrdreg s24  }
0xb2: {  	[dreg:$0x5] =	wrdreg $0x9  }
0xb3: {  	_ =	task.clear_ibuf [dreg:s8], $0x6FFFF;
	_ =	strace $0x90000046  }
0xb4: {  	s29 =	simm.s32 $0x9;
	_ =	strace $0x80000048  }
0xb5: {  	_ =	swait.ge [sflag:s29], $0x1  }
0xb6: {  	[sflag:s29] =	ssyncadd.s32 $0xFFFFFFFF  }
0xb7: {  	_ =	strace $0x90000048  }
0xb8: {  	_ =	sfence  }
0xb9: {  	s30 =	sld [smem:$0x0];
	_ =	sdelay $0x2  }
0xba: {  	s31 =	sshll.u32 s1, $0xD;
	s1 =	sshrl.u32 s1, $0x2  }
0xbb: {  	s3 =	sand.u32 $0x4000, s31;
	s1 =	sadd.s32 s1, s30  }
0xbc: {  	s0 =	sor.u32 s3, s0;
	s1 =	sshll.u32 s1, $0x11  }
0xbd: {  	s0 =	sor.u32 s1, s0  }
0xbe: {  	s0 =	sadd.s32 $0x8F2B, s0  }
0xbf: {  	[sflag:s0] =	ssyncadd.remote.s32 $0x1  }
0xc0: {  	_ =	sfence.sel $0xFFFF  }
0xc1: {  	[dreg:$0x0] =	wrdreg $0xFFFFFFFF;
	(pc) =	sbr.abs _section_cstart, $3  }
0xc2: {  	[dreg:$0x1] =	wrdreg $0xFFFFFFFF  }
0xc3: {  	_ =	task.clear_ibuf [dreg:s8], $0x2FFFF;
	_ =	strace $0x9FFFFFFF  }
0xc4: {  	(tm) =	ssettm $0x7FFFFFFF  }
0xc5: {  	_ =	shalt  }
tec
execute0_lowered:
.L_overlay_start_1:
0x0: {  	(tag) =	ssettag $0x1  }
0x1: {  	s0 =	rddreg [dreg:$0x2]  }
0x2: {  	s4 =	simm.s32 $0x0;
	s1 =	srdreg.scid;
	s11 =	stileid.u32;
	v0 =	vimm.s32 $0xFEDCBA98  }
0x3: {  	v1 =	vimm.s32 $0x76543210;
	v2 =	vimm.s32 $0xBA98FEDC;
	v3 =	vimm.s32 $0x32107654;
	s17 =	simm.s32 $0x4;
	s21 =	simm.s32 $0x1;
	s22 =	simm.s32 $0x2  }
0x4: {  	v4 =	vimm.s32 $0xDCFE98BA;
	v5 =	vimm.s32 $0x54761032;
	s25 =	simm.s32 $0x1E900;
	s26 =	simm.s32 $0x3;
	s28 =	simm.s32 $0x0  }
0x5: {  	v6 =	vimm.s32 $0xEFCDAB89;
	v7 =	vimm.s32 $0x67452301;
	[smem:$0x7FF] =	sst s4;
	s1 =	sand.u32 $0x1, s1;
	s2 =	sshll.u32 s11, $0x1  }
0x6: {  	v0 =	vunpack.c.l.s4.s8 v0;
	s6 =	sadd.s32 $0xE00, s0;
	v1 =	vunpack.c.l.s4.s8 v1;
	s15 =	smul.u32 $0x280, s11;
	v2 =	vunpack.c.l.s4.s8 v2;
	_ =	strace $0x80000047  }
0x7: {  	v3 =	vunpack.c.l.s4.s8 v3;
	v4 =	vunpack.c.l.s4.s8 v4;
	v5 =	vunpack.c.l.s4.s8 v5;
	s5 =	sor.u32 s1, s2;
	s8 =	ssub.s32 $0x2, s1;
	s1 =	smul.u32 $0x140, s1  }
0x8: {  	v6 =	vunpack.c.l.s4.s8 v6;
	v7 =	vunpack.c.l.s4.s8 v7;
	s2 =	sshll.u32 s5, $0x7;
	s3 =	smul.u32 $0x1400, s5;
	s7 =	sshll.u32 s5, $0x8;
	v0 =	vunpack.c.0.s8.s32 v0  }
0x9: {  	s9 =	smul.u32 $0xA000, s5;
	s31 =	sshrl.u32 s8, $0x1;
	s10 =	ssub.s32 $0xC34, s5;
	v2 =	vunpack.c.0.s8.s32 v2;
	v3 =	vunpack.c.0.s8.s32 v3;
	v4 =	vunpack.c.0.s8.s32 v4  }
.Ltmp0:
0xa: {  	v5 =	vunpack.c.0.s8.s32 v5;
	v6 =	vunpack.c.0.s8.s32 v6;
	v7 =	vunpack.c.0.s8.s32 v7;
	s2 =	sadd.s32 s2, s0;
	s0 =	sadd.s32 s7, s0;
	(pc) =	sbr.rel .LBB2_1-.Ltmp0, $4  }
0xb: {  	v1 =	vunpack.c.0.s8.s32 v1;
	s14 =	ssub.s32 s8, s31;
	s7 =	sshrl.u32 s10, $0x5;
	s15 =	sadd.s32 s1, s15;
	v2 =	vcombine.low v3, v2  }
0xc: {  	s9 =	sshrl.u32 s9, $0x3;
	s10 =	sadd.s32 s6, s3;
	s11 =	sadd.s32 $0xF45200, s2;
	v3 =	vcombine.low v5, v4;
	v4 =	vcombine.low v7, v6;
	v0 =	vand.u32 $0xF, v0  }
0xd: {  	s12 =	sadd.s32 $0xF46200, s2;
	s13 =	sadd.s32 $0xF43200, s0;
	s9 =	sadd.s32 s6, s9;
	v0 =	vcombine.low v0, v1  }
0xe: {  	s14 =	smax.u32 s14, $0x1;
	s8 =	sadd.s32 $0x28000, s9;
	s9 =	sadd.s32 $0x50000, s9;
	v1 =	vand.u32 $0xF, v2;
	v2 =	vand.u32 $0xF, v3;
	v3 =	vand.u32 $0xF, v4  }
.LBB2_13:
0xf: {  	v4 =	vmov s30  }
0x10: {  	v5 =	vmov s29;
	[tilespmem:$0x1E100] =	vst v4  }
0x11: {  	[tilespmem:$0x1E500] =	vst v5  }
0x12: {  	[tilespmem:$0x1E180] =	vst v4  }
0x13: {  	[tilespmem:$0x1E580] =	vst v5  }
0x14: {  	[tilespmem:$0x1E200] =	vst v4  }
0x15: {  	[tilespmem:$0x1E600] =	vst v5  }
0x16: {  	[tilespmem:$0x1E280] =	vst v4  }
0x17: {  	[tilespmem:$0x1E680] =	vst v5  }
0x18: {  	[tilespmem:$0x1E300] =	vst v4  }
0x19: {  	[tilespmem:$0x1E700] =	vst v5  }
0x1a: {  	[tilespmem:$0x1E380] =	vst v4  }
0x1b: {  	[tilespmem:$0x1E780] =	vst v5  }
0x1c: {  	[tilespmem:$0x1E400] =	vst v4  }
0x1d: {  	[tilespmem:$0x1E800] =	vst v5  }
0x1e: {  	s0 =	simm.s32 $0x1E100;
	s30 =	sand.u32 $0xF, s29;
	[tilespmem:$0x1E480] =	vst v4  }
0x1f: {  	s31 =	sshra.s32 s29, $0x1F;
	p1 =	slt.s32 s29, $0x1;
	[tilespmem:$0x1E880] =	vst v5;
	p0 =	sne.s32 s30, $0x0  }
0x20: {  	[hbm4b:s11+s4] =	stream.linear.scatter [tilespmem:s0], [sflag:$0x4], $0x400, $0x38;
	[tilespmem:$0x1F100] =	vst v63  }
0x21: {  	s1 =	simm.s32 $0x1;
	s0 =	sshrl.u32 s31, $0x1C;
	p0 =	por !p1, !p0  }
0x22: {  	_ =	swait.ge [sflag:s17], $0x400;
	s0 =	sadd.s32 s0, s29;
	p0 =	por !p0, !p0  }
0x23: {  	[sflag:s17] =	ssyncset.done $0x0;
	s0 =	sshrl.u32 s0, $0x4;
	s1 =	simm.s32 @!p0 $0x0  }
0x24: {  	s24 =	simm.s32 $0x1E500;
	[sflag:s17] =	ssyncadd.s32 $0xFFFFFC00;
	s0 =	ssub.s32 s0, s1  }
0x25: {  	[hbm4b:s12+s4] =	stream.linear.scatter [tilespmem:s24], [sflag:$0x4], $0x400, $0x38;
	[tilespmem:$0x1F100] =	vst v63  }
0x26: {  	s0 =	sshll.u32 s0, $0x8;
	_ =	swait.ge [sflag:s17], $0x400  }
0x27: {  	s0 =	sand.u32 $0x1FFFFF00, s0;
	[sflag:s17] =	ssyncset.done $0x0  }
0x28: {  	s0 =	sadd.s32 s6, s0;
	[sflag:s17] =	ssyncadd.s32 $0xFFFFFC00  }
0x29: {  	[tilespmem:s25], [sflag:$0x4] =	stream.linear.gather [hbm4b:s0+s4], $0x800, $0x38;
	[tilespmem:$0x1F100] =	vst v63  }
0x2a: {  	s28 =	sadd.s32 $0x1, s28;
	_ =	swait.ge [sflag:s17], $0x800  }
0x2b: {  	p0 =	sne.s32 s28, s14;
	[sflag:s17] =	ssyncset.done $0x0  }
.Ltmp1:
0x2c: {  	[sflag:s17] =	ssyncadd.s32 $0xFFFFF800;
	(pc) =	sbr.rel @!p0 .LBB2_14-.Ltmp1, $4  }
0x2d: {  	[hbm4b:s13+s4] =	stream.linear.scatter [tilespmem:s25], [sflag:$0x4], $0x800, $0x38;
	[tilespmem:$0x1F100] =	vst v63  }
0x2e: {  	_ =	swait.ge [sflag:s17], $0x800  }
0x2f: {  	[sflag:s17] =	ssyncset.done $0x0  }
0x30: {  	[sflag:s17] =	ssyncadd.s32 $0xFFFFF800  }
.LBB2_1:
0x31: {  	s0 =	rddreg [dreg:$0x0];
	s1 =	simm.s32 $0x1E000  }
0x32: {  	[tilespmem:s1], [sflag:$0x4] =	stream.linear.gather [hbm4b:s0+s4], $0x80, $0x38;
	[tilespmem:$0x1F100] =	vst v63  }
0x33: {  	_ =	swait.ge [sflag:s17], $0x80  }
0x34: {  	[sflag:s17] =	ssyncset.done $0x0  }
0x35: {  	[sflag:s17] =	ssyncadd.s32 $0xFFFFFF80  }
0x36: {  	s20 =	simm.s32 $0x1E080;
	s19 =	rddreg [dreg:$0x1]  }
0x37: {  	[tilespmem:s20], [sflag:$0x4] =	stream.linear.gather [hbm4b:s19+s4], $0x80, $0x38;
	[tilespmem:$0x1F100] =	vst v63  }
0x38: {  	_ =	swait.ge [sflag:s17], $0x80  }
0x39: {  	[sflag:s17] =	ssyncset.done $0x0  }
0x3a: {  	[sflag:s17] =	ssyncadd.s32 $0xFFFFFF80  }
0x3b: {  	v4 =	vld [tilespmem:$0x1E000]  }
0x3c: {  	v5 =	vld [tilespmem:$0x1E010]  }
0x3d: {  	v6 =	vld [tilespmem:$0x1E020]  }
0x3e: {  	v7 =	vld [tilespmem:$0x1E030]  }
0x3f: {  	v8 =	vld [tilespmem:$0x1E080]  }
0x40: {  	v9 =	vld [tilespmem:$0x1E0A0]  }
0x41: {  	v10 =	vld [tilespmem:$0x1E090]  }
0x42: {  	v11 =	vld [tilespmem:$0x1E0B0];
	_ =	sdelay $0x2  }
0x43: {  	v12 =	vmul.f32 v8, v4  }
0x44: {  	[tilespmem:s4], [sflag:$0x1] =	stream.linear.gather [hbm4b:s10+s4], $0xA000, $0x38;
	v13 =	vmul.f32 v9, v6;
	v14 =	vmul.f32 v10, v5;
	[tilespmem:$0x1F100] =	vst v63  }
.Ltmp2:
0x45: {  	v6 =	vmul.f32 v8, v6;
	v8 =	vmul.f32 v11, v7;
	(pc) =	sbr.rel .LBB2_2-.Ltmp2, $4  }
0x46: {  	s23 =	simm.s32 $0xA000;
	s24 =	simm.s32 $0x14000;
	s30 =	simm.f32 $-Inf;
	v7 =	vmul.f32 v10, v7;
	v63 =	vmul.f32 v11, v5  }
0x47: {  	[tilespmem:s23], [sflag:$0x2] =	stream.linear.gather [hbm4b:s8+s4], $0xA000, $0x38;
	v9 =	vmul.f32 v9, v4;
	[tilespmem:$0x1F100] =	vst v63  }
0x48: {  	s31 =	smov.u32 s15;
	s29 =	simm.s32 $0x0;
	s0 =	simm.s32 $0x0;
	v5 =	vsub.f32 v14, v8;
	v7 =	vadd.f32 v63, v7  }
0x49: {  	[tilespmem:s24], [sflag:$0x3] =	stream.linear.gather [hbm4b:s9+s4], $0xA000, $0x38;
	v4 =	vsub.f32 v12, v13;
	v6 =	vadd.f32 v9, v6;
	[tilespmem:$0x1F100] =	vst v63  }
.LBB2_12:
0x4a: {  	s0 =	sadd.s32 $0x1, s0  }
0x4b: {  	p0 =	sne.s32 s0, $0x21  }
.Ltmp3:
0x4c: {  	_ = 	snop;
	(pc) =	sbr.rel @!p0 .LBB2_13-.Ltmp3, $2  }
0x4d: {  	_ =	sdelay $0x2  }
0x4e: {  	s31 =	sadd.s32 $0x7800, s31  }
.LBB2_2:
0x4f: {  	_ =	swait.ge [sflag:s21], $0xA000  }
0x50: {  	[sflag:s21] =	ssyncset.done $0x0  }
0x51: {  	s1 =	simm.s32 $0x200;
	[sflag:s21] =	ssyncadd.s32 $0xFFFF6000  }
0x52: {  	v8 =	vld [tilespmem:s1+$0xFFFFFE00]  }
0x53: {  	v9 =	vld [tilespmem:s1+$0xFFFFFE30]  }
0x54: {  	v10 =	vld [tilespmem:s1+$0xFFFFFE20]  }
0x55: {  	v11 =	vld [tilespmem:s1+$0xFFFFFE10]  }
0x56: {  	v12 =	vld [tilespmem:s1+$0xFFFFFEB0]  }
0x57: {  	v13 =	vld [tilespmem:s1+$0xFFFFFEA0]  }
0x58: {  	v15 =	vld [tilespmem:s1+$0xFFFFFE80]  }
0x59: {  	v14 =	vld [tilespmem:s1+$0xFFFFFE90];
	v8 =	vmul.f32 v8, v4;
	v9 =	vmul.f32 v9, v7  }
0x5a: {  	v10 =	vmul.f32 v10, v6;
	v11 =	vmul.f32 v11, v5;
	_ =	sdelay $0x1  }
0x5b: {  	v9 =	vadd.f32 v9, v10;
	v8 =	vadd.f32 v11, v8  }
0x5c: {  	v16 =	vld [tilespmem:s1+$0xFFFFFF10];
	v15 =	vmul.f32 v15, v4;
	v10 =	vmul.f32 v12, v7  }
0x5d: {  	v11 =	vmul.f32 v13, v6;
	v12 =	vmul.f32 v14, v5;
	v13 =	vld [tilespmem:s1+$0xFFFFFF20];
	v8 =	vadd.f32 v9, v8  }
0x5e: {  	v9 =	vld [tilespmem:s1+$0xFFFFFF30]  }
0x5f: {  	v10 =	vadd.f32 v10, v11;
	v11 =	vld [tilespmem:s1+$0xFFFFFF00];
	v12 =	vadd.f32 v12, v15;
	v14 =	vperm.xlane v8, v0;
	_ =	sdelay $0x1  }
0x60: {  	v10 =	vadd.f32 v10, v12;
	v8 =	vadd.f32 v8, v14  }
0x61: {  	v18 =	vld [tilespmem:s1+$0xFFFFFFA0];
	v15 =	vmul.f32 v16, v5;
	v12 =	vmul.f32 v13, v6  }
0x62: {  	v13 =	vld [tilespmem:s1+$0xFFFFFFB0];
	v16 =	vperm.xlane v10, v0;
	v14 =	vperm.xlane v8, v1  }
0x63: {  	v9 =	vmul.f32 v9, v7;
	v11 =	vmul.f32 v11, v4  }
0x64: {  	v17 =	vld [tilespmem:s1+$0xFFFFFF90];
	v10 =	vadd.f32 v10, v16;
	v8 =	vadd.f32 v8, v14  }
0x65: {  	v9 =	vadd.f32 v9, v12;
	v12 =	vld [tilespmem:s1+$0xFFFFFF80];
	v11 =	vadd.f32 v15, v11  }
0x66: {  	v15 =	vperm.xlane v10, v1;
	v14 =	vperm.xlane v8, v2  }
0x67: {  	v16 =	vmul.f32 v18, v6;
	v9 =	vadd.f32 v9, v11;
	v11 =	vmul.f32 v13, v7  }
0x68: {  	v13 =	vld [tilespmem:s1+$0x30];
	v10 =	vadd.f32 v10, v15;
	v8 =	vadd.f32 v8, v14  }
0x69: {  	v15 =	vperm.xlane v9, v0;
	v11 =	vadd.f32 v11, v16;
	v16 =	vld [tilespmem:s1+$0x0];
	v14 =	vmul.f32 v17, v5  }
0x6a: {  	v17 =	vld [tilespmem:s1+$0x20];
	v12 =	vmul.f32 v12, v4;
	v39 =	vperm.xlane v8, v3  }
0x6b: {  	v19 =	vld [tilespmem:s1+$0x10];
	v20 =	vperm.xlane v10, v2;
	v9 =	vadd.f32 v9, v15  }
0x6c: {  	v12 =	vadd.f32 v14, v12;
	v8 =	vadd.f32 v8, v39  }
0x6d: {  	v10 =	vadd.f32 v10, v20;
	v14 =	vperm.xlane v9, v1  }
0x6e: {  	v42 =	vld [tilespmem:s1+$0x80];
	v13 =	vmul.f32 v13, v7;
	(v2sf) =	vpush v8, $0x0;
	v8 =	vadd.f32 v11, v12  }
0x6f: {  	v16 =	vmul.f32 v16, v4;
	v15 =	vmul.f32 v17, v6;
	v9 =	vadd.f32 v9, v14;
	v14 =	vld [tilespmem:s1+$0xA0]  }
0x70: {  	v11 =	vld [tilespmem:s1+$0xB0];
	v12 =	vmul.f32 v19, v5;
	v17 =	vperm.xlane v8, v0  }
0x71: {  	v40 =	vld [tilespmem:s1+$0x90];
	v41 =	vperm.xlane v10, v3;
	v13 =	vadd.f32 v13, v15  }
0x72: {  	v15 =	vperm.xlane v9, v2;
	v12 =	vadd.f32 v12, v16;
	v8 =	vadd.f32 v8, v17  }
0x73: {  	v10 =	vadd.f32 v10, v41;
	v16 =	vmul.f32 v42, v4  }
0x74: {  	v9 =	vadd.f32 v9, v15;
	v12 =	vadd.f32 v13, v12;
	v15 =	vperm.xlane v8, v1  }
0x75: {  	(v2sf) =	vpush v10, $0x0;
	v10 =	vmul.f32 v14, v6;
	v14 =	vld [tilespmem:s1+$0x130];
	v11 =	vmul.f32 v11, v7  }
0x76: {  	v13 =	vmul.f32 v40, v5;
	v17 =	vld [tilespmem:s1+$0x110];
	v8 =	vadd.f32 v8, v15;
	v15 =	vperm.xlane v12, v0  }
0x77: {  	v43 =	vperm.xlane v9, v3;
	v10 =	vadd.f32 v11, v10;
	v11 =	vld [tilespmem:s1+$0x100]  }
0x78: {  	v13 =	vadd.f32 v13, v16;
	v44 =	vperm.xlane v8, v2;
	v12 =	vadd.f32 v12, v15;
	v15 =	vld [tilespmem:s1+$0x120]  }
0x79: {  	v9 =	vadd.f32 v9, v43  }
0x7a: {  	v10 =	vadd.f32 v10, v13;
	v8 =	vadd.f32 v8, v44;
	v16 =	vperm.xlane v12, v1  }
0x7b: {  	v45 =	vld [tilespmem:s1+$0x1A0];
	(v2sf) =	vpush v9, $0x0;
	v9 =	vmul.f32 v17, v5;
	v13 =	vmul.f32 v14, v7  }
0x7c: {  	v14 =	vld [tilespmem:s1+$0x1B0];
	v17 =	vperm.xlane v8, v3;
	v12 =	vadd.f32 v12, v16;
	v16 =	vperm.xlane v10, v0  }
0x7d: {  	v46 =	vld [tilespmem:s1+$0x190];
	v11 =	vmul.f32 v11, v4;
	v15 =	vmul.f32 v15, v6  }
0x7e: {  	v8 =	vadd.f32 v8, v17;
	v17 =	vperm.xlane v12, v2;
	v10 =	vadd.f32 v10, v16;
	v16 =	vld [tilespmem:s1+$0x180];
	s1 =	simm.s32 $0x600  }
0x7f: {  	s18 =	sadd.s32 $0xFFFFFFF8, s31;
	v9 =	vadd.f32 v9, v11;
	s2 =	spop (v2sf);
	v11 =	vadd.f32 v13, v15;
	v13 =	vld [tilespmem:s1+$0xFFFFFE00]  }
0x80: {  	s3 =	sadd.s32 $0x8, s18;
	p0 =	seq.f32 s2, s30;
	v12 =	vadd.f32 v12, v17;
	v15 =	vperm.xlane v10, v1;
	(v2sf) =	vpush v8, $0x0;
	v8 =	vld [tilespmem:s1+$0xFFFFFE30]  }
0x81: {  	p1 =	slt.s32 s3, s29;
	v14 =	vmul.f32 v14, v7;
	v17 =	vld [tilespmem:s1+$0xFFFFFE20];
	v9 =	vadd.f32 v11, v9;
	v11 =	vmul.f32 v45, v6  }
0x82: {  	p2 =	sgt.f32 s2, s30;
	v48 =	vld [tilespmem:s1+$0xFFFFFE10];
	p0 =	por !p1, !p0;
	v47 =	vperm.xlane v12, v3;
	v10 =	vadd.f32 v10, v15;
	v15 =	vmul.f32 v46, v5  }
0x83: {  	p0 =	por !p0, !p0;
	v49 =	vperm.xlane v9, v0;
	v16 =	vmul.f32 v16, v4;
	v11 =	vadd.f32 v14, v11  }
0x84: {  	p0 =	por p2, p0;
	v12 =	vadd.f32 v12, v47;
	v14 =	vperm.xlane v10, v2;
	v13 =	vmul.f32 v13, v4  }
0x85: {  	s16 =	spop (v2sf);
	s30 =	smov.u32 @p0 s2;
	v9 =	vadd.f32 v9, v49;
	v15 =	vadd.f32 v15, v16;
	v16 =	vld [tilespmem:s1+$0xFFFFFEB0];
	v8 =	vmul.f32 v8, v7  }
0x86: {  	s29 =	smov.u32 @p0 s3;
	s2 =	sadd.s32 $0x9, s18;
	p4 =	seq.f32 s16, s30;
	(v2sf) =	vpush v12, $0x0;
	v12 =	vmul.f32 v17, v6;
	v17 =	vld [tilespmem:s1+$0xFFFFFEA0];
	v10 =	vadd.f32 v10, v14  }
0x87: {  	v51 =	vld [tilespmem:s1+$0xFFFFFE90];
	p5 =	slt.s32 s2, s29;
	v50 =	vmul.f32 v48, v5;
	v14 =	vperm.xlane v9, v1  }
0x88: {  	p6 =	sgt.f32 s16, s30;
	p0 =	por !p5, !p4;
	v11 =	vadd.f32 v11, v15;
	v8 =	vadd.f32 v8, v12;
	v12 =	vld [tilespmem:s1+$0xFFFFFE80];
	v15 =	vperm.xlane v10, v3  }
0x89: {  	v13 =	vadd.f32 v50, v13;
	p0 =	por !p0, !p0;
	v9 =	vadd.f32 v9, v14  }
0x8a: {  	v52 =	vld [tilespmem:s1+$0xFFFFFF20];
	p0 =	por p6, p0;
	v14 =	vperm.xlane v11, v0;
	v16 =	vmul.f32 v16, v7;
	v10 =	vadd.f32 v10, v15  }
0x8b: {  	s3 =	spop (v2sf);
	s30 =	smov.u32 @p0 s16;
	v8 =	vadd.f32 v8, v13;
	v13 =	vld [tilespmem:s1+$0xFFFFFF30];
	v15 =	vperm.xlane v9, v2;
	v17 =	vmul.f32 v17, v6  }
0x8c: {  	s16 =	sadd.s32 $0xA, s18;
	s29 =	smov.u32 @p0 s2;
	p1 =	seq.f32 s3, s30;
	v11 =	vadd.f32 v11, v14;
	v14 =	vmul.f32 v51, v5;
	(v2sf) =	vpush v10, $0x0  }
0x8d: {  	v53 =	vld [tilespmem:s1+$0xFFFFFF00];
	p2 =	slt.s32 s16, s29;
	v10 =	vperm.xlane v8, v0;
	v9 =	vadd.f32 v9, v15;
	v12 =	vmul.f32 v12, v4  }
0x8e: {  	p3 =	sgt.f32 s3, s30;
	p0 =	por !p2, !p1;
	v15 =	vld [tilespmem:s1+$0xFFFFFF10];
	v54 =	vperm.xlane v11, v1;
	v16 =	vadd.f32 v16, v17  }
0x8f: {  	p0 =	por !p0, !p0;
	v8 =	vadd.f32 v8, v10;
	v17 =	vperm.xlane v9, v3;
	v10 =	vadd.f32 v14, v12  }
0x90: {  	v55 =	vld [tilespmem:s1+$0xFFFFFF90];
	p0 =	por p3, p0;
	v11 =	vadd.f32 v11, v54;
	v12 =	vmul.f32 v13, v7;
	v14 =	vmul.f32 v52, v6  }
0x91: {  	s2 =	spop (v2sf);
	s30 =	smov.u32 @p0 s3;
	v9 =	vadd.f32 v9, v17;
	v10 =	vadd.f32 v16, v10;
	v16 =	vld [tilespmem:s1+$0xFFFFFFB0]  }
0x92: {  	s29 =	smov.u32 @p0 s16;
	s3 =	sadd.s32 $0xB, s18;
	v13 =	vperm.xlane v8, v1;
	p4 =	seq.f32 s2, s30;
	v17 =	vperm.xlane v11, v2;
	v12 =	vadd.f32 v12, v14;
	v14 =	vld [tilespmem:s1+$0xFFFFFF80]  }
0x93: {  	p5 =	slt.s32 s3, s29;
	v15 =	vmul.f32 v15, v5;
	(v2sf) =	vpush v9, $0x0;
	v9 =	vmul.f32 v53, v4  }
0x94: {  	v56 =	vld [tilespmem:s1+$0xFFFFFFA0];
	p6 =	sgt.f32 s2, s30;
	p0 =	por !p5, !p4;
	v8 =	vadd.f32 v8, v13;
	v13 =	vperm.xlane v10, v0;
	v11 =	vadd.f32 v11, v17  }
0x95: {  	v18 =	vmul.f32 v55, v5;
	p0 =	por !p0, !p0;
	v9 =	vadd.f32 v15, v9  }
0x96: {  	p0 =	por p6, p0;
	v10 =	vadd.f32 v10, v13;
	v13 =	vperm.xlane v11, v3;
	v15 =	vperm.xlane v8, v2  }
0x97: {  	v17 =	vld [tilespmem:s1+$0x30];
	s16 =	spop (v2sf);
	s30 =	smov.u32 @p0 s2;
	v16 =	vmul.f32 v16, v7;
	v14 =	vmul.f32 v14, v4;
	v9 =	vadd.f32 v12, v9  }
0x98: {  	s29 =	smov.u32 @p0 s3;
	s2 =	sadd.s32 $0xC, s18;
	p3 =	seq.f32 s16, s30;
	v12 =	vperm.xlane v10, v1;
	v11 =	vadd.f32 v11, v13;
	v8 =	vadd.f32 v8, v15;
	v15 =	vld [tilespmem:s1+$0x20]  }
0x99: {  	v58 =	vld [tilespmem:s1+$0x0];
	p4 =	slt.s32 s2, s29;
	v13 =	vmul.f32 v56, v6;
	v57 =	vperm.xlane v9, v0  }
0x9a: {  	p5 =	sgt.f32 s16, s30;
	p0 =	por !p4, !p3;
	v10 =	vadd.f32 v10, v12;
	v12 =	vld [tilespmem:s1+$0x10];
	(v2sf) =	vpush v11, $0x0;
	v11 =	vperm.xlane v8, v3  }
0x9b: {  	v14 =	vadd.f32 v18, v14;
	p0 =	por !p0, !p0;
	v13 =	vadd.f32 v16, v13  }
0x9c: {  	p0 =	por p5, p0;
	v9 =	vadd.f32 v9, v57;
	v16 =	vperm.xlane v10, v2;
	v8 =	vadd.f32 v8, v11  }
0x9d: {  	v17 =	vmul.f32 v17, v7;
	s3 =	spop (v2sf);
	s30 =	smov.u32 @p0 s16;
	v13 =	vadd.f32 v13, v14;
	v15 =	vmul.f32 v15, v6  }
0x9e: {  	s29 =	smov.u32 @p0 s2;
	s2 =	sadd.s32 $0xD, s18;
	v14 =	vld [tilespmem:s1+$0xB0];
	p6 =	seq.f32 s3, s30;
	v11 =	vperm.xlane v9, v1;
	v10 =	vadd.f32 v10, v16;
	(v2sf) =	vpush v8, $0x0  }
0x9f: {  	p0 =	slt.s32 s2, s29;
	v8 =	vmul.f32 v58, v4;
	v12 =	vmul.f32 v12, v5  }
0xa0: {  	p3 =	sgt.f32 s3, s30;
	v16 =	vperm.xlane v13, v0;
	p1 =	por !p0, !p6;
	v9 =	vadd.f32 v9, v11;
	v11 =	vld [tilespmem:s1+$0xA0];
	v60 =	vperm.xlane v10, v3  }
0xa1: {  	v59 =	vld [tilespmem:s1+$0x90];
	v15 =	vadd.f32 v17, v15;
	p1 =	por !p1, !p1;
	v8 =	vadd.f32 v12, v8  }
0xa2: {  	v61 =	vld [tilespmem:s1+$0x80];
	p0 =	por p3, p1;
	v12 =	vadd.f32 v13, v16;
	v17 =	vperm.xlane v9, v2;
	v10 =	vadd.f32 v10, v60  }
0xa3: {  	v13 =	vmul.f32 v14, v7;
	s30 =	smov.u32 @p0 s3;
	s19 =	spop (v2sf);
	v15 =	vadd.f32 v15, v8  }
0xa4: {  	s20 =	sadd.s32 $0xE, s18;
	s29 =	smov.u32 @p0 s2;
	v14 =	vperm.xlane v12, v1;
	v9 =	vadd.f32 v9, v17;
	p4 =	seq.f32 s19, s30;
	(v2sf) =	vpush v10, $0x0  }
0xa5: {  	p5 =	slt.s32 s20, s29;
	v11 =	vmul.f32 v11, v6  }
0xa6: {  	v8 =	vld [tilespmem:s1+$0x130];
	p6 =	sgt.f32 s19, s30;
	v17 =	vadd.f32 v12, v14;
	v12 =	vperm.xlane v15, v0;
	v10 =	vperm.xlane v9, v3;
	p0 =	por !p5, !p4  }
0xa7: {  	v62 =	vmul.f32 v61, v4;
	v16 =	vmul.f32 v59, v5;
	v14 =	vld [tilespmem:s1+$0x110];
	p0 =	por !p0, !p0;
	v11 =	vadd.f32 v13, v11  }
0xa8: {  	s16 =	simm.s32 $0x8;
	v13 =	vadd.f32 v15, v12;
	v12 =	vld [tilespmem:s1+$0x120];
	v10 =	vadd.f32 v9, v10;
	p0 =	por p6, p0  }
0xa9: {  	s3 =	smul.u32 $0x3, s0;
	s2 =	simm.s32 $0x0;
	v16 =	vadd.f32 v16, v62;
	v63 =	vperm.xlane v17, v2;
	v9 =	vld [tilespmem:s1+$0x100];
	s30 =	smov.u32 @p0 s19  }
0xaa: {  	s29 =	smov.u32 @p0 s20;
	s19 =	sadd.s32 $0xF, s18;
	s20 =	spop (v2sf);
	(v2sf) =	vpush v10, $0x0  }
0xab: {  	v15 =	vperm.xlane v13, v1;
	v11 =	vadd.f32 v11, v16;
	p2 =	slt.s32 s19, s29;
	v10 =	vadd.f32 v17, v63;
	p1 =	sgt.f32 s20, s30;
	p3 =	seq.f32 s20, s30  }
.LBB2_3:
0xac: {  	v14 =	vmul.f32 v14, v5;
	v8 =	vmul.f32 v8, v7;
	v16 =	vld [tilespmem:s1+$0x1B0];
	s23 =	smov.u32 s16;
	s16 =	sadd.s32 $0x8, s16  }
0xad: {  	p0 =	slt.u32 s16, $0x138;
	v17 =	vperm.xlane v10, v3;
	v13 =	vadd.f32 v13, v15;
	v15 =	vperm.xlane v11, v0;
	v18 =	vld [tilespmem:s1+$0x1A0];
	s24 =	spop (v2sf);
	p2 =	por !p2, !p3  }
0xae: {  	s18 =	sadd.s32 s2, s31;
	v9 =	vmul.f32 v9, v4;
	s2 =	smov.u32 s23;
	v12 =	vmul.f32 v12, v6;
	v19 =	vld [tilespmem:s1+$0x190];
	p2 =	por !p2, !p2  }
0xaf: {  	s23 =	sadd.s32 $0x8, s18;
	v10 =	vadd.f32 v10, v17;
	v17 =	vperm.xlane v13, v2;
	v11 =	vadd.f32 v11, v15;
	v15 =	vld [tilespmem:s1+$0x180];
	p1 =	por p1, p2  }
0xb0: {  	v9 =	vadd.f32 v14, v9;
	s1 =	sadd.s32 $0x400, s1;
	v8 =	vadd.f32 v8, v12;
	s30 =	smov.u32 @p1 s20;
	s29 =	smov.u32 @p1 s19  }
0xb1: {  	v12 =	vld [tilespmem:s1+$0xFFFFFE00];
	p1 =	sgt.f32 s24, s30;
	p2 =	seq.f32 s24, s30;
	v13 =	vadd.f32 v13, v17;
	v14 =	vperm.xlane v11, v1;
	(v2sf) =	vpush v10, $0x0  }
0xb2: {  	p3 =	slt.s32 s23, s29;
	v16 =	vmul.f32 v16, v7;
	v10 =	vld [tilespmem:s1+$0xFFFFFE30];
	v8 =	vadd.f32 v8, v9;
	v9 =	vmul.f32 v18, v6  }
0xb3: {  	v17 =	vld [tilespmem:s1+$0xFFFFFE20];
	p2 =	por !p3, !p2;
	v18 =	vperm.xlane v13, v3;
	v11 =	vadd.f32 v11, v14;
	v14 =	vmul.f32 v19, v5;
	s19 =	spop (v2sf)  }
0xb4: {  	v19 =	vld [tilespmem:s1+$0xFFFFFE10];
	p2 =	por !p2, !p2;
	v20 =	vperm.xlane v8, v0;
	v15 =	vmul.f32 v15, v4;
	v9 =	vadd.f32 v16, v9  }
0xb5: {  	p1 =	por p1, p2;
	v13 =	vadd.f32 v13, v18;
	v16 =	vperm.xlane v11, v2  }
0xb6: {  	s30 =	smov.u32 @p1 s24;
	s29 =	smov.u32 @p1 s23;
	v8 =	vadd.f32 v8, v20;
	v14 =	vadd.f32 v14, v15  }
0xb7: {  	s20 =	sadd.s32 $0x9, s18;
	v12 =	vmul.f32 v12, v4;
	v10 =	vmul.f32 v10, v7;
	v15 =	vld [tilespmem:s1+$0xFFFFFEB0];
	p1 =	sgt.f32 s19, s30;
	p2 =	seq.f32 s19, s30;
	(v2sf) =	vpush v13, $0x0  }
0xb8: {  	p3 =	slt.s32 s20, s29;
	v11 =	vadd.f32 v11, v16;
	v13 =	vmul.f32 v17, v6;
	v17 =	vld [tilespmem:s1+$0xFFFFFEA0];
	v16 =	vperm.xlane v8, v1  }
0xb9: {  	v9 =	vadd.f32 v9, v14;
	v18 =	vmul.f32 v19, v5;
	v19 =	vld [tilespmem:s1+$0xFFFFFE90];
	p2 =	por !p3, !p2;
	s23 =	spop (v2sf)  }
0xba: {  	v14 =	vperm.xlane v11, v3;
	v10 =	vadd.f32 v10, v13;
	v13 =	vld [tilespmem:s1+$0xFFFFFE80];
	p2 =	por !p2, !p2;
	v8 =	vadd.f32 v8, v16  }
0xbb: {  	s24 =	sadd.s32 $0xA, s18;
	v16 =	vperm.xlane v9, v0;
	v12 =	vadd.f32 v18, v12;
	p1 =	por p1, p2  }
0xbc: {  	v11 =	vadd.f32 v11, v14;
	v15 =	vmul.f32 v15, v7;
	s30 =	smov.u32 @p1 s19;
	s29 =	smov.u32 @p1 s20;
	v14 =	vperm.xlane v8, v2  }
0xbd: {  	v9 =	vadd.f32 v9, v16;
	v10 =	vadd.f32 v10, v12;
	v12 =	vmul.f32 v17, v6;
	v17 =	vld [tilespmem:s1+$0xFFFFFF30];
	p1 =	sgt.f32 s23, s30;
	p2 =	seq.f32 s23, s30;
	p3 =	slt.s32 s24, s29  }
0xbe: {  	v16 =	vmul.f32 v19, v5;
	v18 =	vld [tilespmem:s1+$0xFFFFFF20];
	v8 =	vadd.f32 v8, v14;
	(v2sf) =	vpush v11, $0x0  }
0xbf: {  	v11 =	vperm.xlane v10, v0;
	v13 =	vmul.f32 v13, v4;
	v12 =	vadd.f32 v15, v12;
	v14 =	vld [tilespmem:s1+$0xFFFFFF10];
	p2 =	por !p3, !p2  }
0xc0: {  	v20 =	vperm.xlane v9, v1;
	v15 =	vld [tilespmem:s1+$0xFFFFFF00];
	p2 =	por !p2, !p2;
	v19 =	vperm.xlane v8, v3;
	s19 =	spop (v2sf)  }
0xc1: {  	v10 =	vadd.f32 v10, v11;
	v11 =	vadd.f32 v16, v13;
	p1 =	por p1, p2  }
0xc2: {  	s20 =	sadd.s32 $0xB, s18;
	v9 =	vadd.f32 v9, v20;
	v13 =	vmul.f32 v17, v7;
	s30 =	smov.u32 @p1 s23;
	s29 =	smov.u32 @p1 s24;
	v8 =	vadd.f32 v8, v19  }
0xc3: {  	v16 =	vperm.xlane v10, v1;
	v11 =	vadd.f32 v12, v11;
	v12 =	vmul.f32 v18, v6;
	v17 =	vld [tilespmem:s1+$0xFFFFFFB0];
	p1 =	sgt.f32 s19, s30;
	p2 =	seq.f32 s19, s30;
	p3 =	slt.s32 s20, s29  }
0xc4: {  	v19 =	vperm.xlane v9, v2;
	v14 =	vmul.f32 v14, v5;
	v18 =	vld [tilespmem:s1+$0xFFFFFFA0];
	(v2sf) =	vpush v8, $0x0  }
0xc5: {  	v8 =	vadd.f32 v10, v16;
	v10 =	vperm.xlane v11, v0;
	v15 =	vmul.f32 v15, v4;
	v16 =	vld [tilespmem:s1+$0xFFFFFF90];
	p2 =	por !p3, !p2  }
0xc6: {  	v9 =	vadd.f32 v9, v19;
	v12 =	vadd.f32 v13, v12;
	v13 =	vld [tilespmem:s1+$0xFFFFFF80];
	p2 =	por !p2, !p2;
	s23 =	spop (v2sf)  }
0xc7: {  	v19 =	vperm.xlane v8, v2;
	v10 =	vadd.f32 v11, v10;
	v11 =	vadd.f32 v14, v15;
	p1 =	por p1, p2  }
0xc8: {  	v15 =	vperm.xlane v9, v3;
	v14 =	vmul.f32 v17, v7;
	s30 =	smov.u32 @p1 s19;
	s29 =	smov.u32 @p1 s20;
	s19 =	sadd.s32 $0xC, s18  }
0xc9: {  	v8 =	vadd.f32 v8, v19;
	v17 =	vperm.xlane v10, v1;
	v11 =	vadd.f32 v12, v11;
	v12 =	vld [tilespmem:s1+$0x30];
	p1 =	sgt.f32 s23, s30;
	p2 =	seq.f32 s23, s30;
	p3 =	slt.s32 s19, s29  }
0xca: {  	v18 =	vmul.f32 v18, v6;
	v9 =	vadd.f32 v9, v15;
	v16 =	vmul.f32 v16, v5;
	v19 =	vld [tilespmem:s1+$0x20]  }
0xcb: {  	v15 =	vperm.xlane v8, v3;
	v10 =	vadd.f32 v10, v17;
	v17 =	vperm.xlane v11, v0;
	v20 =	vld [tilespmem:s1+$0x10];
	p2 =	por !p3, !p2  }
0xcc: {  	v13 =	vmul.f32 v13, v4;
	v14 =	vadd.f32 v14, v18;
	v18 =	vld [tilespmem:s1+$0x0];
	p2 =	por !p2, !p2;
	(v2sf) =	vpush v9, $0x0  }
0xcd: {  	v8 =	vadd.f32 v8, v15;
	v9 =	vperm.xlane v10, v2;
	v11 =	vadd.f32 v11, v17;
	p1 =	por p1, p2;
	s20 =	spop (v2sf)  }
0xce: {  	v13 =	vadd.f32 v16, v13;
	v12 =	vmul.f32 v12, v7;
	s30 =	smov.u32 @p1 s23;
	s29 =	smov.u32 @p1 s19;
	s19 =	sadd.s32 $0xD, s18  }
0xcf: {  	v9 =	vadd.f32 v10, v9;
	v10 =	vperm.xlane v11, v1;
	(v2sf) =	vpush v8, $0x0;
	p1 =	sgt.f32 s20, s30;
	p2 =	seq.f32 s20, s30;
	p3 =	slt.s32 s19, s29  }
0xd0: {  	v8 =	vadd.f32 v14, v13;
	v14 =	vmul.f32 v19, v6;
	v13 =	vmul.f32 v20, v5;
	v15 =	vld [tilespmem:s1+$0xB0]  }
0xd1: {  	v16 =	vperm.xlane v9, v3;
	v10 =	vadd.f32 v11, v10;
	v11 =	vmul.f32 v18, v4;
	v17 =	vld [tilespmem:s1+$0xA0];
	p2 =	por !p3, !p2  }
0xd2: {  	v18 =	vperm.xlane v8, v0;
	v12 =	vadd.f32 v12, v14;
	v14 =	vld [tilespmem:s1+$0x90];
	p2 =	por !p2, !p2  }
0xd3: {  	v9 =	vadd.f32 v9, v16;
	v16 =	vperm.xlane v10, v2;
	v11 =	vadd.f32 v13, v11;
	v13 =	vld [tilespmem:s1+$0x80];
	p1 =	por p1, p2;
	s23 =	spop (v2sf)  }
0xd4: {  	v18 =	vadd.f32 v8, v18;
	s30 =	smov.u32 @p1 s20;
	s29 =	smov.u32 @p1 s19;
	s19 =	sadd.s32 $0xE, s18  }
0xd5: {  	v10 =	vadd.f32 v10, v16;
	v15 =	vmul.f32 v15, v7;
	(v2sf) =	vpush v9, $0x0;
	p1 =	sgt.f32 s23, s30;
	p2 =	seq.f32 s23, s30;
	p3 =	slt.s32 s19, s29  }
0xd6: {  	v9 =	vperm.xlane v18, v1;
	v11 =	vadd.f32 v12, v11;
	v12 =	vmul.f32 v17, v6  }
0xd7: {  	v16 =	vperm.xlane v10, v3;
	v17 =	vmul.f32 v14, v5;
	v8 =	vld [tilespmem:s1+$0x130];
	p2 =	por !p3, !p2  }
.Ltmp4:
0xd8: {  	v18 =	vadd.f32 v18, v9;
	v19 =	vperm.xlane v11, v0;
	v20 =	vmul.f32 v13, v4;
	v14 =	vld [tilespmem:s1+$0x110];
	p2 =	por !p2, !p2;
	(pc) =	sbr.rel @p0 .LBB2_3-.Ltmp4, $4  }
0xd9: {  	v10 =	vadd.f32 v10, v16;
	v16 =	vadd.f32 v15, v12;
	v9 =	vld [tilespmem:s1+$0x100];
	p1 =	por p1, p2  }
0xda: {  	v15 =	vperm.xlane v18, v2;
	v13 =	vadd.f32 v11, v19;
	v11 =	vadd.f32 v17, v20;
	v12 =	vld [tilespmem:s1+$0x120];
	s30 =	smov.u32 @p1 s23;
	s29 =	smov.u32 @p1 s19;
	s19 =	sadd.s32 $0xF, s18  }
0xdb: {  	(v2sf) =	vpush v10, $0x0;
	p2 =	slt.s32 s19, s29;
	s20 =	spop (v2sf)  }
0xdc: {  	v10 =	vadd.f32 v18, v15;
	v15 =	vperm.xlane v13, v1;
	v11 =	vadd.f32 v16, v11;
	p1 =	sgt.f32 s20, s30;
	p3 =	seq.f32 s20, s30  }
0xdd: {  	_ = 	snop  }
0xde: {  	v14 =	vmul.f32 v14, v5;
	v8 =	vmul.f32 v8, v7;
	p0 =	por !p2, !p3  }
0xdf: {  	v16 =	vld [tilespmem:s1+$0x1B0];
	v17 =	vperm.xlane v10, v3;
	v13 =	vadd.f32 v13, v15;
	v47 =	vperm.xlane v11, v0;
	p0 =	por !p0, !p0  }
0xe0: {  	v18 =	vld [tilespmem:s1+$0x1A0];
	v9 =	vmul.f32 v9, v4;
	v12 =	vmul.f32 v12, v6;
	p0 =	por p1, p0  }
0xe1: {  	s2 =	sadd.s32 s2, s31;
	v19 =	vld [tilespmem:s1+$0x190];
	s16 =	spop (v2sf);
	v10 =	vadd.f32 v10, v17;
	v48 =	vperm.xlane v13, v2;
	v11 =	vadd.f32 v11, v47;
	s30 =	smov.u32 @p0 s20  }
0xe2: {  	v49 =	vld [tilespmem:s1+$0x180];
	s18 =	sadd.s32 $0x8, s2;
	v9 =	vadd.f32 v14, v9;
	v8 =	vadd.f32 v8, v12;
	s29 =	smov.u32 @p0 s19;
	p1 =	seq.f32 s16, s30  }
0xe3: {  	v50 =	vadd.f32 v13, v48;
	p2 =	slt.s32 s18, s29  }
0xe4: {  	p3 =	sgt.f32 s16, s30;
	v51 =	vperm.xlane v11, v1;
	(v2sf) =	vpush v10, $0x0;
	v8 =	vadd.f32 v8, v9;
	p0 =	por !p2, !p1  }
0xe5: {  	v52 =	vmul.f32 v18, v6;
	v53 =	vmul.f32 v16, v7;
	p0 =	por !p0, !p0  }
0xe6: {  	v54 =	vperm.xlane v50, v3;
	v11 =	vadd.f32 v11, v51;
	v55 =	vperm.xlane v8, v0;
	p0 =	por p3, p0  }
0xe7: {  	v56 =	vmul.f32 v19, v5;
	v15 =	vmul.f32 v49, v4;
	s1 =	spop (v2sf);
	s30 =	smov.u32 @p0 s16  }
0xe8: {  	v12 =	vadd.f32 v50, v54;
	v57 =	vperm.xlane v11, v2;
	s29 =	smov.u32 @p0 s18;
	v8 =	vadd.f32 v8, v55;
	s16 =	sadd.s32 $0x9, s2;
	p4 =	seq.f32 s1, s30  }
0xe9: {  	v9 =	vadd.f32 v53, v52;
	v58 =	vadd.f32 v56, v15;
	p5 =	slt.s32 s16, s29  }
0xea: {  	p6 =	sgt.f32 s1, s30;
	(v2sf) =	vpush v12, $0x0;
	v11 =	vadd.f32 v11, v57;
	v59 =	vperm.xlane v8, v1;
	p0 =	por !p5, !p4  }
0xeb: {  	v9 =	vadd.f32 v9, v58;
	p0 =	por !p0, !p0  }
0xec: {  	v60 =	vperm.xlane v11, v3;
	v8 =	vadd.f32 v8, v59;
	p0 =	por p6, p0  }
0xed: {  	v61 =	vperm.xlane v9, v0;
	s18 =	spop (v2sf);
	s30 =	smov.u32 @p0 s1  }
0xee: {  	v10 =	vadd.f32 v11, v60;
	s1 =	sadd.s32 $0xA, s2;
	s29 =	smov.u32 @p0 s16;
	v62 =	vperm.xlane v8, v2;
	p1 =	seq.f32 s18, s30  }
0xef: {  	v9 =	vadd.f32 v9, v61;
	p2 =	slt.s32 s1, s29  }
0xf0: {  	p3 =	sgt.f32 s18, s30;
	(v2sf) =	vpush v10, $0x0;
	v8 =	vadd.f32 v8, v62;
	p0 =	por !p2, !p1  }
0xf1: {  	p0 =	por !p0, !p0  }
0xf2: {  	v63 =	vperm.xlane v9, v1;
	v11 =	vperm.xlane v8, v3;
	p0 =	por p3, p0  }
0xf3: {  	s16 =	spop (v2sf);
	s30 =	smov.u32 @p0 s18  }
0xf4: {  	v9 =	vadd.f32 v9, v63;
	s29 =	smov.u32 @p0 s1;
	s1 =	sadd.s32 $0xB, s2;
	v8 =	vadd.f32 v8, v11;
	p4 =	seq.f32 s16, s30  }
0xf5: {  	p5 =	slt.s32 s1, s29  }
0xf6: {  	v10 =	vperm.xlane v9, v2;
	p6 =	sgt.f32 s16, s30;
	(v2sf) =	vpush v8, $0x0;
	p0 =	por !p5, !p4  }
0xf7: {  	p0 =	por !p0, !p0  }
0xf8: {  	v8 =	vadd.f32 v9, v10;
	p0 =	por p6, p0  }
0xf9: {  	s18 =	spop (v2sf);
	s30 =	smov.u32 @p0 s16  }
0xfa: {  	v9 =	vperm.xlane v8, v3;
	s29 =	smov.u32 @p0 s1;
	s1 =	sadd.s32 $0xC, s2;
	p1 =	seq.f32 s18, s30  }
0xfb: {  	p2 =	slt.s32 s1, s29  }
0xfc: {  	v8 =	vadd.f32 v8, v9;
	p3 =	sgt.f32 s18, s30;
	p0 =	por !p2, !p1  }
0xfd: {  	p0 =	por !p0, !p0  }
0xfe: {  	(v2sf) =	vpush v8, $0x0;
	p0 =	por p3, p0  }
0xff: {  	s16 =	spop (v2sf);
	s30 =	smov.u32 @p0 s18  }
0x100: {  	s29 =	smov.u32 @p0 s1;
	s1 =	sadd.s32 $0xD, s2;
	p4 =	seq.f32 s16, s30  }
0x101: {  	p5 =	slt.s32 s1, s29  }
0x102: {  	p6 =	sgt.f32 s16, s30;
	p0 =	por !p5, !p4  }
0x103: {  	p0 =	por !p0, !p0  }
0x104: {  	p0 =	por p6, p0  }
0x105: {  	s18 =	spop (v2sf);
	s30 =	smov.u32 @p0 s16  }
0x106: {  	s29 =	smov.u32 @p0 s1;
	s1 =	sadd.s32 $0xE, s2;
	p1 =	seq.f32 s18, s30  }
0x107: {  	s16 =	sadd.s32 $0x3, s3;
	p2 =	slt.s32 s1, s29  }
0x108: {  	p0 =	por !p2, !p1;
	p1 =	sgt.u32 s16, s7  }
0x109: {  	p3 =	sgt.f32 s18, s30;
	s16 =	sshll.u32 @!p1 s16, $0x5  }
0x10a: {  	p0 =	por !p0, !p0;
	s16 =	sor.u32 @!p1 s5, s16  }
0x10b: {  	p0 =	por p3, p0;
	s16 =	smul.u32 @!p1 $0x1400, s16  }
0x10c: {  	s30 =	smov.u32 @p0 s18;
	s29 =	smov.u32 @p0 s1  }
0x10d: {  	s1 =	spop (v2sf);
	s18 =	simm.s32 @!p1 $0x0;
	s16 =	sadd.s32 @!p1 s6, s16  }
0x10e: {  	[tilespmem:s18], [sflag:$0x1] =	stream.linear.gather @!p1 [hbm4b:s16+s18], $0xA000, $0x38;
	[tilespmem:$0x1F100] =	vst v63  }
0x10f: {  	s2 =	sadd.s32 $0xF, s2;
	p4 =	seq.f32 s1, s30;
	p1 =	sge.u32 s3, s7  }
.Ltmp5:
0x110: {  	p5 =	slt.s32 s2, s29;
	(pc) =	sbr.rel @p1 .LBB2_8-.Ltmp5, $4  }
0x111: {  	p6 =	sgt.f32 s1, s30;
	p0 =	por !p5, !p4  }
0x112: {  	p0 =	por !p0, !p0  }
0x113: {  	p0 =	por p6, p0  }
0x114: {  	s30 =	smov.u32 @p0 s1;
	s29 =	smov.u32 @p0 s2  }
0x115: {  	_ =	swait.ge [sflag:s22], $0xA000  }
0x116: {  	[sflag:s22] =	ssyncset.done $0x0  }
0x117: {  	s1 =	simm.s32 $0xA200;
	[sflag:s22] =	ssyncadd.s32 $0xFFFF6000  }
0x118: {  	v8 =	vld [tilespmem:s1+$0xFFFFFE00]  }
0x119: {  	v9 =	vld [tilespmem:s1+$0xFFFFFE30]  }
0x11a: {  	v10 =	vld [tilespmem:s1+$0xFFFFFE20]  }
0x11b: {  	v11 =	vld [tilespmem:s1+$0xFFFFFE10]  }
0x11c: {  	v12 =	vld [tilespmem:s1+$0xFFFFFEB0]  }
0x11d: {  	v13 =	vld [tilespmem:s1+$0xFFFFFEA0]  }
0x11e: {  	v15 =	vld [tilespmem:s1+$0xFFFFFE80]  }
0x11f: {  	v14 =	vld [tilespmem:s1+$0xFFFFFE90];
	v8 =	vmul.f32 v8, v4;
	v9 =	vmul.f32 v9, v7  }
0x120: {  	v10 =	vmul.f32 v10, v6;
	v11 =	vmul.f32 v11, v5;
	_ =	sdelay $0x1  }
0x121: {  	v9 =	vadd.f32 v9, v10;
	v8 =	vadd.f32 v11, v8  }
0x122: {  	v16 =	vld [tilespmem:s1+$0xFFFFFF10];
	v15 =	vmul.f32 v15, v4;
	v10 =	vmul.f32 v12, v7  }
0x123: {  	v11 =	vmul.f32 v13, v6;
	v12 =	vmul.f32 v14, v5;
	v13 =	vld [tilespmem:s1+$0xFFFFFF20];
	v8 =	vadd.f32 v9, v8  }
0x124: {  	v9 =	vld [tilespmem:s1+$0xFFFFFF30]  }
0x125: {  	v10 =	vadd.f32 v10, v11;
	v11 =	vld [tilespmem:s1+$0xFFFFFF00];
	v12 =	vadd.f32 v12, v15;
	v14 =	vperm.xlane v8, v0;
	_ =	sdelay $0x1  }
0x126: {  	v10 =	vadd.f32 v10, v12;
	v8 =	vadd.f32 v8, v14  }
0x127: {  	v18 =	vld [tilespmem:s1+$0xFFFFFFA0];
	v15 =	vmul.f32 v16, v5;
	v12 =	vmul.f32 v13, v6  }
0x128: {  	v13 =	vld [tilespmem:s1+$0xFFFFFFB0];
	v16 =	vperm.xlane v10, v0;
	v14 =	vperm.xlane v8, v1  }
0x129: {  	v9 =	vmul.f32 v9, v7;
	v11 =	vmul.f32 v11, v4  }
0x12a: {  	v17 =	vld [tilespmem:s1+$0xFFFFFF90];
	v10 =	vadd.f32 v10, v16;
	v8 =	vadd.f32 v8, v14  }
0x12b: {  	v9 =	vadd.f32 v9, v12;
	v12 =	vld [tilespmem:s1+$0xFFFFFF80];
	v11 =	vadd.f32 v15, v11  }
0x12c: {  	v15 =	vperm.xlane v10, v1;
	v14 =	vperm.xlane v8, v2  }
0x12d: {  	v16 =	vmul.f32 v18, v6;
	v9 =	vadd.f32 v9, v11;
	v11 =	vmul.f32 v13, v7  }
0x12e: {  	v13 =	vld [tilespmem:s1+$0x30];
	v10 =	vadd.f32 v10, v15;
	v8 =	vadd.f32 v8, v14  }
0x12f: {  	v15 =	vperm.xlane v9, v0;
	v11 =	vadd.f32 v11, v16;
	v16 =	vld [tilespmem:s1+$0x0];
	v14 =	vmul.f32 v17, v5  }
0x130: {  	v17 =	vld [tilespmem:s1+$0x20];
	v12 =	vmul.f32 v12, v4;
	v39 =	vperm.xlane v8, v3  }
0x131: {  	v19 =	vld [tilespmem:s1+$0x10];
	v20 =	vperm.xlane v10, v2;
	v9 =	vadd.f32 v9, v15  }
0x132: {  	v12 =	vadd.f32 v14, v12;
	v8 =	vadd.f32 v8, v39  }
0x133: {  	v10 =	vadd.f32 v10, v20;
	v14 =	vperm.xlane v9, v1  }
0x134: {  	v42 =	vld [tilespmem:s1+$0x80];
	v13 =	vmul.f32 v13, v7;
	(v2sf) =	vpush v8, $0x0;
	v8 =	vadd.f32 v11, v12  }
0x135: {  	v16 =	vmul.f32 v16, v4;
	v15 =	vmul.f32 v17, v6;
	v9 =	vadd.f32 v9, v14;
	v14 =	vld [tilespmem:s1+$0xA0]  }
0x136: {  	v11 =	vld [tilespmem:s1+$0xB0];
	v12 =	vmul.f32 v19, v5;
	v17 =	vperm.xlane v8, v0  }
0x137: {  	v40 =	vld [tilespmem:s1+$0x90];
	v41 =	vperm.xlane v10, v3;
	v13 =	vadd.f32 v13, v15  }
0x138: {  	v15 =	vperm.xlane v9, v2;
	v12 =	vadd.f32 v12, v16;
	v8 =	vadd.f32 v8, v17  }
0x139: {  	v10 =	vadd.f32 v10, v41;
	v16 =	vmul.f32 v42, v4  }
0x13a: {  	v9 =	vadd.f32 v9, v15;
	v12 =	vadd.f32 v13, v12;
	v15 =	vperm.xlane v8, v1  }
0x13b: {  	(v2sf) =	vpush v10, $0x0;
	v10 =	vmul.f32 v14, v6;
	v14 =	vld [tilespmem:s1+$0x130];
	v11 =	vmul.f32 v11, v7  }
0x13c: {  	v13 =	vmul.f32 v40, v5;
	v17 =	vld [tilespmem:s1+$0x110];
	v8 =	vadd.f32 v8, v15;
	v15 =	vperm.xlane v12, v0  }
0x13d: {  	v43 =	vperm.xlane v9, v3;
	v10 =	vadd.f32 v11, v10;
	v11 =	vld [tilespmem:s1+$0x100]  }
0x13e: {  	v13 =	vadd.f32 v13, v16;
	v44 =	vperm.xlane v8, v2;
	v12 =	vadd.f32 v12, v15;
	v15 =	vld [tilespmem:s1+$0x120]  }
0x13f: {  	v9 =	vadd.f32 v9, v43  }
0x140: {  	v10 =	vadd.f32 v10, v13;
	v8 =	vadd.f32 v8, v44;
	v16 =	vperm.xlane v12, v1  }
0x141: {  	v45 =	vld [tilespmem:s1+$0x1A0];
	(v2sf) =	vpush v9, $0x0;
	v9 =	vmul.f32 v17, v5;
	v13 =	vmul.f32 v14, v7  }
0x142: {  	v14 =	vld [tilespmem:s1+$0x1B0];
	v17 =	vperm.xlane v8, v3;
	v12 =	vadd.f32 v12, v16;
	v16 =	vperm.xlane v10, v0  }
0x143: {  	v46 =	vld [tilespmem:s1+$0x190];
	v11 =	vmul.f32 v11, v4;
	v15 =	vmul.f32 v15, v6  }
0x144: {  	v8 =	vadd.f32 v8, v17;
	v17 =	vperm.xlane v12, v2;
	v10 =	vadd.f32 v10, v16;
	v16 =	vld [tilespmem:s1+$0x180];
	s1 =	simm.s32 $0xA600  }
0x145: {  	s18 =	sadd.s32 $0xFFFFFFF8, s31;
	v9 =	vadd.f32 v9, v11;
	s2 =	spop (v2sf);
	v11 =	vadd.f32 v13, v15;
	v13 =	vld [tilespmem:s1+$0xFFFFFE00]  }
0x146: {  	s16 =	sadd.s32 $0x2808, s18;
	p0 =	seq.f32 s2, s30;
	v12 =	vadd.f32 v12, v17;
	v15 =	vperm.xlane v10, v1;
	(v2sf) =	vpush v8, $0x0;
	v8 =	vld [tilespmem:s1+$0xFFFFFE30]  }
0x147: {  	p1 =	slt.s32 s16, s29;
	v14 =	vmul.f32 v14, v7;
	v17 =	vld [tilespmem:s1+$0xFFFFFE20];
	v9 =	vadd.f32 v11, v9;
	v11 =	vmul.f32 v45, v6  }
0x148: {  	p2 =	sgt.f32 s2, s30;
	v48 =	vld [tilespmem:s1+$0xFFFFFE10];
	p0 =	por !p1, !p0;
	v47 =	vperm.xlane v12, v3;
	v10 =	vadd.f32 v10, v15;
	v15 =	vmul.f32 v46, v5  }
0x149: {  	p0 =	por !p0, !p0;
	v49 =	vperm.xlane v9, v0;
	v16 =	vmul.f32 v16, v4;
	v11 =	vadd.f32 v14, v11  }
0x14a: {  	p0 =	por p2, p0;
	v12 =	vadd.f32 v12, v47;
	v14 =	vperm.xlane v10, v2;
	v13 =	vmul.f32 v13, v4  }
0x14b: {  	s19 =	spop (v2sf);
	s30 =	smov.u32 @p0 s2;
	v9 =	vadd.f32 v9, v49;
	v15 =	vadd.f32 v15, v16;
	v16 =	vld [tilespmem:s1+$0xFFFFFEB0];
	v8 =	vmul.f32 v8, v7  }
0x14c: {  	s29 =	smov.u32 @p0 s16;
	s2 =	sadd.s32 $0x2809, s18;
	p4 =	seq.f32 s19, s30;
	(v2sf) =	vpush v12, $0x0;
	v12 =	vmul.f32 v17, v6;
	v17 =	vld [tilespmem:s1+$0xFFFFFEA0];
	v10 =	vadd.f32 v10, v14  }
0x14d: {  	v51 =	vld [tilespmem:s1+$0xFFFFFE90];
	p5 =	slt.s32 s2, s29;
	v50 =	vmul.f32 v48, v5;
	v14 =	vperm.xlane v9, v1  }
0x14e: {  	p6 =	sgt.f32 s19, s30;
	p0 =	por !p5, !p4;
	v11 =	vadd.f32 v11, v15;
	v8 =	vadd.f32 v8, v12;
	v12 =	vld [tilespmem:s1+$0xFFFFFE80];
	v15 =	vperm.xlane v10, v3  }
0x14f: {  	v13 =	vadd.f32 v50, v13;
	p0 =	por !p0, !p0;
	v9 =	vadd.f32 v9, v14  }
0x150: {  	v52 =	vld [tilespmem:s1+$0xFFFFFF20];
	p0 =	por p6, p0;
	v14 =	vperm.xlane v11, v0;
	v16 =	vmul.f32 v16, v7;
	v10 =	vadd.f32 v10, v15  }
0x151: {  	s16 =	spop (v2sf);
	s30 =	smov.u32 @p0 s19;
	v8 =	vadd.f32 v8, v13;
	v13 =	vld [tilespmem:s1+$0xFFFFFF30];
	v15 =	vperm.xlane v9, v2;
	v17 =	vmul.f32 v17, v6  }
0x152: {  	s19 =	sadd.s32 $0x280A, s18;
	s29 =	smov.u32 @p0 s2;
	p1 =	seq.f32 s16, s30;
	v11 =	vadd.f32 v11, v14;
	v14 =	vmul.f32 v51, v5;
	(v2sf) =	vpush v10, $0x0  }
0x153: {  	v53 =	vld [tilespmem:s1+$0xFFFFFF00];
	p2 =	slt.s32 s19, s29;
	v10 =	vperm.xlane v8, v0;
	v9 =	vadd.f32 v9, v15;
	v12 =	vmul.f32 v12, v4  }
0x154: {  	p3 =	sgt.f32 s16, s30;
	p0 =	por !p2, !p1;
	v15 =	vld [tilespmem:s1+$0xFFFFFF10];
	v54 =	vperm.xlane v11, v1;
	v16 =	vadd.f32 v16, v17  }
0x155: {  	p0 =	por !p0, !p0;
	v8 =	vadd.f32 v8, v10;
	v17 =	vperm.xlane v9, v3;
	v10 =	vadd.f32 v14, v12  }
0x156: {  	v55 =	vld [tilespmem:s1+$0xFFFFFF90];
	p0 =	por p3, p0;
	v11 =	vadd.f32 v11, v54;
	v12 =	vmul.f32 v13, v7;
	v14 =	vmul.f32 v52, v6  }
0x157: {  	s2 =	spop (v2sf);
	s30 =	smov.u32 @p0 s16;
	v9 =	vadd.f32 v9, v17;
	v10 =	vadd.f32 v16, v10;
	v16 =	vld [tilespmem:s1+$0xFFFFFFB0]  }
0x158: {  	s29 =	smov.u32 @p0 s19;
	s16 =	sadd.s32 $0x280B, s18;
	v13 =	vperm.xlane v8, v1;
	p4 =	seq.f32 s2, s30;
	v17 =	vperm.xlane v11, v2;
	v12 =	vadd.f32 v12, v14;
	v14 =	vld [tilespmem:s1+$0xFFFFFF80]  }
0x159: {  	p5 =	slt.s32 s16, s29;
	v15 =	vmul.f32 v15, v5;
	(v2sf) =	vpush v9, $0x0;
	v9 =	vmul.f32 v53, v4  }
0x15a: {  	v56 =	vld [tilespmem:s1+$0xFFFFFFA0];
	p6 =	sgt.f32 s2, s30;
	p0 =	por !p5, !p4;
	v8 =	vadd.f32 v8, v13;
	v13 =	vperm.xlane v10, v0;
	v11 =	vadd.f32 v11, v17  }
0x15b: {  	v18 =	vmul.f32 v55, v5;
	p0 =	por !p0, !p0;
	v9 =	vadd.f32 v15, v9  }
0x15c: {  	p0 =	por p6, p0;
	v10 =	vadd.f32 v10, v13;
	v13 =	vperm.xlane v11, v3;
	v15 =	vperm.xlane v8, v2  }
0x15d: {  	v17 =	vld [tilespmem:s1+$0x30];
	s19 =	spop (v2sf);
	s30 =	smov.u32 @p0 s2;
	v16 =	vmul.f32 v16, v7;
	v14 =	vmul.f32 v14, v4;
	v9 =	vadd.f32 v12, v9  }
0x15e: {  	s29 =	smov.u32 @p0 s16;
	s2 =	sadd.s32 $0x280C, s18;
	p3 =	seq.f32 s19, s30;
	v12 =	vperm.xlane v10, v1;
	v11 =	vadd.f32 v11, v13;
	v8 =	vadd.f32 v8, v15;
	v15 =	vld [tilespmem:s1+$0x20]  }
0x15f: {  	v58 =	vld [tilespmem:s1+$0x0];
	p4 =	slt.s32 s2, s29;
	v13 =	vmul.f32 v56, v6;
	v57 =	vperm.xlane v9, v0  }
0x160: {  	p5 =	sgt.f32 s19, s30;
	p0 =	por !p4, !p3;
	v10 =	vadd.f32 v10, v12;
	v12 =	vld [tilespmem:s1+$0x10];
	(v2sf) =	vpush v11, $0x0;
	v11 =	vperm.xlane v8, v3  }
0x161: {  	v14 =	vadd.f32 v18, v14;
	p0 =	por !p0, !p0;
	v13 =	vadd.f32 v16, v13  }
0x162: {  	p0 =	por p5, p0;
	v9 =	vadd.f32 v9, v57;
	v16 =	vperm.xlane v10, v2;
	v8 =	vadd.f32 v8, v11  }
0x163: {  	v17 =	vmul.f32 v17, v7;
	s16 =	spop (v2sf);
	s30 =	smov.u32 @p0 s19;
	v13 =	vadd.f32 v13, v14;
	v15 =	vmul.f32 v15, v6  }
0x164: {  	s29 =	smov.u32 @p0 s2;
	s2 =	sadd.s32 $0x280D, s18;
	v14 =	vld [tilespmem:s1+$0xB0];
	p6 =	seq.f32 s16, s30;
	v11 =	vperm.xlane v9, v1;
	v10 =	vadd.f32 v10, v16;
	(v2sf) =	vpush v8, $0x0  }
0x165: {  	p0 =	slt.s32 s2, s29;
	v8 =	vmul.f32 v58, v4;
	v12 =	vmul.f32 v12, v5  }
0x166: {  	p3 =	sgt.f32 s16, s30;
	v16 =	vperm.xlane v13, v0;
	p1 =	por !p0, !p6;
	v9 =	vadd.f32 v9, v11;
	v11 =	vld [tilespmem:s1+$0xA0];
	v60 =	vperm.xlane v10, v3  }
0x167: {  	v59 =	vld [tilespmem:s1+$0x90];
	v15 =	vadd.f32 v17, v15;
	p1 =	por !p1, !p1;
	v8 =	vadd.f32 v12, v8  }
0x168: {  	v61 =	vld [tilespmem:s1+$0x80];
	p0 =	por p3, p1;
	v12 =	vadd.f32 v13, v16;
	v17 =	vperm.xlane v9, v2;
	v10 =	vadd.f32 v10, v60  }
0x169: {  	v13 =	vmul.f32 v14, v7;
	s30 =	smov.u32 @p0 s16;
	s19 =	spop (v2sf);
	v15 =	vadd.f32 v15, v8  }
0x16a: {  	s20 =	sadd.s32 $0x280E, s18;
	s29 =	smov.u32 @p0 s2;
	v14 =	vperm.xlane v12, v1;
	v9 =	vadd.f32 v9, v17;
	p4 =	seq.f32 s19, s30;
	(v2sf) =	vpush v10, $0x0  }
0x16b: {  	p5 =	slt.s32 s20, s29;
	v11 =	vmul.f32 v11, v6  }
0x16c: {  	v8 =	vld [tilespmem:s1+$0x130];
	p6 =	sgt.f32 s19, s30;
	v17 =	vadd.f32 v12, v14;
	v12 =	vperm.xlane v15, v0;
	v10 =	vperm.xlane v9, v3;
	p0 =	por !p5, !p4  }
0x16d: {  	v62 =	vmul.f32 v61, v4;
	v16 =	vmul.f32 v59, v5;
	v14 =	vld [tilespmem:s1+$0x110];
	p0 =	por !p0, !p0;
	v11 =	vadd.f32 v13, v11  }
0x16e: {  	v13 =	vadd.f32 v15, v12;
	v12 =	vld [tilespmem:s1+$0x120];
	v10 =	vadd.f32 v9, v10;
	p0 =	por p6, p0  }
0x16f: {  	s2 =	simm.s32 $0x0;
	s16 =	simm.s32 $0x8;
	v16 =	vadd.f32 v16, v62;
	v63 =	vperm.xlane v17, v2;
	v9 =	vld [tilespmem:s1+$0x100];
	s30 =	smov.u32 @p0 s19  }
0x170: {  	s29 =	smov.u32 @p0 s20;
	s19 =	sadd.s32 $0x280F, s18;
	s20 =	spop (v2sf);
	(v2sf) =	vpush v10, $0x0  }
0x171: {  	v15 =	vperm.xlane v13, v1;
	v11 =	vadd.f32 v11, v16;
	p2 =	slt.s32 s19, s29;
	v10 =	vadd.f32 v17, v63;
	p1 =	sgt.f32 s20, s30;
	p3 =	seq.f32 s20, s30  }
.LBB2_6:
0x172: {  	v14 =	vmul.f32 v14, v5;
	v8 =	vmul.f32 v8, v7;
	v16 =	vld [tilespmem:s1+$0x1B0];
	s23 =	smov.u32 s16;
	s16 =	sadd.s32 $0x8, s16  }
0x173: {  	p0 =	slt.u32 s16, $0x138;
	v17 =	vperm.xlane v10, v3;
	v13 =	vadd.f32 v13, v15;
	v15 =	vperm.xlane v11, v0;
	v18 =	vld [tilespmem:s1+$0x1A0];
	s24 =	spop (v2sf);
	p2 =	por !p2, !p3  }
0x174: {  	s18 =	sadd.s32 s2, s31;
	v9 =	vmul.f32 v9, v4;
	s2 =	smov.u32 s23;
	v12 =	vmul.f32 v12, v6;
	v19 =	vld [tilespmem:s1+$0x190];
	p2 =	por !p2, !p2  }
0x175: {  	s23 =	sadd.s32 $0x2808, s18;
	v10 =	vadd.f32 v10, v17;
	v17 =	vperm.xlane v13, v2;
	v11 =	vadd.f32 v11, v15;
	v15 =	vld [tilespmem:s1+$0x180];
	p1 =	por p1, p2  }
0x176: {  	v9 =	vadd.f32 v14, v9;
	s1 =	sadd.s32 $0x400, s1;
	v8 =	vadd.f32 v8, v12;
	s30 =	smov.u32 @p1 s20;
	s29 =	smov.u32 @p1 s19  }
0x177: {  	v12 =	vld [tilespmem:s1+$0xFFFFFE00];
	p1 =	sgt.f32 s24, s30;
	p2 =	seq.f32 s24, s30;
	v13 =	vadd.f32 v13, v17;
	v14 =	vperm.xlane v11, v1;
	(v2sf) =	vpush v10, $0x0  }
0x178: {  	p3 =	slt.s32 s23, s29;
	v16 =	vmul.f32 v16, v7;
	v10 =	vld [tilespmem:s1+$0xFFFFFE30];
	v8 =	vadd.f32 v8, v9;
	v9 =	vmul.f32 v18, v6  }
0x179: {  	v17 =	vld [tilespmem:s1+$0xFFFFFE20];
	p2 =	por !p3, !p2;
	v18 =	vperm.xlane v13, v3;
	v11 =	vadd.f32 v11, v14;
	v14 =	vmul.f32 v19, v5;
	s19 =	spop (v2sf)  }
0x17a: {  	v19 =	vld [tilespmem:s1+$0xFFFFFE10];
	p2 =	por !p2, !p2;
	v20 =	vperm.xlane v8, v0;
	v15 =	vmul.f32 v15, v4;
	v9 =	vadd.f32 v16, v9  }
0x17b: {  	p1 =	por p1, p2;
	v13 =	vadd.f32 v13, v18;
	v16 =	vperm.xlane v11, v2  }
0x17c: {  	s30 =	smov.u32 @p1 s24;
	s29 =	smov.u32 @p1 s23;
	v8 =	vadd.f32 v8, v20;
	v14 =	vadd.f32 v14, v15  }
0x17d: {  	s20 =	sadd.s32 $0x2809, s18;
	v12 =	vmul.f32 v12, v4;
	v10 =	vmul.f32 v10, v7;
	v15 =	vld [tilespmem:s1+$0xFFFFFEB0];
	p1 =	sgt.f32 s19, s30;
	p2 =	seq.f32 s19, s30;
	(v2sf) =	vpush v13, $0x0  }
0x17e: {  	p3 =	slt.s32 s20, s29;
	v11 =	vadd.f32 v11, v16;
	v13 =	vmul.f32 v17, v6;
	v17 =	vld [tilespmem:s1+$0xFFFFFEA0];
	v16 =	vperm.xlane v8, v1  }
0x17f: {  	v9 =	vadd.f32 v9, v14;
	v18 =	vmul.f32 v19, v5;
	v19 =	vld [tilespmem:s1+$0xFFFFFE90];
	p2 =	por !p3, !p2;
	s23 =	spop (v2sf)  }
0x180: {  	v14 =	vperm.xlane v11, v3;
	v10 =	vadd.f32 v10, v13;
	v13 =	vld [tilespmem:s1+$0xFFFFFE80];
	p2 =	por !p2, !p2;
	v8 =	vadd.f32 v8, v16  }
0x181: {  	s24 =	sadd.s32 $0x280A, s18;
	v16 =	vperm.xlane v9, v0;
	v12 =	vadd.f32 v18, v12;
	p1 =	por p1, p2  }
0x182: {  	v11 =	vadd.f32 v11, v14;
	v15 =	vmul.f32 v15, v7;
	s30 =	smov.u32 @p1 s19;
	s29 =	smov.u32 @p1 s20;
	v14 =	vperm.xlane v8, v2  }
0x183: {  	v9 =	vadd.f32 v9, v16;
	v10 =	vadd.f32 v10, v12;
	v12 =	vmul.f32 v17, v6;
	v17 =	vld [tilespmem:s1+$0xFFFFFF30];
	p1 =	sgt.f32 s23, s30;
	p2 =	seq.f32 s23, s30;
	p3 =	slt.s32 s24, s29  }
0x184: {  	v16 =	vmul.f32 v19, v5;
	v18 =	vld [tilespmem:s1+$0xFFFFFF20];
	v8 =	vadd.f32 v8, v14;
	(v2sf) =	vpush v11, $0x0  }
0x185: {  	v11 =	vperm.xlane v10, v0;
	v13 =	vmul.f32 v13, v4;
	v12 =	vadd.f32 v15, v12;
	v14 =	vld [tilespmem:s1+$0xFFFFFF10];
	p2 =	por !p3, !p2  }
0x186: {  	v20 =	vperm.xlane v9, v1;
	v15 =	vld [tilespmem:s1+$0xFFFFFF00];
	p2 =	por !p2, !p2;
	v19 =	vperm.xlane v8, v3;
	s19 =	spop (v2sf)  }
0x187: {  	v10 =	vadd.f32 v10, v11;
	v11 =	vadd.f32 v16, v13;
	p1 =	por p1, p2  }
0x188: {  	s20 =	sadd.s32 $0x280B, s18;
	v9 =	vadd.f32 v9, v20;
	v13 =	vmul.f32 v17, v7;
	s30 =	smov.u32 @p1 s23;
	s29 =	smov.u32 @p1 s24;
	v8 =	vadd.f32 v8, v19  }
0x189: {  	v16 =	vperm.xlane v10, v1;
	v11 =	vadd.f32 v12, v11;
	v12 =	vmul.f32 v18, v6;
	v17 =	vld [tilespmem:s1+$0xFFFFFFB0];
	p1 =	sgt.f32 s19, s30;
	p2 =	seq.f32 s19, s30;
	p3 =	slt.s32 s20, s29  }
0x18a: {  	v19 =	vperm.xlane v9, v2;
	v14 =	vmul.f32 v14, v5;
	v18 =	vld [tilespmem:s1+$0xFFFFFFA0];
	(v2sf) =	vpush v8, $0x0  }
0x18b: {  	v8 =	vadd.f32 v10, v16;
	v10 =	vperm.xlane v11, v0;
	v15 =	vmul.f32 v15, v4;
	v16 =	vld [tilespmem:s1+$0xFFFFFF90];
	p2 =	por !p3, !p2  }
0x18c: {  	v9 =	vadd.f32 v9, v19;
	v12 =	vadd.f32 v13, v12;
	v13 =	vld [tilespmem:s1+$0xFFFFFF80];
	p2 =	por !p2, !p2;
	s23 =	spop (v2sf)  }
0x18d: {  	v19 =	vperm.xlane v8, v2;
	v10 =	vadd.f32 v11, v10;
	v11 =	vadd.f32 v14, v15;
	p1 =	por p1, p2  }
0x18e: {  	v15 =	vperm.xlane v9, v3;
	v14 =	vmul.f32 v17, v7;
	s30 =	smov.u32 @p1 s19;
	s29 =	smov.u32 @p1 s20;
	s19 =	sadd.s32 $0x280C, s18  }
0x18f: {  	v8 =	vadd.f32 v8, v19;
	v17 =	vperm.xlane v10, v1;
	v11 =	vadd.f32 v12, v11;
	v12 =	vld [tilespmem:s1+$0x30];
	p1 =	sgt.f32 s23, s30;
	p2 =	seq.f32 s23, s30;
	p3 =	slt.s32 s19, s29  }
0x190: {  	v18 =	vmul.f32 v18, v6;
	v9 =	vadd.f32 v9, v15;
	v16 =	vmul.f32 v16, v5;
	v19 =	vld [tilespmem:s1+$0x20]  }
0x191: {  	v15 =	vperm.xlane v8, v3;
	v10 =	vadd.f32 v10, v17;
	v17 =	vperm.xlane v11, v0;
	v20 =	vld [tilespmem:s1+$0x10];
	p2 =	por !p3, !p2  }
0x192: {  	v13 =	vmul.f32 v13, v4;
	v14 =	vadd.f32 v14, v18;
	v18 =	vld [tilespmem:s1+$0x0];
	p2 =	por !p2, !p2;
	(v2sf) =	vpush v9, $0x0  }
0x193: {  	v8 =	vadd.f32 v8, v15;
	v9 =	vperm.xlane v10, v2;
	v11 =	vadd.f32 v11, v17;
	p1 =	por p1, p2;
	s20 =	spop (v2sf)  }
0x194: {  	v13 =	vadd.f32 v16, v13;
	v12 =	vmul.f32 v12, v7;
	s30 =	smov.u32 @p1 s23;
	s29 =	smov.u32 @p1 s19;
	s19 =	sadd.s32 $0x280D, s18  }
0x195: {  	v9 =	vadd.f32 v10, v9;
	v10 =	vperm.xlane v11, v1;
	(v2sf) =	vpush v8, $0x0;
	p1 =	sgt.f32 s20, s30;
	p2 =	seq.f32 s20, s30;
	p3 =	slt.s32 s19, s29  }
0x196: {  	v8 =	vadd.f32 v14, v13;
	v14 =	vmul.f32 v19, v6;
	v13 =	vmul.f32 v20, v5;
	v15 =	vld [tilespmem:s1+$0xB0]  }
0x197: {  	v16 =	vperm.xlane v9, v3;
	v10 =	vadd.f32 v11, v10;
	v11 =	vmul.f32 v18, v4;
	v17 =	vld [tilespmem:s1+$0xA0];
	p2 =	por !p3, !p2  }
0x198: {  	v18 =	vperm.xlane v8, v0;
	v12 =	vadd.f32 v12, v14;
	v14 =	vld [tilespmem:s1+$0x90];
	p2 =	por !p2, !p2  }
0x199: {  	v9 =	vadd.f32 v9, v16;
	v16 =	vperm.xlane v10, v2;
	v11 =	vadd.f32 v13, v11;
	v13 =	vld [tilespmem:s1+$0x80];
	p1 =	por p1, p2;
	s23 =	spop (v2sf)  }
0x19a: {  	v18 =	vadd.f32 v8, v18;
	s30 =	smov.u32 @p1 s20;
	s29 =	smov.u32 @p1 s19;
	s19 =	sadd.s32 $0x280E, s18  }
0x19b: {  	v10 =	vadd.f32 v10, v16;
	v15 =	vmul.f32 v15, v7;
	(v2sf) =	vpush v9, $0x0;
	p1 =	sgt.f32 s23, s30;
	p2 =	seq.f32 s23, s30;
	p3 =	slt.s32 s19, s29  }
0x19c: {  	v9 =	vperm.xlane v18, v1;
	v11 =	vadd.f32 v12, v11;
	v12 =	vmul.f32 v17, v6  }
0x19d: {  	v16 =	vperm.xlane v10, v3;
	v17 =	vmul.f32 v14, v5;
	v8 =	vld [tilespmem:s1+$0x130];
	p2 =	por !p3, !p2  }
.Ltmp6:
0x19e: {  	v18 =	vadd.f32 v18, v9;
	v19 =	vperm.xlane v11, v0;
	v20 =	vmul.f32 v13, v4;
	v14 =	vld [tilespmem:s1+$0x110];
	p2 =	por !p2, !p2;
	(pc) =	sbr.rel @p0 .LBB2_6-.Ltmp6, $4  }
0x19f: {  	v10 =	vadd.f32 v10, v16;
	v16 =	vadd.f32 v15, v12;
	v9 =	vld [tilespmem:s1+$0x100];
	p1 =	por p1, p2  }
0x1a0: {  	v15 =	vperm.xlane v18, v2;
	v13 =	vadd.f32 v11, v19;
	v11 =	vadd.f32 v17, v20;
	v12 =	vld [tilespmem:s1+$0x120];
	s30 =	smov.u32 @p1 s23;
	s29 =	smov.u32 @p1 s19;
	s19 =	sadd.s32 $0x280F, s18  }
0x1a1: {  	(v2sf) =	vpush v10, $0x0;
	p2 =	slt.s32 s19, s29;
	s20 =	spop (v2sf)  }
0x1a2: {  	v10 =	vadd.f32 v18, v15;
	v15 =	vperm.xlane v13, v1;
	v11 =	vadd.f32 v16, v11;
	p1 =	sgt.f32 s20, s30;
	p3 =	seq.f32 s20, s30  }
0x1a3: {  	_ = 	snop  }
0x1a4: {  	v14 =	vmul.f32 v14, v5;
	v8 =	vmul.f32 v8, v7;
	p0 =	por !p2, !p3  }
0x1a5: {  	v16 =	vld [tilespmem:s1+$0x1B0];
	v17 =	vperm.xlane v10, v3;
	v13 =	vadd.f32 v13, v15;
	v47 =	vperm.xlane v11, v0;
	p0 =	por !p0, !p0  }
0x1a6: {  	v18 =	vld [tilespmem:s1+$0x1A0];
	v9 =	vmul.f32 v9, v4;
	v12 =	vmul.f32 v12, v6;
	p0 =	por p1, p0  }
0x1a7: {  	s2 =	sadd.s32 s2, s31;
	v19 =	vld [tilespmem:s1+$0x190];
	s16 =	spop (v2sf);
	v10 =	vadd.f32 v10, v17;
	v48 =	vperm.xlane v13, v2;
	v11 =	vadd.f32 v11, v47;
	s30 =	smov.u32 @p0 s20  }
0x1a8: {  	v49 =	vld [tilespmem:s1+$0x180];
	s18 =	sadd.s32 $0x2808, s2;
	v9 =	vadd.f32 v14, v9;
	v8 =	vadd.f32 v8, v12;
	s29 =	smov.u32 @p0 s19;
	p1 =	seq.f32 s16, s30  }
0x1a9: {  	v50 =	vadd.f32 v13, v48;
	p2 =	slt.s32 s18, s29  }
0x1aa: {  	p3 =	sgt.f32 s16, s30;
	v51 =	vperm.xlane v11, v1;
	(v2sf) =	vpush v10, $0x0;
	v8 =	vadd.f32 v8, v9;
	p0 =	por !p2, !p1  }
0x1ab: {  	v52 =	vmul.f32 v18, v6;
	v53 =	vmul.f32 v16, v7;
	p0 =	por !p0, !p0  }
0x1ac: {  	v54 =	vperm.xlane v50, v3;
	v11 =	vadd.f32 v11, v51;
	v55 =	vperm.xlane v8, v0;
	p0 =	por p3, p0  }
0x1ad: {  	v56 =	vmul.f32 v19, v5;
	v15 =	vmul.f32 v49, v4;
	s1 =	spop (v2sf);
	s30 =	smov.u32 @p0 s16  }
0x1ae: {  	v12 =	vadd.f32 v50, v54;
	v57 =	vperm.xlane v11, v2;
	s29 =	smov.u32 @p0 s18;
	v8 =	vadd.f32 v8, v55;
	s16 =	sadd.s32 $0x2809, s2;
	p4 =	seq.f32 s1, s30  }
0x1af: {  	v9 =	vadd.f32 v53, v52;
	v58 =	vadd.f32 v56, v15;
	p5 =	slt.s32 s16, s29  }
0x1b0: {  	p6 =	sgt.f32 s1, s30;
	(v2sf) =	vpush v12, $0x0;
	v11 =	vadd.f32 v11, v57;
	v59 =	vperm.xlane v8, v1;
	p0 =	por !p5, !p4  }
0x1b1: {  	v9 =	vadd.f32 v9, v58;
	p0 =	por !p0, !p0  }
0x1b2: {  	v60 =	vperm.xlane v11, v3;
	v8 =	vadd.f32 v8, v59;
	p0 =	por p6, p0  }
0x1b3: {  	v61 =	vperm.xlane v9, v0;
	s18 =	spop (v2sf);
	s30 =	smov.u32 @p0 s1  }
0x1b4: {  	v10 =	vadd.f32 v11, v60;
	s1 =	sadd.s32 $0x280A, s2;
	s29 =	smov.u32 @p0 s16;
	v62 =	vperm.xlane v8, v2;
	p1 =	seq.f32 s18, s30  }
0x1b5: {  	v9 =	vadd.f32 v9, v61;
	p2 =	slt.s32 s1, s29  }
0x1b6: {  	p3 =	sgt.f32 s18, s30;
	(v2sf) =	vpush v10, $0x0;
	v8 =	vadd.f32 v8, v62;
	p0 =	por !p2, !p1  }
0x1b7: {  	v63 =	vperm.xlane v9, v1;
	p0 =	por !p0, !p0  }
0x1b8: {  	v11 =	vperm.xlane v8, v3;
	p0 =	por p3, p0  }
0x1b9: {  	v9 =	vadd.f32 v9, v63;
	s16 =	spop (v2sf);
	s30 =	smov.u32 @p0 s18  }
0x1ba: {  	s29 =	smov.u32 @p0 s1;
	s1 =	sadd.s32 $0x280B, s2;
	v8 =	vadd.f32 v8, v11;
	p4 =	seq.f32 s16, s30  }
0x1bb: {  	v10 =	vperm.xlane v9, v2;
	p5 =	slt.s32 s1, s29  }
0x1bc: {  	p6 =	sgt.f32 s16, s30;
	(v2sf) =	vpush v8, $0x0;
	p0 =	por !p5, !p4  }
0x1bd: {  	v8 =	vadd.f32 v9, v10;
	p0 =	por !p0, !p0  }
0x1be: {  	p0 =	por p6, p0  }
0x1bf: {  	s18 =	spop (v2sf);
	v9 =	vperm.xlane v8, v3;
	s30 =	smov.u32 @p0 s16  }
0x1c0: {  	s29 =	smov.u32 @p0 s1;
	s1 =	sadd.s32 $0x280C, s2;
	p1 =	seq.f32 s18, s30  }
0x1c1: {  	v8 =	vadd.f32 v8, v9;
	p2 =	slt.s32 s1, s29  }
0x1c2: {  	p3 =	sgt.f32 s18, s30;
	p0 =	por !p2, !p1  }
0x1c3: {  	(v2sf) =	vpush v8, $0x0;
	p0 =	por !p0, !p0  }
0x1c4: {  	p0 =	por p3, p0  }
0x1c5: {  	s16 =	spop (v2sf);
	s30 =	smov.u32 @p0 s18  }
0x1c6: {  	s29 =	smov.u32 @p0 s1;
	s1 =	sadd.s32 $0x280D, s2;
	p4 =	seq.f32 s16, s30  }
0x1c7: {  	p5 =	slt.s32 s1, s29  }
0x1c8: {  	p6 =	sgt.f32 s16, s30;
	p0 =	por !p5, !p4  }
0x1c9: {  	p0 =	por !p0, !p0  }
0x1ca: {  	p0 =	por p6, p0  }
0x1cb: {  	s18 =	spop (v2sf);
	s30 =	smov.u32 @p0 s16  }
0x1cc: {  	s29 =	smov.u32 @p0 s1;
	s1 =	sadd.s32 $0x280E, s2;
	p1 =	seq.f32 s18, s30  }
0x1cd: {  	p2 =	slt.s32 s1, s29  }
0x1ce: {  	p3 =	sgt.f32 s18, s30;
	p0 =	por !p2, !p1  }
0x1cf: {  	p0 =	por !p0, !p0  }
0x1d0: {  	s16 =	sadd.s32 $0x4, s3;
	p0 =	por p3, p0  }
0x1d1: {  	s30 =	smov.u32 @p0 s18;
	s29 =	smov.u32 @p0 s1;
	p0 =	sgt.u32 s16, s7  }
0x1d2: {  	s1 =	spop (v2sf);
	s16 =	sshll.u32 @!p0 s16, $0x5  }
0x1d3: {  	s2 =	sadd.s32 $0x280F, s2;
	p4 =	seq.f32 s1, s30;
	s16 =	sor.u32 @!p0 s5, s16  }
0x1d4: {  	p5 =	slt.s32 s2, s29;
	s16 =	smul.u32 @!p0 $0x1400, s16  }
0x1d5: {  	p6 =	sgt.f32 s1, s30;
	s18 =	simm.s32 @!p0 $0x0;
	p1 =	por !p5, !p4  }
0x1d6: {  	s19 =	simm.s32 @!p0 $0xA000;
	p1 =	por !p1, !p1;
	s16 =	sadd.s32 @!p0 s6, s16  }
0x1d7: {  	[tilespmem:s19], [sflag:$0x2] =	stream.linear.gather @!p0 [hbm4b:s16+s18], $0xA000, $0x38;
	[tilespmem:$0x1F100] =	vst v63  }
0x1d8: {  	p0 =	por p6, p1  }
0x1d9: {  	s30 =	smov.u32 @p0 s1;
	s29 =	smov.u32 @p0 s2  }
.LBB2_8:
0x1da: {  	s1 =	sadd.s32 $0x2, s3  }
0x1db: {  	p0 =	sgt.u32 s1, s7  }
.Ltmp7:
0x1dc: {  	_ = 	snop;
	(pc) =	sbr.rel @p0 .LBB2_12-.Ltmp7, $1  }
0x1dd: {  	_ =	sdelay $0x3  }
0x1de: {  	_ =	swait.ge [sflag:s26], $0xA000  }
0x1df: {  	[sflag:s26] =	ssyncset.done $0x0  }
0x1e0: {  	s1 =	simm.s32 $0x14200;
	[sflag:s26] =	ssyncadd.s32 $0xFFFF6000  }
0x1e1: {  	v8 =	vld [tilespmem:s1+$0xFFFFFE00]  }
0x1e2: {  	v9 =	vld [tilespmem:s1+$0xFFFFFE30]  }
0x1e3: {  	v10 =	vld [tilespmem:s1+$0xFFFFFE20]  }
0x1e4: {  	v11 =	vld [tilespmem:s1+$0xFFFFFE10]  }
0x1e5: {  	v12 =	vld [tilespmem:s1+$0xFFFFFEB0]  }
0x1e6: {  	v13 =	vld [tilespmem:s1+$0xFFFFFEA0]  }
0x1e7: {  	v15 =	vld [tilespmem:s1+$0xFFFFFE80]  }
0x1e8: {  	v14 =	vld [tilespmem:s1+$0xFFFFFE90];
	v8 =	vmul.f32 v8, v4;
	v9 =	vmul.f32 v9, v7  }
0x1e9: {  	v10 =	vmul.f32 v10, v6;
	v11 =	vmul.f32 v11, v5;
	_ =	sdelay $0x1  }
0x1ea: {  	v9 =	vadd.f32 v9, v10;
	v8 =	vadd.f32 v11, v8  }
0x1eb: {  	v16 =	vld [tilespmem:s1+$0xFFFFFF10];
	v15 =	vmul.f32 v15, v4;
	v10 =	vmul.f32 v12, v7  }
0x1ec: {  	v11 =	vmul.f32 v13, v6;
	v12 =	vmul.f32 v14, v5;
	v13 =	vld [tilespmem:s1+$0xFFFFFF20];
	v8 =	vadd.f32 v9, v8  }
0x1ed: {  	v9 =	vld [tilespmem:s1+$0xFFFFFF30]  }
0x1ee: {  	v10 =	vadd.f32 v10, v11;
	v11 =	vld [tilespmem:s1+$0xFFFFFF00];
	v12 =	vadd.f32 v12, v15;
	v14 =	vperm.xlane v8, v0;
	_ =	sdelay $0x1  }
0x1ef: {  	v10 =	vadd.f32 v10, v12;
	v8 =	vadd.f32 v8, v14  }
0x1f0: {  	v18 =	vld [tilespmem:s1+$0xFFFFFFA0];
	v15 =	vmul.f32 v16, v5;
	v12 =	vmul.f32 v13, v6  }
0x1f1: {  	v13 =	vld [tilespmem:s1+$0xFFFFFFB0];
	v16 =	vperm.xlane v10, v0;
	v14 =	vperm.xlane v8, v1  }
0x1f2: {  	v9 =	vmul.f32 v9, v7;
	v11 =	vmul.f32 v11, v4  }
0x1f3: {  	v17 =	vld [tilespmem:s1+$0xFFFFFF90];
	v10 =	vadd.f32 v10, v16;
	v8 =	vadd.f32 v8, v14  }
0x1f4: {  	v9 =	vadd.f32 v9, v12;
	v12 =	vld [tilespmem:s1+$0xFFFFFF80];
	v11 =	vadd.f32 v15, v11  }
0x1f5: {  	v15 =	vperm.xlane v10, v1;
	v14 =	vperm.xlane v8, v2  }
0x1f6: {  	v16 =	vmul.f32 v18, v6;
	v9 =	vadd.f32 v9, v11;
	v11 =	vmul.f32 v13, v7  }
0x1f7: {  	v13 =	vld [tilespmem:s1+$0x30];
	v10 =	vadd.f32 v10, v15;
	v8 =	vadd.f32 v8, v14  }
0x1f8: {  	v15 =	vperm.xlane v9, v0;
	v11 =	vadd.f32 v11, v16;
	v16 =	vld [tilespmem:s1+$0x0];
	v14 =	vmul.f32 v17, v5  }
0x1f9: {  	v17 =	vld [tilespmem:s1+$0x20];
	v12 =	vmul.f32 v12, v4;
	v39 =	vperm.xlane v8, v3  }
0x1fa: {  	v19 =	vld [tilespmem:s1+$0x10];
	v20 =	vperm.xlane v10, v2;
	v9 =	vadd.f32 v9, v15  }
0x1fb: {  	v12 =	vadd.f32 v14, v12;
	v8 =	vadd.f32 v8, v39  }
0x1fc: {  	v10 =	vadd.f32 v10, v20;
	v14 =	vperm.xlane v9, v1  }
0x1fd: {  	v42 =	vld [tilespmem:s1+$0x80];
	v13 =	vmul.f32 v13, v7;
	(v2sf) =	vpush v8, $0x0;
	v8 =	vadd.f32 v11, v12  }
0x1fe: {  	v16 =	vmul.f32 v16, v4;
	v15 =	vmul.f32 v17, v6;
	v9 =	vadd.f32 v9, v14;
	v14 =	vld [tilespmem:s1+$0xA0]  }
0x1ff: {  	v11 =	vld [tilespmem:s1+$0xB0];
	v12 =	vmul.f32 v19, v5;
	v17 =	vperm.xlane v8, v0  }
0x200: {  	v40 =	vld [tilespmem:s1+$0x90];
	v41 =	vperm.xlane v10, v3;
	v13 =	vadd.f32 v13, v15  }
0x201: {  	v15 =	vperm.xlane v9, v2;
	v12 =	vadd.f32 v12, v16;
	v8 =	vadd.f32 v8, v17  }
0x202: {  	v10 =	vadd.f32 v10, v41;
	v16 =	vmul.f32 v42, v4  }
0x203: {  	v9 =	vadd.f32 v9, v15;
	v12 =	vadd.f32 v13, v12;
	v15 =	vperm.xlane v8, v1  }
0x204: {  	(v2sf) =	vpush v10, $0x0;
	v10 =	vmul.f32 v14, v6;
	v14 =	vld [tilespmem:s1+$0x130];
	v11 =	vmul.f32 v11, v7  }
0x205: {  	v13 =	vmul.f32 v40, v5;
	v17 =	vld [tilespmem:s1+$0x110];
	v8 =	vadd.f32 v8, v15;
	v15 =	vperm.xlane v12, v0  }
0x206: {  	v43 =	vperm.xlane v9, v3;
	v10 =	vadd.f32 v11, v10;
	v11 =	vld [tilespmem:s1+$0x100]  }
0x207: {  	v13 =	vadd.f32 v13, v16;
	v44 =	vperm.xlane v8, v2;
	v12 =	vadd.f32 v12, v15;
	v15 =	vld [tilespmem:s1+$0x120]  }
0x208: {  	v9 =	vadd.f32 v9, v43  }
0x209: {  	v10 =	vadd.f32 v10, v13;
	v8 =	vadd.f32 v8, v44;
	v16 =	vperm.xlane v12, v1  }
0x20a: {  	v45 =	vld [tilespmem:s1+$0x1A0];
	(v2sf) =	vpush v9, $0x0;
	v9 =	vmul.f32 v17, v5;
	v13 =	vmul.f32 v14, v7  }
0x20b: {  	v14 =	vld [tilespmem:s1+$0x1B0];
	v17 =	vperm.xlane v8, v3;
	v12 =	vadd.f32 v12, v16;
	v16 =	vperm.xlane v10, v0  }
0x20c: {  	v46 =	vld [tilespmem:s1+$0x190];
	v11 =	vmul.f32 v11, v4;
	v15 =	vmul.f32 v15, v6  }
0x20d: {  	v8 =	vadd.f32 v8, v17;
	v17 =	vperm.xlane v12, v2;
	v10 =	vadd.f32 v10, v16;
	v16 =	vld [tilespmem:s1+$0x180];
	s1 =	simm.s32 $0x14600  }
0x20e: {  	s18 =	sadd.s32 $0xFFFFFFF8, s31;
	v9 =	vadd.f32 v9, v11;
	s2 =	spop (v2sf);
	v11 =	vadd.f32 v13, v15;
	v13 =	vld [tilespmem:s1+$0xFFFFFE00]  }
0x20f: {  	s16 =	sadd.s32 $0x5008, s18;
	p0 =	seq.f32 s2, s30;
	v12 =	vadd.f32 v12, v17;
	v15 =	vperm.xlane v10, v1;
	(v2sf) =	vpush v8, $0x0;
	v8 =	vld [tilespmem:s1+$0xFFFFFE30]  }
0x210: {  	p1 =	slt.s32 s16, s29;
	v14 =	vmul.f32 v14, v7;
	v17 =	vld [tilespmem:s1+$0xFFFFFE20];
	v9 =	vadd.f32 v11, v9;
	v11 =	vmul.f32 v45, v6  }
0x211: {  	p2 =	sgt.f32 s2, s30;
	v48 =	vld [tilespmem:s1+$0xFFFFFE10];
	p0 =	por !p1, !p0;
	v47 =	vperm.xlane v12, v3;
	v10 =	vadd.f32 v10, v15;
	v15 =	vmul.f32 v46, v5  }
0x212: {  	p0 =	por !p0, !p0;
	v49 =	vperm.xlane v9, v0;
	v16 =	vmul.f32 v16, v4;
	v11 =	vadd.f32 v14, v11  }
0x213: {  	p0 =	por p2, p0;
	v12 =	vadd.f32 v12, v47;
	v14 =	vperm.xlane v10, v2;
	v13 =	vmul.f32 v13, v4  }
0x214: {  	s19 =	spop (v2sf);
	s30 =	smov.u32 @p0 s2;
	v9 =	vadd.f32 v9, v49;
	v15 =	vadd.f32 v15, v16;
	v16 =	vld [tilespmem:s1+$0xFFFFFEB0];
	v8 =	vmul.f32 v8, v7  }
0x215: {  	s29 =	smov.u32 @p0 s16;
	s2 =	sadd.s32 $0x5009, s18;
	p4 =	seq.f32 s19, s30;
	(v2sf) =	vpush v12, $0x0;
	v12 =	vmul.f32 v17, v6;
	v17 =	vld [tilespmem:s1+$0xFFFFFEA0];
	v10 =	vadd.f32 v10, v14  }
0x216: {  	v51 =	vld [tilespmem:s1+$0xFFFFFE90];
	p5 =	slt.s32 s2, s29;
	v50 =	vmul.f32 v48, v5;
	v14 =	vperm.xlane v9, v1  }
0x217: {  	p6 =	sgt.f32 s19, s30;
	p0 =	por !p5, !p4;
	v11 =	vadd.f32 v11, v15;
	v8 =	vadd.f32 v8, v12;
	v12 =	vld [tilespmem:s1+$0xFFFFFE80];
	v15 =	vperm.xlane v10, v3  }
0x218: {  	v13 =	vadd.f32 v50, v13;
	p0 =	por !p0, !p0;
	v9 =	vadd.f32 v9, v14  }
0x219: {  	v52 =	vld [tilespmem:s1+$0xFFFFFF20];
	p0 =	por p6, p0;
	v14 =	vperm.xlane v11, v0;
	v16 =	vmul.f32 v16, v7;
	v10 =	vadd.f32 v10, v15  }
0x21a: {  	s16 =	spop (v2sf);
	s30 =	smov.u32 @p0 s19;
	v8 =	vadd.f32 v8, v13;
	v13 =	vld [tilespmem:s1+$0xFFFFFF30];
	v15 =	vperm.xlane v9, v2;
	v17 =	vmul.f32 v17, v6  }
0x21b: {  	s19 =	sadd.s32 $0x500A, s18;
	s29 =	smov.u32 @p0 s2;
	p1 =	seq.f32 s16, s30;
	v11 =	vadd.f32 v11, v14;
	v14 =	vmul.f32 v51, v5;
	(v2sf) =	vpush v10, $0x0  }
0x21c: {  	v53 =	vld [tilespmem:s1+$0xFFFFFF00];
	p2 =	slt.s32 s19, s29;
	v10 =	vperm.xlane v8, v0;
	v9 =	vadd.f32 v9, v15;
	v12 =	vmul.f32 v12, v4  }
0x21d: {  	p3 =	sgt.f32 s16, s30;
	p0 =	por !p2, !p1;
	v15 =	vld [tilespmem:s1+$0xFFFFFF10];
	v54 =	vperm.xlane v11, v1;
	v16 =	vadd.f32 v16, v17  }
0x21e: {  	p0 =	por !p0, !p0;
	v8 =	vadd.f32 v8, v10;
	v17 =	vperm.xlane v9, v3;
	v10 =	vadd.f32 v14, v12  }
0x21f: {  	v55 =	vld [tilespmem:s1+$0xFFFFFF90];
	p0 =	por p3, p0;
	v11 =	vadd.f32 v11, v54;
	v12 =	vmul.f32 v13, v7;
	v14 =	vmul.f32 v52, v6  }
0x220: {  	s2 =	spop (v2sf);
	s30 =	smov.u32 @p0 s16;
	v9 =	vadd.f32 v9, v17;
	v10 =	vadd.f32 v16, v10;
	v16 =	vld [tilespmem:s1+$0xFFFFFFB0]  }
0x221: {  	s29 =	smov.u32 @p0 s19;
	s16 =	sadd.s32 $0x500B, s18;
	v13 =	vperm.xlane v8, v1;
	p4 =	seq.f32 s2, s30;
	v17 =	vperm.xlane v11, v2;
	v12 =	vadd.f32 v12, v14;
	v14 =	vld [tilespmem:s1+$0xFFFFFF80]  }
0x222: {  	p5 =	slt.s32 s16, s29;
	v15 =	vmul.f32 v15, v5;
	(v2sf) =	vpush v9, $0x0;
	v9 =	vmul.f32 v53, v4  }
0x223: {  	v56 =	vld [tilespmem:s1+$0xFFFFFFA0];
	p6 =	sgt.f32 s2, s30;
	p0 =	por !p5, !p4;
	v8 =	vadd.f32 v8, v13;
	v13 =	vperm.xlane v10, v0;
	v11 =	vadd.f32 v11, v17  }
0x224: {  	v18 =	vmul.f32 v55, v5;
	p0 =	por !p0, !p0;
	v9 =	vadd.f32 v15, v9  }
0x225: {  	p0 =	por p6, p0;
	v10 =	vadd.f32 v10, v13;
	v13 =	vperm.xlane v11, v3;
	v15 =	vperm.xlane v8, v2  }
0x226: {  	v17 =	vld [tilespmem:s1+$0x30];
	s19 =	spop (v2sf);
	s30 =	smov.u32 @p0 s2;
	v16 =	vmul.f32 v16, v7;
	v14 =	vmul.f32 v14, v4;
	v9 =	vadd.f32 v12, v9  }
0x227: {  	s29 =	smov.u32 @p0 s16;
	s2 =	sadd.s32 $0x500C, s18;
	p3 =	seq.f32 s19, s30;
	v12 =	vperm.xlane v10, v1;
	v11 =	vadd.f32 v11, v13;
	v8 =	vadd.f32 v8, v15;
	v15 =	vld [tilespmem:s1+$0x20]  }
0x228: {  	v58 =	vld [tilespmem:s1+$0x0];
	p4 =	slt.s32 s2, s29;
	v13 =	vmul.f32 v56, v6;
	v57 =	vperm.xlane v9, v0  }
0x229: {  	p5 =	sgt.f32 s19, s30;
	p0 =	por !p4, !p3;
	v10 =	vadd.f32 v10, v12;
	v12 =	vld [tilespmem:s1+$0x10];
	(v2sf) =	vpush v11, $0x0;
	v11 =	vperm.xlane v8, v3  }
0x22a: {  	v14 =	vadd.f32 v18, v14;
	p0 =	por !p0, !p0;
	v13 =	vadd.f32 v16, v13  }
0x22b: {  	p0 =	por p5, p0;
	v9 =	vadd.f32 v9, v57;
	v16 =	vperm.xlane v10, v2;
	v8 =	vadd.f32 v8, v11  }
0x22c: {  	v17 =	vmul.f32 v17, v7;
	s16 =	spop (v2sf);
	s30 =	smov.u32 @p0 s19;
	v13 =	vadd.f32 v13, v14;
	v15 =	vmul.f32 v15, v6  }
0x22d: {  	s29 =	smov.u32 @p0 s2;
	s2 =	sadd.s32 $0x500D, s18;
	v14 =	vld [tilespmem:s1+$0xB0];
	p6 =	seq.f32 s16, s30;
	v11 =	vperm.xlane v9, v1;
	v10 =	vadd.f32 v10, v16;
	(v2sf) =	vpush v8, $0x0  }
0x22e: {  	p0 =	slt.s32 s2, s29;
	v8 =	vmul.f32 v58, v4;
	v12 =	vmul.f32 v12, v5  }
0x22f: {  	p3 =	sgt.f32 s16, s30;
	v16 =	vperm.xlane v13, v0;
	p1 =	por !p0, !p6;
	v9 =	vadd.f32 v9, v11;
	v11 =	vld [tilespmem:s1+$0xA0];
	v60 =	vperm.xlane v10, v3  }
0x230: {  	v59 =	vld [tilespmem:s1+$0x90];
	v15 =	vadd.f32 v17, v15;
	p1 =	por !p1, !p1;
	v8 =	vadd.f32 v12, v8  }
0x231: {  	v61 =	vld [tilespmem:s1+$0x80];
	p0 =	por p3, p1;
	v12 =	vadd.f32 v13, v16;
	v17 =	vperm.xlane v9, v2;
	v10 =	vadd.f32 v10, v60  }
0x232: {  	v13 =	vmul.f32 v14, v7;
	s30 =	smov.u32 @p0 s16;
	s19 =	spop (v2sf);
	v15 =	vadd.f32 v15, v8  }
0x233: {  	s20 =	sadd.s32 $0x500E, s18;
	s29 =	smov.u32 @p0 s2;
	v14 =	vperm.xlane v12, v1;
	v9 =	vadd.f32 v9, v17;
	p4 =	seq.f32 s19, s30;
	(v2sf) =	vpush v10, $0x0  }
0x234: {  	p5 =	slt.s32 s20, s29;
	v11 =	vmul.f32 v11, v6  }
0x235: {  	v8 =	vld [tilespmem:s1+$0x130];
	p6 =	sgt.f32 s19, s30;
	v17 =	vadd.f32 v12, v14;
	v12 =	vperm.xlane v15, v0;
	v10 =	vperm.xlane v9, v3;
	p0 =	por !p5, !p4  }
0x236: {  	v62 =	vmul.f32 v61, v4;
	v16 =	vmul.f32 v59, v5;
	v14 =	vld [tilespmem:s1+$0x110];
	p0 =	por !p0, !p0;
	v11 =	vadd.f32 v13, v11  }
0x237: {  	v13 =	vadd.f32 v15, v12;
	v12 =	vld [tilespmem:s1+$0x120];
	v10 =	vadd.f32 v9, v10;
	p0 =	por p6, p0  }
0x238: {  	s2 =	simm.s32 $0x0;
	s16 =	simm.s32 $0x8;
	v16 =	vadd.f32 v16, v62;
	v63 =	vperm.xlane v17, v2;
	v9 =	vld [tilespmem:s1+$0x100];
	s30 =	smov.u32 @p0 s19  }
0x239: {  	s29 =	smov.u32 @p0 s20;
	s19 =	sadd.s32 $0x500F, s18;
	s20 =	spop (v2sf);
	(v2sf) =	vpush v10, $0x0  }
0x23a: {  	v15 =	vperm.xlane v13, v1;
	v11 =	vadd.f32 v11, v16;
	p2 =	slt.s32 s19, s29;
	v10 =	vadd.f32 v17, v63;
	p1 =	sgt.f32 s20, s30;
	p3 =	seq.f32 s20, s30  }
.LBB2_10:
0x23b: {  	v14 =	vmul.f32 v14, v5;
	v8 =	vmul.f32 v8, v7;
	v16 =	vld [tilespmem:s1+$0x1B0];
	s23 =	smov.u32 s16;
	s16 =	sadd.s32 $0x8, s16  }
0x23c: {  	p0 =	slt.u32 s16, $0x138;
	v17 =	vperm.xlane v10, v3;
	v13 =	vadd.f32 v13, v15;
	v15 =	vperm.xlane v11, v0;
	v18 =	vld [tilespmem:s1+$0x1A0];
	s24 =	spop (v2sf);
	p2 =	por !p2, !p3  }
0x23d: {  	s18 =	sadd.s32 s2, s31;
	v9 =	vmul.f32 v9, v4;
	s2 =	smov.u32 s23;
	v12 =	vmul.f32 v12, v6;
	v19 =	vld [tilespmem:s1+$0x190];
	p2 =	por !p2, !p2  }
0x23e: {  	s23 =	sadd.s32 $0x5008, s18;
	v10 =	vadd.f32 v10, v17;
	v17 =	vperm.xlane v13, v2;
	v11 =	vadd.f32 v11, v15;
	v15 =	vld [tilespmem:s1+$0x180];
	p1 =	por p1, p2  }
0x23f: {  	v9 =	vadd.f32 v14, v9;
	s1 =	sadd.s32 $0x400, s1;
	v8 =	vadd.f32 v8, v12;
	s30 =	smov.u32 @p1 s20;
	s29 =	smov.u32 @p1 s19  }
0x240: {  	v12 =	vld [tilespmem:s1+$0xFFFFFE00];
	p1 =	sgt.f32 s24, s30;
	p2 =	seq.f32 s24, s30;
	v13 =	vadd.f32 v13, v17;
	v14 =	vperm.xlane v11, v1;
	(v2sf) =	vpush v10, $0x0  }
0x241: {  	p3 =	slt.s32 s23, s29;
	v16 =	vmul.f32 v16, v7;
	v10 =	vld [tilespmem:s1+$0xFFFFFE30];
	v8 =	vadd.f32 v8, v9;
	v9 =	vmul.f32 v18, v6  }
0x242: {  	v17 =	vld [tilespmem:s1+$0xFFFFFE20];
	p2 =	por !p3, !p2;
	v18 =	vperm.xlane v13, v3;
	v11 =	vadd.f32 v11, v14;
	v14 =	vmul.f32 v19, v5;
	s19 =	spop (v2sf)  }
0x243: {  	v19 =	vld [tilespmem:s1+$0xFFFFFE10];
	p2 =	por !p2, !p2;
	v20 =	vperm.xlane v8, v0;
	v15 =	vmul.f32 v15, v4;
	v9 =	vadd.f32 v16, v9  }
0x244: {  	p1 =	por p1, p2;
	v13 =	vadd.f32 v13, v18;
	v16 =	vperm.xlane v11, v2  }
0x245: {  	s30 =	smov.u32 @p1 s24;
	s29 =	smov.u32 @p1 s23;
	v8 =	vadd.f32 v8, v20;
	v14 =	vadd.f32 v14, v15  }
0x246: {  	s20 =	sadd.s32 $0x5009, s18;
	v12 =	vmul.f32 v12, v4;
	v10 =	vmul.f32 v10, v7;
	v15 =	vld [tilespmem:s1+$0xFFFFFEB0];
	p1 =	sgt.f32 s19, s30;
	p2 =	seq.f32 s19, s30;
	(v2sf) =	vpush v13, $0x0  }
0x247: {  	p3 =	slt.s32 s20, s29;
	v11 =	vadd.f32 v11, v16;
	v13 =	vmul.f32 v17, v6;
	v17 =	vld [tilespmem:s1+$0xFFFFFEA0];
	v16 =	vperm.xlane v8, v1  }
0x248: {  	v9 =	vadd.f32 v9, v14;
	v18 =	vmul.f32 v19, v5;
	v19 =	vld [tilespmem:s1+$0xFFFFFE90];
	p2 =	por !p3, !p2;
	s23 =	spop (v2sf)  }
0x249: {  	v14 =	vperm.xlane v11, v3;
	v10 =	vadd.f32 v10, v13;
	v13 =	vld [tilespmem:s1+$0xFFFFFE80];
	p2 =	por !p2, !p2;
	v8 =	vadd.f32 v8, v16  }
0x24a: {  	s24 =	sadd.s32 $0x500A, s18;
	v16 =	vperm.xlane v9, v0;
	v12 =	vadd.f32 v18, v12;
	p1 =	por p1, p2  }
0x24b: {  	v11 =	vadd.f32 v11, v14;
	v15 =	vmul.f32 v15, v7;
	s30 =	smov.u32 @p1 s19;
	s29 =	smov.u32 @p1 s20;
	v14 =	vperm.xlane v8, v2  }
0x24c: {  	v9 =	vadd.f32 v9, v16;
	v10 =	vadd.f32 v10, v12;
	v12 =	vmul.f32 v17, v6;
	v17 =	vld [tilespmem:s1+$0xFFFFFF30];
	p1 =	sgt.f32 s23, s30;
	p2 =	seq.f32 s23, s30;
	p3 =	slt.s32 s24, s29  }
0x24d: {  	v16 =	vmul.f32 v19, v5;
	v18 =	vld [tilespmem:s1+$0xFFFFFF20];
	v8 =	vadd.f32 v8, v14;
	(v2sf) =	vpush v11, $0x0  }
0x24e: {  	v11 =	vperm.xlane v10, v0;
	v13 =	vmul.f32 v13, v4;
	v12 =	vadd.f32 v15, v12;
	v14 =	vld [tilespmem:s1+$0xFFFFFF10];
	p2 =	por !p3, !p2  }
0x24f: {  	v20 =	vperm.xlane v9, v1;
	v15 =	vld [tilespmem:s1+$0xFFFFFF00];
	p2 =	por !p2, !p2;
	v19 =	vperm.xlane v8, v3;
	s19 =	spop (v2sf)  }
0x250: {  	v10 =	vadd.f32 v10, v11;
	v11 =	vadd.f32 v16, v13;
	p1 =	por p1, p2  }
0x251: {  	s20 =	sadd.s32 $0x500B, s18;
	v9 =	vadd.f32 v9, v20;
	v13 =	vmul.f32 v17, v7;
	s30 =	smov.u32 @p1 s23;
	s29 =	smov.u32 @p1 s24;
	v8 =	vadd.f32 v8, v19  }
0x252: {  	v16 =	vperm.xlane v10, v1;
	v11 =	vadd.f32 v12, v11;
	v12 =	vmul.f32 v18, v6;
	v17 =	vld [tilespmem:s1+$0xFFFFFFB0];
	p1 =	sgt.f32 s19, s30;
	p2 =	seq.f32 s19, s30;
	p3 =	slt.s32 s20, s29  }
0x253: {  	v19 =	vperm.xlane v9, v2;
	v14 =	vmul.f32 v14, v5;
	v18 =	vld [tilespmem:s1+$0xFFFFFFA0];
	(v2sf) =	vpush v8, $0x0  }
0x254: {  	v8 =	vadd.f32 v10, v16;
	v10 =	vperm.xlane v11, v0;
	v15 =	vmul.f32 v15, v4;
	v16 =	vld [tilespmem:s1+$0xFFFFFF90];
	p2 =	por !p3, !p2  }
0x255: {  	v9 =	vadd.f32 v9, v19;
	v12 =	vadd.f32 v13, v12;
	v13 =	vld [tilespmem:s1+$0xFFFFFF80];
	p2 =	por !p2, !p2;
	s23 =	spop (v2sf)  }
0x256: {  	v19 =	vperm.xlane v8, v2;
	v10 =	vadd.f32 v11, v10;
	v11 =	vadd.f32 v14, v15;
	p1 =	por p1, p2  }
0x257: {  	v15 =	vperm.xlane v9, v3;
	v14 =	vmul.f32 v17, v7;
	s30 =	smov.u32 @p1 s19;
	s29 =	smov.u32 @p1 s20;
	s19 =	sadd.s32 $0x500C, s18  }
0x258: {  	v8 =	vadd.f32 v8, v19;
	v17 =	vperm.xlane v10, v1;
	v11 =	vadd.f32 v12, v11;
	v12 =	vld [tilespmem:s1+$0x30];
	p1 =	sgt.f32 s23, s30;
	p2 =	seq.f32 s23, s30;
	p3 =	slt.s32 s19, s29  }
0x259: {  	v18 =	vmul.f32 v18, v6;
	v9 =	vadd.f32 v9, v15;
	v16 =	vmul.f32 v16, v5;
	v19 =	vld [tilespmem:s1+$0x20]  }
0x25a: {  	v15 =	vperm.xlane v8, v3;
	v10 =	vadd.f32 v10, v17;
	v17 =	vperm.xlane v11, v0;
	v20 =	vld [tilespmem:s1+$0x10];
	p2 =	por !p3, !p2  }
0x25b: {  	v13 =	vmul.f32 v13, v4;
	v14 =	vadd.f32 v14, v18;
	v18 =	vld [tilespmem:s1+$0x0];
	p2 =	por !p2, !p2;
	(v2sf) =	vpush v9, $0x0  }
0x25c: {  	v8 =	vadd.f32 v8, v15;
	v9 =	vperm.xlane v10, v2;
	v11 =	vadd.f32 v11, v17;
	p1 =	por p1, p2;
	s20 =	spop (v2sf)  }
0x25d: {  	v13 =	vadd.f32 v16, v13;
	v12 =	vmul.f32 v12, v7;
	s30 =	smov.u32 @p1 s23;
	s29 =	smov.u32 @p1 s19;
	s19 =	sadd.s32 $0x500D, s18  }
0x25e: {  	v9 =	vadd.f32 v10, v9;
	v10 =	vperm.xlane v11, v1;
	(v2sf) =	vpush v8, $0x0;
	p1 =	sgt.f32 s20, s30;
	p2 =	seq.f32 s20, s30;
	p3 =	slt.s32 s19, s29  }
0x25f: {  	v8 =	vadd.f32 v14, v13;
	v14 =	vmul.f32 v19, v6;
	v13 =	vmul.f32 v20, v5;
	v15 =	vld [tilespmem:s1+$0xB0]  }
0x260: {  	v16 =	vperm.xlane v9, v3;
	v10 =	vadd.f32 v11, v10;
	v11 =	vmul.f32 v18, v4;
	v17 =	vld [tilespmem:s1+$0xA0];
	p2 =	por !p3, !p2  }
0x261: {  	v18 =	vperm.xlane v8, v0;
	v12 =	vadd.f32 v12, v14;
	v14 =	vld [tilespmem:s1+$0x90];
	p2 =	por !p2, !p2  }
0x262: {  	v9 =	vadd.f32 v9, v16;
	v16 =	vperm.xlane v10, v2;
	v11 =	vadd.f32 v13, v11;
	v13 =	vld [tilespmem:s1+$0x80];
	p1 =	por p1, p2;
	s23 =	spop (v2sf)  }
0x263: {  	v18 =	vadd.f32 v8, v18;
	s30 =	smov.u32 @p1 s20;
	s29 =	smov.u32 @p1 s19;
	s19 =	sadd.s32 $0x500E, s18  }
0x264: {  	v10 =	vadd.f32 v10, v16;
	v15 =	vmul.f32 v15, v7;
	(v2sf) =	vpush v9, $0x0;
	p1 =	sgt.f32 s23, s30;
	p2 =	seq.f32 s23, s30;
	p3 =	slt.s32 s19, s29  }
0x265: {  	v9 =	vperm.xlane v18, v1;
	v11 =	vadd.f32 v12, v11;
	v12 =	vmul.f32 v17, v6  }
0x266: {  	v16 =	vperm.xlane v10, v3;
	v17 =	vmul.f32 v14, v5;
	v8 =	vld [tilespmem:s1+$0x130];
	p2 =	por !p3, !p2  }
.Ltmp8:
0x267: {  	v18 =	vadd.f32 v18, v9;
	v19 =	vperm.xlane v11, v0;
	v20 =	vmul.f32 v13, v4;
	v14 =	vld [tilespmem:s1+$0x110];
	p2 =	por !p2, !p2;
	(pc) =	sbr.rel @p0 .LBB2_10-.Ltmp8, $4  }
0x268: {  	v10 =	vadd.f32 v10, v16;
	v16 =	vadd.f32 v15, v12;
	v9 =	vld [tilespmem:s1+$0x100];
	p1 =	por p1, p2  }
0x269: {  	v15 =	vperm.xlane v18, v2;
	v13 =	vadd.f32 v11, v19;
	v11 =	vadd.f32 v17, v20;
	v12 =	vld [tilespmem:s1+$0x120];
	s30 =	smov.u32 @p1 s23;
	s29 =	smov.u32 @p1 s19;
	s19 =	sadd.s32 $0x500F, s18  }
0x26a: {  	(v2sf) =	vpush v10, $0x0;
	p2 =	slt.s32 s19, s29;
	s20 =	spop (v2sf)  }
0x26b: {  	v10 =	vadd.f32 v18, v15;
	v15 =	vperm.xlane v13, v1;
	v11 =	vadd.f32 v16, v11;
	p1 =	sgt.f32 s20, s30;
	p3 =	seq.f32 s20, s30  }
0x26c: {  	_ = 	snop  }
0x26d: {  	v14 =	vmul.f32 v14, v5;
	v8 =	vmul.f32 v8, v7;
	p0 =	por !p2, !p3  }
0x26e: {  	v16 =	vld [tilespmem:s1+$0x1B0];
	v17 =	vperm.xlane v10, v3;
	v13 =	vadd.f32 v13, v15;
	v47 =	vperm.xlane v11, v0;
	p0 =	por !p0, !p0  }
0x26f: {  	v18 =	vld [tilespmem:s1+$0x1A0];
	v9 =	vmul.f32 v9, v4;
	v12 =	vmul.f32 v12, v6;
	p0 =	por p1, p0  }
0x270: {  	s2 =	sadd.s32 s2, s31;
	v19 =	vld [tilespmem:s1+$0x190];
	s16 =	spop (v2sf);
	v10 =	vadd.f32 v10, v17;
	v48 =	vperm.xlane v13, v2;
	v11 =	vadd.f32 v11, v47;
	s30 =	smov.u32 @p0 s20  }
0x271: {  	v49 =	vld [tilespmem:s1+$0x180];
	s18 =	sadd.s32 $0x5008, s2;
	v9 =	vadd.f32 v14, v9;
	v8 =	vadd.f32 v8, v12;
	s29 =	smov.u32 @p0 s19;
	p1 =	seq.f32 s16, s30  }
0x272: {  	v50 =	vadd.f32 v13, v48;
	p2 =	slt.s32 s18, s29  }
0x273: {  	p3 =	sgt.f32 s16, s30;
	v51 =	vperm.xlane v11, v1;
	(v2sf) =	vpush v10, $0x0;
	v8 =	vadd.f32 v8, v9;
	p0 =	por !p2, !p1  }
0x274: {  	v52 =	vmul.f32 v18, v6;
	v53 =	vmul.f32 v16, v7;
	p0 =	por !p0, !p0  }
0x275: {  	v54 =	vperm.xlane v50, v3;
	v11 =	vadd.f32 v11, v51;
	v55 =	vperm.xlane v8, v0;
	p0 =	por p3, p0  }
0x276: {  	v56 =	vmul.f32 v19, v5;
	v15 =	vmul.f32 v49, v4;
	s1 =	spop (v2sf);
	s30 =	smov.u32 @p0 s16  }
0x277: {  	v12 =	vadd.f32 v50, v54;
	v57 =	vperm.xlane v11, v2;
	s29 =	smov.u32 @p0 s18;
	v8 =	vadd.f32 v8, v55;
	s16 =	sadd.s32 $0x5009, s2;
	p4 =	seq.f32 s1, s30  }
0x278: {  	v9 =	vadd.f32 v53, v52;
	v58 =	vadd.f32 v56, v15;
	p5 =	slt.s32 s16, s29  }
0x279: {  	p6 =	sgt.f32 s1, s30;
	(v2sf) =	vpush v12, $0x0;
	v11 =	vadd.f32 v11, v57;
	v59 =	vperm.xlane v8, v1;
	p0 =	por !p5, !p4  }
0x27a: {  	v9 =	vadd.f32 v9, v58;
	p0 =	por !p0, !p0  }
0x27b: {  	v60 =	vperm.xlane v11, v3;
	v8 =	vadd.f32 v8, v59;
	p0 =	por p6, p0  }
0x27c: {  	v61 =	vperm.xlane v9, v0;
	s18 =	spop (v2sf);
	s30 =	smov.u32 @p0 s1  }
0x27d: {  	v10 =	vadd.f32 v11, v60;
	s1 =	sadd.s32 $0x500A, s2;
	s29 =	smov.u32 @p0 s16;
	v62 =	vperm.xlane v8, v2;
	p1 =	seq.f32 s18, s30  }
0x27e: {  	v9 =	vadd.f32 v9, v61;
	p2 =	slt.s32 s1, s29  }
0x27f: {  	p3 =	sgt.f32 s18, s30;
	(v2sf) =	vpush v10, $0x0;
	v8 =	vadd.f32 v8, v62;
	p0 =	por !p2, !p1  }
0x280: {  	v63 =	vperm.xlane v9, v1;
	p0 =	por !p0, !p0  }
0x281: {  	v11 =	vperm.xlane v8, v3;
	p0 =	por p3, p0  }
0x282: {  	v9 =	vadd.f32 v9, v63;
	s16 =	spop (v2sf);
	s30 =	smov.u32 @p0 s18  }
0x283: {  	s29 =	smov.u32 @p0 s1;
	s1 =	sadd.s32 $0x500B, s2;
	v8 =	vadd.f32 v8, v11;
	p4 =	seq.f32 s16, s30  }
0x284: {  	v10 =	vperm.xlane v9, v2;
	p5 =	slt.s32 s1, s29  }
0x285: {  	p6 =	sgt.f32 s16, s30;
	(v2sf) =	vpush v8, $0x0;
	p0 =	por !p5, !p4  }
0x286: {  	v8 =	vadd.f32 v9, v10;
	p0 =	por !p0, !p0  }
0x287: {  	p0 =	por p6, p0  }
0x288: {  	s18 =	spop (v2sf);
	v9 =	vperm.xlane v8, v3;
	s30 =	smov.u32 @p0 s16  }
0x289: {  	s29 =	smov.u32 @p0 s1;
	s1 =	sadd.s32 $0x500C, s2;
	p1 =	seq.f32 s18, s30  }
0x28a: {  	v8 =	vadd.f32 v8, v9;
	p2 =	slt.s32 s1, s29  }
0x28b: {  	p3 =	sgt.f32 s18, s30;
	p0 =	por !p2, !p1  }
0x28c: {  	(v2sf) =	vpush v8, $0x0;
	p0 =	por !p0, !p0  }
0x28d: {  	p0 =	por p3, p0  }
0x28e: {  	s16 =	spop (v2sf);
	s30 =	smov.u32 @p0 s18  }
0x28f: {  	s29 =	smov.u32 @p0 s1;
	s1 =	sadd.s32 $0x500D, s2;
	p4 =	seq.f32 s16, s30  }
0x290: {  	p5 =	slt.s32 s1, s29  }
0x291: {  	p6 =	sgt.f32 s16, s30;
	p0 =	por !p5, !p4  }
0x292: {  	p0 =	por !p0, !p0  }
0x293: {  	p0 =	por p6, p0  }
0x294: {  	s18 =	spop (v2sf);
	s30 =	smov.u32 @p0 s16  }
0x295: {  	s29 =	smov.u32 @p0 s1;
	s1 =	sadd.s32 $0x500E, s2;
	p1 =	seq.f32 s18, s30  }
0x296: {  	p2 =	slt.s32 s1, s29  }
0x297: {  	p3 =	sgt.f32 s18, s30;
	p0 =	por !p2, !p1  }
0x298: {  	p0 =	por !p0, !p0  }
0x299: {  	s3 =	sadd.s32 $0x5, s3;
	p0 =	por p3, p0  }
0x29a: {  	s30 =	smov.u32 @p0 s18;
	s29 =	smov.u32 @p0 s1;
	p0 =	sgt.u32 s3, s7  }
0x29b: {  	s1 =	spop (v2sf);
	s3 =	sshll.u32 @!p0 s3, $0x5  }
0x29c: {  	s2 =	sadd.s32 $0x500F, s2;
	p4 =	seq.f32 s1, s30;
	s3 =	sor.u32 @!p0 s5, s3  }
0x29d: {  	p5 =	slt.s32 s2, s29;
	p6 =	sgt.f32 s1, s30;
	s3 =	smul.u32 @!p0 $0x1400, s3  }
.Ltmp9:
0x29e: {  	s16 =	simm.s32 @!p0 $0x0;
	p1 =	por !p5, !p4;
	(pc) =	sbr.rel .LBB2_12-.Ltmp9, $4  }
0x29f: {  	s18 =	simm.s32 @!p0 $0x14000;
	p1 =	por !p1, !p1;
	s3 =	sadd.s32 @!p0 s6, s3  }
0x2a0: {  	[tilespmem:s18], [sflag:$0x3] =	stream.linear.gather @!p0 [hbm4b:s3+s16], $0xA000, $0x38;
	[tilespmem:$0x1F100] =	vst v63  }
0x2a1: {  	p0 =	por p6, p1  }
0x2a2: {  	s30 =	smov.u32 @p0 s1;
	s29 =	smov.u32 @p0 s2  }
.LBB2_14:
0x2a3: {  	_ =	sfence.sel $0x180000  }
0x2a4: {  	[bflag:$0x0] =	sbarrier.arrive $0xFFFF  }
0x2a5: {  	_ =	strace $0x90000047  }
0x2a6: {  	s0 =	stileid.u32;
	[bflag:$0x2] =	sbarrier.arrive $0xFFFF  }
0x2a7: {  	p0 =	sne.s32 s0, $0x0;
	s0 =	rddreg [dreg:$0x3]  }
0x2a8: {  	s0 =	sadd.s32 @!p0 $0x100000, s0  }
0x2a9: {  	[sflag:s0] =	ssyncadd.tile.s32 @!p0 $0x1;
	_ =	shalt  }
.Lfunc_end2:
_tile_overlayer_lowered:
.L_overlay_start_2:
0x2aa: {  	(tag) =	ssettag $0x2  }
0x2ab: {  	s0 =	rddreg [dreg:$0x0];
	s2 =	stileid.u32  }
0x2ac: {  	s1 =	rddreg [dreg:$0x1];
	p0 =	sne.s32 s2, $0x0  }
0x2ad: {  	s3 =	rddreg [dreg:$0x2];
	[bflag:$0x3] =	sbarrier.arrive $0xFFFF;
	s2 =	simm.s32 @!p0 $0x1C04  }
0x2ae: {  	[timem:s3], [sflag:s2] =	dma.local @!p0 [hbm:s0], s1  }
0x2af: {  	s0 =	simm.s32 @!p0 $0x4  }
0x2b0: {  	_ =	swait.ge @!p0 [sflag:s0], s1  }
0x2b1: {  	s1 =	ssub.s32 @!p0 $0x0, s1;
	[sflag:s0] =	ssyncset.done @!p0 $0x0  }
0x2b2: {  	[sflag:s0] =	ssyncadd.s32 @!p0 s1  }
0x2b3: {  	[bflag:$0x3] =	sbarrier.arrive $0xFFFF  }
0x2b4: {  	_ =	shalt  }

</sc_bundles>
